<compile_context>
chip_gen: v7x
topology: tpu7x:2x2x1
jax: 0.10.2.dev20260603
libtpu: 0.0.44.dev20260713+nightly
codegen_flags: <defaults>
</compile_context>

<pallas_src>
import functools

import jax
import jax.numpy as jnp
from jax import lax
from jax.experimental import pallas as pl
from jax.experimental.pallas import tpu as pltpu
from jax.experimental.pallas import tpu_sc as plsc

NC, NS, L = 2, 16, 16
NW = NC * NS
CHUNK = 125
DEGW = 8
IB = 8


def _sc_aggregate(x, e4, n_nodes, d_feat, n_chunks):
    rpt = (n_nodes // NS) & ~7
    tail = n_nodes - NS * rpt
    assert tail % 8 == 0 and tail <= rpt
    assert n_chunks % IB == 0
    mesh = plsc.VectorSubcoreMesh(core_axis_name="c", subcore_axis_name="s")

    zacc = jnp.zeros((rpt, d_feat), jnp.float32)
    zdeg = jnp.zeros((rpt, DEGW), jnp.float32)
    ones8 = jnp.ones((CHUNK, DEGW), jnp.float32)

    @functools.partial(
        pl.kernel,
        mesh=mesh,
        out_type=[
            pltpu.HBM((NC, n_nodes, d_feat), jnp.float32),
            pltpu.HBM((NC, n_nodes, DEGW), jnp.float32),
        ],
        scratch_types=[
            pltpu.VMEM((2, IB, CHUNK), jnp.int32),
            pltpu.VMEM((2, IB, CHUNK), jnp.int32),
            pltpu.VMEM((CHUNK, d_feat), jnp.float32),
            pltpu.VMEM((CHUNK, d_feat), jnp.float32),
            pltpu.VMEM((CHUNK, DEGW), jnp.float32),
            pltpu.VMEM_SHARED((n_nodes, d_feat), jnp.float32),
            pltpu.VMEM_SHARED((n_nodes, DEGW), jnp.float32),
            pltpu.SemaphoreType.DMA,
            pltpu.SemaphoreType.DMA,
            pltpu.SemaphoreType.DMA,
        ],
        compiler_params=pltpu.CompilerParams(use_tc_tiling_on_sc=False),
    )
    def agg_kernel(x_hbm, e_hbm, zacc_hbm, zdeg_hbm, ones_hbm,
                   acc_out, deg_out,
                   src_v, dst_v, rows_a, rows_b, ones_v, acc_s, deg_s,
                   sem_a, sem_b, isem):
        src_hbm = e_hbm.at[0]
        dst_hbm = e_hbm.at[1]
        cid = lax.axis_index("c")
        sid = lax.axis_index("s")
        wid = sid * NC + cid
        base = sid * rpt

        pltpu.sync_copy(ones_hbm, ones_v)

        pltpu.sync_copy(zacc_hbm, acc_s.at[pl.ds(base, rpt)])
        pltpu.sync_copy(zdeg_hbm, deg_s.at[pl.ds(base, rpt)])

        @pl.when(sid == NS - 1)
        def _zero_tail():
            pltpu.sync_copy(zacc_hbm.at[pl.ds(0, tail)],
                            acc_s.at[pl.ds(NS * rpt, tail)])
            pltpu.sync_copy(zdeg_hbm.at[pl.ds(0, tail)],
                            deg_s.at[pl.ds(NS * rpt, tail)])
        plsc.subcore_barrier()

        bufs = [(rows_a, sem_a), (rows_b, sem_b)]
        n_blocks = n_chunks // IB

        pltpu.sync_copy(src_hbm.at[wid, pl.ds(0, IB)], src_v.at[0])
        pltpu.sync_copy(dst_hbm.at[wid, pl.ds(0, IB)], dst_v.at[0])
        if n_blocks > 1:
            pltpu.async_copy(src_hbm.at[wid, pl.ds(IB, IB)],
                             src_v.at[1], isem)
            pltpu.async_copy(dst_hbm.at[wid, pl.ds(IB, IB)],
                             dst_v.at[1], isem)
        pltpu.async_copy(x_hbm.at[src_v.at[0, 0]], rows_a, sem_a)

        def block_body(b, _):
            pid = lax.rem(b, 2)
            nid = 1 - pid
            for o in range(IB):
                rows_c, sem_c = bufs[o % 2]
                rows_n, sem_n = bufs[(o + 1) % 2]
                if o + 1 < IB:
                    pltpu.async_copy(x_hbm.at[src_v.at[pid, o + 1]],
                                     rows_n, sem_n)
                else:
                    @pl.when(b + 1 < n_blocks)
                    def _bridge():
                        pltpu.make_async_copy(
                            src_hbm.at[wid, pl.ds((b + 1) * IB, IB)],
                            src_v.at[nid], isem).wait()
                        pltpu.make_async_copy(
                            dst_hbm.at[wid, pl.ds((b + 1) * IB, IB)],
                            dst_v.at[nid], isem).wait()
                        pltpu.async_copy(x_hbm.at[src_v.at[nid, 0]],
                                         rows_n, sem_n)
                pltpu.make_async_copy(x_hbm.at[src_v.at[pid, o]],
                                      rows_c, sem_c).wait()
                pltpu.sync_copy(rows_c, acc_s.at[dst_v.at[pid, o]],
                                add=True)
                pltpu.sync_copy(ones_v, deg_s.at[dst_v.at[pid, o]],
                                add=True)
                if o == IB - 1:
                    @pl.when(b + 2 < n_blocks)
                    def _prefetch_ids():
                        pltpu.async_copy(
                            src_hbm.at[wid, pl.ds((b + 2) * IB, IB)],
                            src_v.at[pid], isem)
                        pltpu.async_copy(
                            dst_hbm.at[wid, pl.ds((b + 2) * IB, IB)],
                            dst_v.at[pid], isem)
            return 0
        lax.fori_loop(0, n_blocks, block_body, 0)
        plsc.subcore_barrier()

        pltpu.sync_copy(acc_s.at[pl.ds(base, rpt)],
                        acc_out.at[cid, pl.ds(base, rpt)])
        pltpu.sync_copy(deg_s.at[pl.ds(base, rpt)],
                        deg_out.at[cid, pl.ds(base, rpt)])

        @pl.when(sid == NS - 1)
        def _read_tail():
            pltpu.sync_copy(acc_s.at[pl.ds(NS * rpt, tail)],
                            acc_out.at[cid, pl.ds(NS * rpt, tail)])
            pltpu.sync_copy(deg_s.at[pl.ds(NS * rpt, tail)],
                            deg_out.at[cid, pl.ds(NS * rpt, tail)])

    return agg_kernel(x, e4, zacc, zdeg, ones8)


def _tc_fused(glo, ghi, acc2, deg2, x, batch3, wcat, bl2, wlin_t, blin2,
              n_nodes, d_feat, h_feat, f_out, n_graphs, blk):
    nsteps = n_nodes // blk
    two_h = 2 * h_feat

    def body(glo_ref, ghi_ref, acc_ref, deg_ref, x_ref, batch_ref,
             wcat_ref, bl_ref, wlin_ref, blin_ref, out_ref,
             max_s, sum_s, cnt_s):
        i = pl.program_id(0)

        @pl.when(i == 0)
        def _init():
            max_s[...] = jnp.full((n_graphs, h_feat), -jnp.inf, jnp.float32)
            sum_s[...] = jnp.zeros((n_graphs, h_feat), jnp.float32)
            cnt_s[...] = jnp.zeros((n_graphs, 1), jnp.float32)

        a = acc_ref[0] + acc_ref[1]
        d = deg_ref[0, :, 0:1] + deg_ref[1, :, 0:1]
        agg = a / jnp.maximum(d, 1.0)
        cat = jnp.concatenate([agg, x_ref[...]], axis=1)
        h = lax.dot_general(cat, wcat_ref[...], (((1,), (0,)), ((), ())),
                            preferred_element_type=jnp.float32)
        h = jnp.maximum(h + bl_ref[...], 0.0)

        b2 = batch_ref[0]
        gids = lax.broadcasted_iota(jnp.int32, (1, n_graphs), 1)
        onehot = (b2 == gids).astype(jnp.float32)
        sum_s[...] += lax.dot_general(onehot, h, (((0,), (0,)), ((), ())),
                                      preferred_element_type=jnp.float32)
        ones_col = jnp.ones((blk, 1), jnp.float32)
        cnt_s[...] += lax.dot_general(onehot, ones_col,
                                      (((0,), (0,)), ((), ())),
                                      preferred_element_type=jnp.float32)

        lo = glo_ref[0, 0, 0]
        hi = ghi_ref[0, 0, 0]
        for g in range(n_graphs):
            @pl.when(jnp.logical_and(g >= lo, g <= hi))
            def _masked_max(g=g):
                mg = b2 == g
                hb = jnp.where(mg, h, -jnp.inf)
                mx = jnp.max(hb, axis=0, keepdims=True)
                max_s[g:g + 1, :] = jnp.maximum(max_s[g:g + 1, :], mx)

        @pl.when(i == nsteps - 1)
        def _final():
            xm = max_s[...]
            xm = jnp.where(jnp.isfinite(xm), xm, 0.0)
            mean = sum_s[...] / jnp.maximum(cnt_s[...], 1.0)
            pooled = jnp.concatenate([xm, mean], axis=1)
            out_ref[...] = lax.dot_general(
                pooled, wlin_ref[...], (((1,), (0,)), ((), ())),
                preferred_element_type=jnp.float32) + blin_ref[...]

    return pl.pallas_call(
        body,
        grid=(nsteps,),
        in_specs=[
            pl.BlockSpec((1, 1, 1), lambda i: (i, 0, 0),
                         memory_space=pltpu.SMEM),
            pl.BlockSpec((1, 1, 1), lambda i: (i, 0, 0),
                         memory_space=pltpu.SMEM),
            pl.BlockSpec((NC, blk, d_feat), lambda i: (0, i, 0)),
            pl.BlockSpec((NC, blk, DEGW), lambda i: (0, i, 0)),
            pl.BlockSpec((blk, d_feat), lambda i: (i, 0)),
            pl.BlockSpec((1, blk, 1), lambda i: (i, 0, 0)),
            pl.BlockSpec((two_h, h_feat), lambda i: (0, 0)),
            pl.BlockSpec((1, h_feat), lambda i: (0, 0)),
            pl.BlockSpec((two_h, f_out), lambda i: (0, 0)),
            pl.BlockSpec((1, f_out), lambda i: (0, 0)),
        ],
        out_specs=pl.BlockSpec((n_graphs, f_out), lambda i: (0, 0)),
        out_shape=jax.ShapeDtypeStruct((n_graphs, f_out), jnp.float32),
        scratch_shapes=[
            pltpu.VMEM((n_graphs, h_feat), jnp.float32),
            pltpu.VMEM((n_graphs, h_feat), jnp.float32),
            pltpu.VMEM((n_graphs, 1), jnp.float32),
        ],
        compiler_params=pltpu.CompilerParams(
            dimension_semantics=("arbitrary",)),
    )(glo, ghi, acc2, deg2, x, batch3, wcat, bl2, wlin_t, blin2)


def kernel(x, edge_index, batch, W_l, b_l, W_r, W_lin, b_lin):
    n_nodes, d_feat = x.shape
    n_edges = edge_index.shape[1]
    h_feat = W_l.shape[0]
    f_out = W_lin.shape[0]
    n_graphs = 64
    n_chunks = n_edges // (NW * CHUNK)

    e4 = edge_index.reshape(2, NW, n_chunks, CHUNK)

    acc2, deg2 = _sc_aggregate(x, e4, n_nodes, d_feat, n_chunks)

    blk = 1000
    batch2 = batch.astype(jnp.int32).reshape(n_nodes // blk, blk)
    batch3 = batch2.reshape(n_nodes // blk, blk, 1)
    glo = batch2[:, 0:1].reshape(-1, 1, 1)
    ghi = batch2[:, blk - 1:blk].reshape(-1, 1, 1)
    wcat = jnp.concatenate([W_l, W_r], axis=1).T
    wlin_t = W_lin.T
    bl2 = b_l.reshape(1, h_feat)
    blin2 = b_lin.reshape(1, f_out)

    return _tc_fused(glo, ghi, acc2, deg2, x, batch3, wcat, bl2,
                     wlin_t, blin2,
                     n_nodes, d_feat, h_feat, f_out, n_graphs, blk)

# --- scband reference (transcript-rebuilt; emitter-appended) ---
"""Pipeline reference for scband-gcn-5995774345967 (READ-ONLY COPY).

The authoritative reference and input builder live on the scoring server;
editing this copy changes nothing except your own understanding.
"""

import jax, jax.numpy as jnp
import numpy as np

N = 10000
E = 320000
D = 128
H = 128
F_OUT = 128
G = 64


def setup_inputs(seed: int = 0) -> dict:
    key = jax.random.key(seed)
    k1, k2, k3, k4, k5, k6, k7, k8 = jax.random.split(key, 8)
    x = jax.random.normal(k1, (N, D), dtype=jnp.float32)
    edge_index = jax.random.randint(k2, (2, E), 0, N)
    batch = jnp.sort(jax.random.randint(k3, (N,), 0, G))
    # SAGEConv params: lin_l applied to aggregated neighbors (has bias), lin_r to root (no bias)
    W_l = jax.random.normal(k4, (H, D), dtype=jnp.float32) / np.sqrt(D)
    b_l = jnp.zeros((H,), dtype=jnp.float32)
    W_r = jax.random.normal(k5, (H, D), dtype=jnp.float32) / np.sqrt(D)
    # final linear: [final_layer_size, 2*hidden_channels]
    W_lin = jax.random.normal(k6, (F_OUT, 2 * H), dtype=jnp.float32) / np.sqrt(2 * H)
    b_lin = jnp.zeros((F_OUT,), dtype=jnp.float32)
    return {"x": x, "edge_index": edge_index, "batch": batch,
            "W_l": W_l, "b_l": b_l, "W_r": W_r, "W_lin": W_lin, "b_lin": b_lin}


def reference(x, edge_index, batch, W_l, b_l, W_r, W_lin, b_lin):
    n_nodes = x.shape[0]
    src = edge_index[0]
    dst = edge_index[1]
    # SAGEConv with mean aggregation: out = lin_l(mean_j x_j) + lin_r(x_i)
    msgs = jnp.take(x, src, axis=0)
    agg_sum = jax.ops.segment_sum(msgs, dst, num_segments=n_nodes)
    deg = jax.ops.segment_sum(jnp.ones((src.shape[0],), dtype=x.dtype), dst, num_segments=n_nodes)
    agg = agg_sum / jnp.maximum(deg, 1.0)[:, None]
    h = agg @ W_l.T + b_l + x @ W_r.T
    h = jax.nn.relu(h)
    # global max pool and mean pool over graph ids
    x_max = jax.ops.segment_max(h, batch, num_segments=G)
    x_max = jnp.where(jnp.isfinite(x_max), x_max, 0.0)
    seg_sum = jax.ops.segment_sum(h, batch, num_segments=G)
    counts = jax.ops.segment_sum(jnp.ones((h.shape[0],), dtype=h.dtype), batch, num_segments=G)
    x_mean = seg_sum / jnp.maximum(counts, 1.0)[:, None]
    pooled = jnp.concatenate([x_max, x_mean], axis=1)
    # dropout p=0.5 is identity in eval mode
    out = pooled @ W_lin.T + b_lin
    return out

if __name__ == "__main__":
    import jax
    _d = setup_inputs()
    print(jax.jit(kernel)(*tuple(_d.values())))

</pallas_src>

<mosaic_0001>
#map = affine_map<(d0, d1) -> (0, 0)>
#map1 = affine_map<(d0, d1) -> (0, 0, 0, 0)>
#map2 = affine_map<(d0, d1) -> (0, 0, 0)>
module attributes {stable_mosaic.version = 14 : i64} {
  func.func @agg_kernel(%arg0: i32, %arg1: i32, %arg2: memref<10000x128xf32, #tpu.memory_space<hbm>>, %arg3: memref<2x32x80x125xi32, #tpu.memory_space<hbm>>, %arg4: memref<624x128xf32, #tpu.memory_space<hbm>>, %arg5: memref<624x8xf32, #tpu.memory_space<hbm>>, %arg6: memref<125x8xf32, #tpu.memory_space<hbm>>, %arg7: memref<2x10000x128xf32, #tpu.memory_space<hbm>>, %arg8: memref<2x10000x8xf32, #tpu.memory_space<hbm>>, %arg9: memref<2x8x125xi32, #tpu.memory_space<vmem>>, %arg10: memref<2x8x125xi32, #tpu.memory_space<vmem>>, %arg11: memref<125x128xf32, #tpu.memory_space<vmem>>, %arg12: memref<125x128xf32, #tpu.memory_space<vmem>>, %arg13: memref<125x8xf32, #tpu.memory_space<vmem>>, %arg14: memref<10000x128xf32, #tpu.memory_space<vmem_shared>>, %arg15: memref<10000x8xf32, #tpu.memory_space<vmem_shared>>, %arg16: memref<!tpu.dma_semaphore, #tpu.memory_space<semaphore_mem>>, %arg17: memref<!tpu.dma_semaphore, #tpu.memory_space<semaphore_mem>>, %arg18: memref<!tpu.dma_semaphore, #tpu.memory_space<semaphore_mem>>) attributes {dimension_semantics = [#tpu.dimension_semantics<core_parallel>, #tpu.dimension_semantics<subcore_parallel>], iteration_bounds = array<i64: 2, 16>, scalar_prefetch = 0 : i64, scratch_operands = 10 : i64, tpu.core_type = #tpu.core_type<sc_vector_subcore>, window_params = [{transform_indices = #map}, {transform_indices = #map1}, {transform_indices = #map}, {transform_indices = #map}, {transform_indices = #map}, {transform_indices = #map2}, {transform_indices = #map2}]} {
    %mul3A = arith.constant 2 : i32
    %mul3A_0 = arith.muli %arg1, %mul3A : i32
    %add3A = arith.addi %mul3A_0, %arg0 : i32
    %mul3A_1 = arith.constant 624 : i32
    %mul3A_2 = arith.muli %arg1, %mul3A_1 : i32
    "tpu.region"() ({
      %run_scoped3A_85 = tpu.sem_alloc : memref<!tpu.dma_semaphore, #tpu.memory_space<semaphore_mem>>
      tpu.enqueue_dma source(%arg6 : memref<125x8xf32, #tpu.memory_space<hbm>>) target(%arg13 : memref<125x8xf32, #tpu.memory_space<vmem>>) target_semaphore(%run_scoped3A_85 : memref<!tpu.dma_semaphore, #tpu.memory_space<semaphore_mem>>)
      tpu.wait_dma2 semaphore(%run_scoped3A_85 : memref<!tpu.dma_semaphore, #tpu.memory_space<semaphore_mem>>) src(%arg6 : memref<125x8xf32, #tpu.memory_space<hbm>>) dst(%arg13 : memref<125x8xf32, #tpu.memory_space<vmem>>)
      tpu.yield
    }) : () -> ()
    "tpu.region"() ({
      %run_scoped3A_85 = tpu.sem_alloc : memref<!tpu.dma_semaphore, #tpu.memory_space<semaphore_mem>>
      %dma_start3A_86 = arith.constant 0 : i32
      %dma_start3A_87 = tpu.memref_slice %arg14[%mul3A_2, %dma_start3A_86] : memref<10000x128xf32, #tpu.memory_space<vmem_shared>> -> memref<624x128xf32, #tpu.memory_space<vmem_shared>>
      tpu.enqueue_dma source(%arg4 : memref<624x128xf32, #tpu.memory_space<hbm>>) target(%dma_start3A_87 : memref<624x128xf32, #tpu.memory_space<vmem_shared>>) target_semaphore(%run_scoped3A_85 : memref<!tpu.dma_semaphore, #tpu.memory_space<semaphore_mem>>)
      %dma_wait3A = arith.constant 0 : i32
      %dma_wait3A_88 = tpu.memref_slice %arg14[%mul3A_2, %dma_wait3A] : memref<10000x128xf32, #tpu.memory_space<vmem_shared>> -> memref<624x128xf32, #tpu.memory_space<vmem_shared>>
      tpu.wait_dma2 semaphore(%run_scoped3A_85 : memref<!tpu.dma_semaphore, #tpu.memory_space<semaphore_mem>>) src(%arg4 : memref<624x128xf32, #tpu.memory_space<hbm>>) dst(%dma_wait3A_88 : memref<624x128xf32, #tpu.memory_space<vmem_shared>>)
      tpu.yield
    }) : () -> ()
    "tpu.region"() ({
      %run_scoped3A_85 = tpu.sem_alloc : memref<!tpu.dma_semaphore, #tpu.memory_space<semaphore_mem>>
      %dma_start3A_86 = arith.constant 0 : i32
      %dma_start3A_87 = tpu.memref_slice %arg15[%mul3A_2, %dma_start3A_86] : memref<10000x8xf32, #tpu.memory_space<vmem_shared>> -> memref<624x8xf32, #tpu.memory_space<vmem_shared>>
      tpu.enqueue_dma source(%arg5 : memref<624x8xf32, #tpu.memory_space<hbm>>) target(%dma_start3A_87 : memref<624x8xf32, #tpu.memory_space<vmem_shared>>) target_semaphore(%run_scoped3A_85 : memref<!tpu.dma_semaphore, #tpu.memory_space<semaphore_mem>>)
      %dma_wait3A = arith.constant 0 : i32
      %dma_wait3A_88 = tpu.memref_slice %arg15[%mul3A_2, %dma_wait3A] : memref<10000x8xf32, #tpu.memory_space<vmem_shared>> -> memref<624x8xf32, #tpu.memory_space<vmem_shared>>
      tpu.wait_dma2 semaphore(%run_scoped3A_85 : memref<!tpu.dma_semaphore, #tpu.memory_space<semaphore_mem>>) src(%arg5 : memref<624x8xf32, #tpu.memory_space<hbm>>) dst(%dma_wait3A_88 : memref<624x8xf32, #tpu.memory_space<vmem_shared>>)
      tpu.yield
    }) : () -> ()
    %eq3A = arith.constant 15 : i32
    %eq3A_3 = arith.cmpi eq, %arg1, %eq3A : i32
    %convert_element_type3A = arith.extui %eq3A_3 : i1 to i32
    %cond3A = arith.constant 0 : i32
    %cond3A_4 = arith.cmpi ne, %convert_element_type3A, %cond3A : i32
    scf.if %cond3A_4 {
      "tpu.region"() ({
        %run_scoped3A_85 = tpu.sem_alloc : memref<!tpu.dma_semaphore, #tpu.memory_space<semaphore_mem>>
        %dma_start3A_86 = arith.constant 9984 : i32
        %dma_start3A_87 = arith.constant 0 : i32
        %dma_start3A_88 = tpu.memref_slice %arg14[%dma_start3A_86, %dma_start3A_87] : memref<10000x128xf32, #tpu.memory_space<vmem_shared>> -> memref<16x128xf32, #tpu.memory_space<vmem_shared>>
        %dma_start3A_89 = arith.constant 0 : i32
        %dma_start3A_90 = arith.constant 0 : i32
        %dma_start3A_91 = tpu.memref_slice %arg4[%dma_start3A_89, %dma_start3A_90] : memref<624x128xf32, #tpu.memory_space<hbm>> -> memref<16x128xf32, #tpu.memory_space<hbm>>
        tpu.enqueue_dma source(%dma_start3A_91 : memref<16x128xf32, #tpu.memory_space<hbm>>) target(%dma_start3A_88 : memref<16x128xf32, #tpu.memory_space<vmem_shared>>) target_semaphore(%run_scoped3A_85 : memref<!tpu.dma_semaphore, #tpu.memory_space<semaphore_mem>>)
        %dma_wait3A = arith.constant 9984 : i32
        %dma_wait3A_92 = arith.constant 0 : i32
        %dma_wait3A_93 = tpu.memref_slice %arg14[%dma_wait3A, %dma_wait3A_92] : memref<10000x128xf32, #tpu.memory_space<vmem_shared>> -> memref<16x128xf32, #tpu.memory_space<vmem_shared>>
        %dma_wait3A_94 = arith.constant 0 : i32
        %dma_wait3A_95 = arith.constant 0 : i32
        %dma_wait3A_96 = tpu.memref_slice %arg4[%dma_wait3A_94, %dma_wait3A_95] : memref<624x128xf32, #tpu.memory_space<hbm>> -> memref<16x128xf32, #tpu.memory_space<hbm>>
        tpu.wait_dma2 semaphore(%run_scoped3A_85 : memref<!tpu.dma_semaphore, #tpu.memory_space<semaphore_mem>>) src(%dma_wait3A_96 : memref<16x128xf32, #tpu.memory_space<hbm>>) dst(%dma_wait3A_93 : memref<16x128xf32, #tpu.memory_space<vmem_shared>>)
        tpu.yield
      }) : () -> ()
      "tpu.region"() ({
        %run_scoped3A_85 = tpu.sem_alloc : memref<!tpu.dma_semaphore, #tpu.memory_space<semaphore_mem>>
        %dma_start3A_86 = arith.constant 9984 : i32
        %dma_start3A_87 = arith.constant 0 : i32
        %dma_start3A_88 = tpu.memref_slice %arg15[%dma_start3A_86, %dma_start3A_87] : memref<10000x8xf32, #tpu.memory_space<vmem_shared>> -> memref<16x8xf32, #tpu.memory_space<vmem_shared>>
        %dma_start3A_89 = arith.constant 0 : i32
        %dma_start3A_90 = arith.constant 0 : i32
        %dma_start3A_91 = tpu.memref_slice %arg5[%dma_start3A_89, %dma_start3A_90] : memref<624x8xf32, #tpu.memory_space<hbm>> -> memref<16x8xf32, #tpu.memory_space<hbm>>
        tpu.enqueue_dma source(%dma_start3A_91 : memref<16x8xf32, #tpu.memory_space<hbm>>) target(%dma_start3A_88 : memref<16x8xf32, #tpu.memory_space<vmem_shared>>) target_semaphore(%run_scoped3A_85 : memref<!tpu.dma_semaphore, #tpu.memory_space<semaphore_mem>>)
        %dma_wait3A = arith.constant 9984 : i32
        %dma_wait3A_92 = arith.constant 0 : i32
        %dma_wait3A_93 = tpu.memref_slice %arg15[%dma_wait3A, %dma_wait3A_92] : memref<10000x8xf32, #tpu.memory_space<vmem_shared>> -> memref<16x8xf32, #tpu.memory_space<vmem_shared>>
        %dma_wait3A_94 = arith.constant 0 : i32
        %dma_wait3A_95 = arith.constant 0 : i32
        %dma_wait3A_96 = tpu.memref_slice %arg5[%dma_wait3A_94, %dma_wait3A_95] : memref<624x8xf32, #tpu.memory_space<hbm>> -> memref<16x8xf32, #tpu.memory_space<hbm>>
        tpu.wait_dma2 semaphore(%run_scoped3A_85 : memref<!tpu.dma_semaphore, #tpu.memory_space<semaphore_mem>>) src(%dma_wait3A_96 : memref<16x8xf32, #tpu.memory_space<hbm>>) dst(%dma_wait3A_93 : memref<16x8xf32, #tpu.memory_space<vmem_shared>>)
        tpu.yield
      }) : () -> ()
    } else {
    }
    %barrier3A = arith.constant 0 : index
    tpu.barrier barrier_id(%barrier3A)
    %run_scoped3A = arith.constant 0 : i32
    %run_scoped3A_5 = arith.constant 0 : i32
    "tpu.region"() ({
      %run_scoped3A_85 = tpu.sem_alloc : memref<!tpu.dma_semaphore, #tpu.memory_space<semaphore_mem>>
      %dma_start3A_86 = arith.constant 0 : i32
      %dma_start3A_87 = arith.constant 0 : i32
      %dma_start3A_88 = tpu.memref_slice %arg9[%run_scoped3A_5, %dma_start3A_86, %dma_start3A_87] : memref<2x8x125xi32, #tpu.memory_space<vmem>> -> memref<1x8x125xi32, #tpu.memory_space<vmem>>
      %dma_start3A_89 = tpu.memref_squeeze %dma_start3A_88 : memref<1x8x125xi32, #tpu.memory_space<vmem>> -> memref<8x125xi32, #tpu.memory_space<vmem>>
      %dma_start3A_90 = arith.constant 0 : i32
      %dma_start3A_91 = arith.constant 0 : i32
      %dma_start3A_92 = arith.constant 0 : i32
      %dma_start3A_93 = tpu.memref_slice %arg3[%run_scoped3A, %dma_start3A_90, %dma_start3A_91, %dma_start3A_92] : memref<2x32x80x125xi32, #tpu.memory_space<hbm>> -> memref<1x32x80x125xi32, #tpu.memory_space<hbm>>
      %dma_start3A_94 = tpu.memref_squeeze %dma_start3A_93 : memref<1x32x80x125xi32, #tpu.memory_space<hbm>> -> memref<32x80x125xi32, #tpu.memory_space<hbm>>
      %dma_start3A_95 = arith.constant 0 : i32
      %dma_start3A_96 = arith.constant 0 : i32
      %dma_start3A_97 = tpu.memref_slice %dma_start3A_94[%add3A, %dma_start3A_95, %dma_start3A_96] : memref<32x80x125xi32, #tpu.memory_space<hbm>> -> memref<1x8x125xi32, #tpu.memory_space<hbm>>
      %dma_start3A_98 = tpu.memref_squeeze %dma_start3A_97 : memref<1x8x125xi32, #tpu.memory_space<hbm>> -> memref<8x125xi32, #tpu.memory_space<hbm>>
      %dma_start3A_99 = arith.constant 0 : i32
      %dma_start3A_100 = arith.constant 0 : i32
      %dma_start3A_101 = tpu.memref_slice %arg9[%run_scoped3A_5, %dma_start3A_99, %dma_start3A_100] : memref<2x8x125xi32, #tpu.memory_space<vmem>> -> memref<1x8x125xi32, #tpu.memory_space<vmem>>
      %dma_start3A_102 = tpu.memref_squeeze %dma_start3A_101 : memref<1x8x125xi32, #tpu.memory_space<vmem>> -> memref<8x125xi32, #tpu.memory_space<vmem>>
      %dma_start3A_103 = arith.constant 0 : i32
      %dma_start3A_104 = arith.constant 0 : i32
      %dma_start3A_105 = arith.constant 0 : i32
      %dma_start3A_106 = tpu.memref_slice %arg3[%run_scoped3A, %dma_start3A_103, %dma_start3A_104, %dma_start3A_105] : memref<2x32x80x125xi32, #tpu.memory_space<hbm>> -> memref<1x32x80x125xi32, #tpu.memory_space<hbm>>
      %dma_start3A_107 = tpu.memref_squeeze %dma_start3A_106 : memref<1x32x80x125xi32, #tpu.memory_space<hbm>> -> memref<32x80x125xi32, #tpu.memory_space<hbm>>
      %dma_start3A_108 = arith.constant 0 : i32
      %dma_start3A_109 = arith.constant 0 : i32
      %dma_start3A_110 = tpu.memref_slice %dma_start3A_107[%add3A, %dma_start3A_108, %dma_start3A_109] : memref<32x80x125xi32, #tpu.memory_space<hbm>> -> memref<1x8x125xi32, #tpu.memory_space<hbm>>
      %dma_start3A_111 = tpu.memref_squeeze %dma_start3A_110 : memref<1x8x125xi32, #tpu.memory_space<hbm>> -> memref<8x125xi32, #tpu.memory_space<hbm>>
      tpu.enqueue_dma source(%dma_start3A_111 : memref<8x125xi32, #tpu.memory_space<hbm>>) target(%dma_start3A_102 : memref<8x125xi32, #tpu.memory_space<vmem>>) target_semaphore(%run_scoped3A_85 : memref<!tpu.dma_semaphore, #tpu.memory_space<semaphore_mem>>)
      %dma_wait3A = arith.constant 0 : i32
      %dma_wait3A_112 = arith.constant 0 : i32
      %dma_wait3A_113 = tpu.memref_slice %arg9[%run_scoped3A_5, %dma_wait3A, %dma_wait3A_112] : memref<2x8x125xi32, #tpu.memory_space<vmem>> -> memref<1x8x125xi32, #tpu.memory_space<vmem>>
      %dma_wait3A_114 = tpu.memref_squeeze %dma_wait3A_113 : memref<1x8x125xi32, #tpu.memory_space<vmem>> -> memref<8x125xi32, #tpu.memory_space<vmem>>
      %dma_wait3A_115 = arith.constant 0 : i32
      %dma_wait3A_116 = arith.constant 0 : i32
      %dma_wait3A_117 = arith.constant 0 : i32
      %dma_wait3A_118 = tpu.memref_slice %arg3[%run_scoped3A, %dma_wait3A_115, %dma_wait3A_116, %dma_wait3A_117] : memref<2x32x80x125xi32, #tpu.memory_space<hbm>> -> memref<1x32x80x125xi32, #tpu.memory_space<hbm>>
      %dma_wait3A_119 = tpu.memref_squeeze %dma_wait3A_118 : memref<1x32x80x125xi32, #tpu.memory_space<hbm>> -> memref<32x80x125xi32, #tpu.memory_space<hbm>>
      %dma_wait3A_120 = arith.constant 0 : i32
      %dma_wait3A_121 = arith.constant 0 : i32
      %dma_wait3A_122 = tpu.memref_slice %dma_wait3A_119[%add3A, %dma_wait3A_120, %dma_wait3A_121] : memref<32x80x125xi32, #tpu.memory_space<hbm>> -> memref<1x8x125xi32, #tpu.memory_space<hbm>>
      %dma_wait3A_123 = tpu.memref_squeeze %dma_wait3A_122 : memref<1x8x125xi32, #tpu.memory_space<hbm>> -> memref<8x125xi32, #tpu.memory_space<hbm>>
      %dma_wait3A_124 = arith.constant 0 : i32
      %dma_wait3A_125 = arith.constant 0 : i32
      %dma_wait3A_126 = tpu.memref_slice %arg9[%run_scoped3A_5, %dma_wait3A_124, %dma_wait3A_125] : memref<2x8x125xi32, #tpu.memory_space<vmem>> -> memref<1x8x125xi32, #tpu.memory_space<vmem>>
      %dma_wait3A_127 = tpu.memref_squeeze %dma_wait3A_126 : memref<1x8x125xi32, #tpu.memory_space<vmem>> -> memref<8x125xi32, #tpu.memory_space<vmem>>
      %dma_wait3A_128 = arith.constant 0 : i32
      %dma_wait3A_129 = arith.constant 0 : i32
      %dma_wait3A_130 = arith.constant 0 : i32
      %dma_wait3A_131 = tpu.memref_slice %arg3[%run_scoped3A, %dma_wait3A_128, %dma_wait3A_129, %dma_wait3A_130] : memref<2x32x80x125xi32, #tpu.memory_space<hbm>> -> memref<1x32x80x125xi32, #tpu.memory_space<hbm>>
      %dma_wait3A_132 = tpu.memref_squeeze %dma_wait3A_131 : memref<1x32x80x125xi32, #tpu.memory_space<hbm>> -> memref<32x80x125xi32, #tpu.memory_space<hbm>>
      %dma_wait3A_133 = arith.constant 0 : i32
      %dma_wait3A_134 = arith.constant 0 : i32
      %dma_wait3A_135 = tpu.memref_slice %dma_wait3A_132[%add3A, %dma_wait3A_133, %dma_wait3A_134] : memref<32x80x125xi32, #tpu.memory_space<hbm>> -> memref<1x8x125xi32, #tpu.memory_space<hbm>>
      %dma_wait3A_136 = tpu.memref_squeeze %dma_wait3A_135 : memref<1x8x125xi32, #tpu.memory_space<hbm>> -> memref<8x125xi32, #tpu.memory_space<hbm>>
      tpu.wait_dma2 semaphore(%run_scoped3A_85 : memref<!tpu.dma_semaphore, #tpu.memory_space<semaphore_mem>>) src(%dma_wait3A_136 : memref<8x125xi32, #tpu.memory_space<hbm>>) dst(%dma_wait3A_127 : memref<8x125xi32, #tpu.memory_space<vmem>>)
      tpu.yield
    }) : () -> ()
    %run_scoped3A_6 = arith.constant 1 : i32
    %run_scoped3A_7 = arith.constant 0 : i32
    "tpu.region"() ({
      %run_scoped3A_85 = tpu.sem_alloc : memref<!tpu.dma_semaphore, #tpu.memory_space<semaphore_mem>>
      %dma_start3A_86 = arith.constant 0 : i32
      %dma_start3A_87 = arith.constant 0 : i32
      %dma_start3A_88 = tpu.memref_slice %arg10[%run_scoped3A_7, %dma_start3A_86, %dma_start3A_87] : memref<2x8x125xi32, #tpu.memory_space<vmem>> -> memref<1x8x125xi32, #tpu.memory_space<vmem>>
      %dma_start3A_89 = tpu.memref_squeeze %dma_start3A_88 : memref<1x8x125xi32, #tpu.memory_space<vmem>> -> memref<8x125xi32, #tpu.memory_space<vmem>>
      %dma_start3A_90 = arith.constant 0 : i32
      %dma_start3A_91 = arith.constant 0 : i32
      %dma_start3A_92 = arith.constant 0 : i32
      %dma_start3A_93 = tpu.memref_slice %arg3[%run_scoped3A_6, %dma_start3A_90, %dma_start3A_91, %dma_start3A_92] : memref<2x32x80x125xi32, #tpu.memory_space<hbm>> -> memref<1x32x80x125xi32, #tpu.memory_space<hbm>>
      %dma_start3A_94 = tpu.memref_squeeze %dma_start3A_93 : memref<1x32x80x125xi32, #tpu.memory_space<hbm>> -> memref<32x80x125xi32, #tpu.memory_space<hbm>>
      %dma_start3A_95 = arith.constant 0 : i32
      %dma_start3A_96 = arith.constant 0 : i32
      %dma_start3A_97 = tpu.memref_slice %dma_start3A_94[%add3A, %dma_start3A_95, %dma_start3A_96] : memref<32x80x125xi32, #tpu.memory_space<hbm>> -> memref<1x8x125xi32, #tpu.memory_space<hbm>>
      %dma_start3A_98 = tpu.memref_squeeze %dma_start3A_97 : memref<1x8x125xi32, #tpu.memory_space<hbm>> -> memref<8x125xi32, #tpu.memory_space<hbm>>
      %dma_start3A_99 = arith.constant 0 : i32
      %dma_start3A_100 = arith.constant 0 : i32
      %dma_start3A_101 = tpu.memref_slice %arg10[%run_scoped3A_7, %dma_start3A_99, %dma_start3A_100] : memref<2x8x125xi32, #tpu.memory_space<vmem>> -> memref<1x8x125xi32, #tpu.memory_space<vmem>>
      %dma_start3A_102 = tpu.memref_squeeze %dma_start3A_101 : memref<1x8x125xi32, #tpu.memory_space<vmem>> -> memref<8x125xi32, #tpu.memory_space<vmem>>
      %dma_start3A_103 = arith.constant 0 : i32
      %dma_start3A_104 = arith.constant 0 : i32
      %dma_start3A_105 = arith.constant 0 : i32
      %dma_start3A_106 = tpu.memref_slice %arg3[%run_scoped3A_6, %dma_start3A_103, %dma_start3A_104, %dma_start3A_105] : memref<2x32x80x125xi32, #tpu.memory_space<hbm>> -> memref<1x32x80x125xi32, #tpu.memory_space<hbm>>
      %dma_start3A_107 = tpu.memref_squeeze %dma_start3A_106 : memref<1x32x80x125xi32, #tpu.memory_space<hbm>> -> memref<32x80x125xi32, #tpu.memory_space<hbm>>
      %dma_start3A_108 = arith.constant 0 : i32
      %dma_start3A_109 = arith.constant 0 : i32
      %dma_start3A_110 = tpu.memref_slice %dma_start3A_107[%add3A, %dma_start3A_108, %dma_start3A_109] : memref<32x80x125xi32, #tpu.memory_space<hbm>> -> memref<1x8x125xi32, #tpu.memory_space<hbm>>
      %dma_start3A_111 = tpu.memref_squeeze %dma_start3A_110 : memref<1x8x125xi32, #tpu.memory_space<hbm>> -> memref<8x125xi32, #tpu.memory_space<hbm>>
      tpu.enqueue_dma source(%dma_start3A_111 : memref<8x125xi32, #tpu.memory_space<hbm>>) target(%dma_start3A_102 : memref<8x125xi32, #tpu.memory_space<vmem>>) target_semaphore(%run_scoped3A_85 : memref<!tpu.dma_semaphore, #tpu.memory_space<semaphore_mem>>)
      %dma_wait3A = arith.constant 0 : i32
      %dma_wait3A_112 = arith.constant 0 : i32
      %dma_wait3A_113 = tpu.memref_slice %arg10[%run_scoped3A_7, %dma_wait3A, %dma_wait3A_112] : memref<2x8x125xi32, #tpu.memory_space<vmem>> -> memref<1x8x125xi32, #tpu.memory_space<vmem>>
      %dma_wait3A_114 = tpu.memref_squeeze %dma_wait3A_113 : memref<1x8x125xi32, #tpu.memory_space<vmem>> -> memref<8x125xi32, #tpu.memory_space<vmem>>
      %dma_wait3A_115 = arith.constant 0 : i32
      %dma_wait3A_116 = arith.constant 0 : i32
      %dma_wait3A_117 = arith.constant 0 : i32
      %dma_wait3A_118 = tpu.memref_slice %arg3[%run_scoped3A_6, %dma_wait3A_115, %dma_wait3A_116, %dma_wait3A_117] : memref<2x32x80x125xi32, #tpu.memory_space<hbm>> -> memref<1x32x80x125xi32, #tpu.memory_space<hbm>>
      %dma_wait3A_119 = tpu.memref_squeeze %dma_wait3A_118 : memref<1x32x80x125xi32, #tpu.memory_space<hbm>> -> memref<32x80x125xi32, #tpu.memory_space<hbm>>
      %dma_wait3A_120 = arith.constant 0 : i32
      %dma_wait3A_121 = arith.constant 0 : i32
      %dma_wait3A_122 = tpu.memref_slice %dma_wait3A_119[%add3A, %dma_wait3A_120, %dma_wait3A_121] : memref<32x80x125xi32, #tpu.memory_space<hbm>> -> memref<1x8x125xi32, #tpu.memory_space<hbm>>
      %dma_wait3A_123 = tpu.memref_squeeze %dma_wait3A_122 : memref<1x8x125xi32, #tpu.memory_space<hbm>> -> memref<8x125xi32, #tpu.memory_space<hbm>>
      %dma_wait3A_124 = arith.constant 0 : i32
      %dma_wait3A_125 = arith.constant 0 : i32
      %dma_wait3A_126 = tpu.memref_slice %arg10[%run_scoped3A_7, %dma_wait3A_124, %dma_wait3A_125] : memref<2x8x125xi32, #tpu.memory_space<vmem>> -> memref<1x8x125xi32, #tpu.memory_space<vmem>>
      %dma_wait3A_127 = tpu.memref_squeeze %dma_wait3A_126 : memref<1x8x125xi32, #tpu.memory_space<vmem>> -> memref<8x125xi32, #tpu.memory_space<vmem>>
      %dma_wait3A_128 = arith.constant 0 : i32
      %dma_wait3A_129 = arith.constant 0 : i32
      %dma_wait3A_130 = arith.constant 0 : i32
      %dma_wait3A_131 = tpu.memref_slice %arg3[%run_scoped3A_6, %dma_wait3A_128, %dma_wait3A_129, %dma_wait3A_130] : memref<2x32x80x125xi32, #tpu.memory_space<hbm>> -> memref<1x32x80x125xi32, #tpu.memory_space<hbm>>
      %dma_wait3A_132 = tpu.memref_squeeze %dma_wait3A_131 : memref<1x32x80x125xi32, #tpu.memory_space<hbm>> -> memref<32x80x125xi32, #tpu.memory_space<hbm>>
      %dma_wait3A_133 = arith.constant 0 : i32
      %dma_wait3A_134 = arith.constant 0 : i32
      %dma_wait3A_135 = tpu.memref_slice %dma_wait3A_132[%add3A, %dma_wait3A_133, %dma_wait3A_134] : memref<32x80x125xi32, #tpu.memory_space<hbm>> -> memref<1x8x125xi32, #tpu.memory_space<hbm>>
      %dma_wait3A_136 = tpu.memref_squeeze %dma_wait3A_135 : memref<1x8x125xi32, #tpu.memory_space<hbm>> -> memref<8x125xi32, #tpu.memory_space<hbm>>
      tpu.wait_dma2 semaphore(%run_scoped3A_85 : memref<!tpu.dma_semaphore, #tpu.memory_space<semaphore_mem>>) src(%dma_wait3A_136 : memref<8x125xi32, #tpu.memory_space<hbm>>) dst(%dma_wait3A_127 : memref<8x125xi32, #tpu.memory_space<vmem>>)
      tpu.yield
    }) : () -> ()
    %dma_start3A = arith.constant 0 : i32
    %dma_start3A_8 = arith.constant 1 : i32
    %dma_start3A_9 = arith.constant 0 : i32
    %dma_start3A_10 = arith.constant 0 : i32
    %dma_start3A_11 = tpu.memref_slice %arg9[%dma_start3A_8, %dma_start3A_9, %dma_start3A_10] : memref<2x8x125xi32, #tpu.memory_space<vmem>> -> memref<1x8x125xi32, #tpu.memory_space<vmem>>
    %dma_start3A_12 = tpu.memref_squeeze %dma_start3A_11 : memref<1x8x125xi32, #tpu.memory_space<vmem>> -> memref<8x125xi32, #tpu.memory_space<vmem>>
    %dma_start3A_13 = arith.constant 0 : i32
    %dma_start3A_14 = arith.constant 0 : i32
    %dma_start3A_15 = arith.constant 0 : i32
    %dma_start3A_16 = tpu.memref_slice %arg3[%dma_start3A, %dma_start3A_13, %dma_start3A_14, %dma_start3A_15] : memref<2x32x80x125xi32, #tpu.memory_space<hbm>> -> memref<1x32x80x125xi32, #tpu.memory_space<hbm>>
    %dma_start3A_17 = tpu.memref_squeeze %dma_start3A_16 : memref<1x32x80x125xi32, #tpu.memory_space<hbm>> -> memref<32x80x125xi32, #tpu.memory_space<hbm>>
    %dma_start3A_18 = arith.constant 8 : i32
    %dma_start3A_19 = arith.constant 0 : i32
    %dma_start3A_20 = tpu.memref_slice %dma_start3A_17[%add3A, %dma_start3A_18, %dma_start3A_19] : memref<32x80x125xi32, #tpu.memory_space<hbm>> -> memref<1x8x125xi32, #tpu.memory_space<hbm>>
    %dma_start3A_21 = tpu.memref_squeeze %dma_start3A_20 : memref<1x8x125xi32, #tpu.memory_space<hbm>> -> memref<8x125xi32, #tpu.memory_space<hbm>>
    %dma_start3A_22 = arith.constant 0 : i32
    %dma_start3A_23 = arith.constant 0 : i32
    %dma_start3A_24 = tpu.memref_slice %arg9[%dma_start3A_8, %dma_start3A_22, %dma_start3A_23] : memref<2x8x125xi32, #tpu.memory_space<vmem>> -> memref<1x8x125xi32, #tpu.memory_space<vmem>>
    %dma_start3A_25 = tpu.memref_squeeze %dma_start3A_24 : memref<1x8x125xi32, #tpu.memory_space<vmem>> -> memref<8x125xi32, #tpu.memory_space<vmem>>
    %dma_start3A_26 = arith.constant 0 : i32
    %dma_start3A_27 = arith.constant 0 : i32
    %dma_start3A_28 = arith.constant 0 : i32
    %dma_start3A_29 = tpu.memref_slice %arg3[%dma_start3A, %dma_start3A_26, %dma_start3A_27, %dma_start3A_28] : memref<2x32x80x125xi32, #tpu.memory_space<hbm>> -> memref<1x32x80x125xi32, #tpu.memory_space<hbm>>
    %dma_start3A_30 = tpu.memref_squeeze %dma_start3A_29 : memref<1x32x80x125xi32, #tpu.memory_space<hbm>> -> memref<32x80x125xi32, #tpu.memory_space<hbm>>
    %dma_start3A_31 = arith.constant 8 : i32
    %dma_start3A_32 = arith.constant 0 : i32
    %dma_start3A_33 = tpu.memref_slice %dma_start3A_30[%add3A, %dma_start3A_31, %dma_start3A_32] : memref<32x80x125xi32, #tpu.memory_space<hbm>> -> memref<1x8x125xi32, #tpu.memory_space<hbm>>
    %dma_start3A_34 = tpu.memref_squeeze %dma_start3A_33 : memref<1x8x125xi32, #tpu.memory_space<hbm>> -> memref<8x125xi32, #tpu.memory_space<hbm>>
    tpu.enqueue_dma source(%dma_start3A_34 : memref<8x125xi32, #tpu.memory_space<hbm>>) target(%dma_start3A_25 : memref<8x125xi32, #tpu.memory_space<vmem>>) target_semaphore(%arg18 : memref<!tpu.dma_semaphore, #tpu.memory_space<semaphore_mem>>)
    %dma_start3A_35 = arith.constant 1 : i32
    %dma_start3A_36 = arith.constant 1 : i32
    %dma_start3A_37 = arith.constant 0 : i32
    %dma_start3A_38 = arith.constant 0 : i32
    %dma_start3A_39 = tpu.memref_slice %arg10[%dma_start3A_36, %dma_start3A_37, %dma_start3A_38] : memref<2x8x125xi32, #tpu.memory_space<vmem>> -> memref<1x8x125xi32, #tpu.memory_space<vmem>>
    %dma_start3A_40 = tpu.memref_squeeze %dma_start3A_39 : memref<1x8x125xi32, #tpu.memory_space<vmem>> -> memref<8x125xi32, #tpu.memory_space<vmem>>
    %dma_start3A_41 = arith.constant 0 : i32
    %dma_start3A_42 = arith.constant 0 : i32
    %dma_start3A_43 = arith.constant 0 : i32
    %dma_start3A_44 = tpu.memref_slice %arg3[%dma_start3A_35, %dma_start3A_41, %dma_start3A_42, %dma_start3A_43] : memref<2x32x80x125xi32, #tpu.memory_space<hbm>> -> memref<1x32x80x125xi32, #tpu.memory_space<hbm>>
    %dma_start3A_45 = tpu.memref_squeeze %dma_start3A_44 : memref<1x32x80x125xi32, #tpu.memory_space<hbm>> -> memref<32x80x125xi32, #tpu.memory_space<hbm>>
    %dma_start3A_46 = arith.constant 8 : i32
    %dma_start3A_47 = arith.constant 0 : i32
    %dma_start3A_48 = tpu.memref_slice %dma_start3A_45[%add3A, %dma_start3A_46, %dma_start3A_47] : memref<32x80x125xi32, #tpu.memory_space<hbm>> -> memref<1x8x125xi32, #tpu.memory_space<hbm>>
    %dma_start3A_49 = tpu.memref_squeeze %dma_start3A_48 : memref<1x8x125xi32, #tpu.memory_space<hbm>> -> memref<8x125xi32, #tpu.memory_space<hbm>>
    %dma_start3A_50 = arith.constant 0 : i32
    %dma_start3A_51 = arith.constant 0 : i32
    %dma_start3A_52 = tpu.memref_slice %arg10[%dma_start3A_36, %dma_start3A_50, %dma_start3A_51] : memref<2x8x125xi32, #tpu.memory_space<vmem>> -> memref<1x8x125xi32, #tpu.memory_space<vmem>>
    %dma_start3A_53 = tpu.memref_squeeze %dma_start3A_52 : memref<1x8x125xi32, #tpu.memory_space<vmem>> -> memref<8x125xi32, #tpu.memory_space<vmem>>
    %dma_start3A_54 = arith.constant 0 : i32
    %dma_start3A_55 = arith.constant 0 : i32
    %dma_start3A_56 = arith.constant 0 : i32
    %dma_start3A_57 = tpu.memref_slice %arg3[%dma_start3A_35, %dma_start3A_54, %dma_start3A_55, %dma_start3A_56] : memref<2x32x80x125xi32, #tpu.memory_space<hbm>> -> memref<1x32x80x125xi32, #tpu.memory_space<hbm>>
    %dma_start3A_58 = tpu.memref_squeeze %dma_start3A_57 : memref<1x32x80x125xi32, #tpu.memory_space<hbm>> -> memref<32x80x125xi32, #tpu.memory_space<hbm>>
    %dma_start3A_59 = arith.constant 8 : i32
    %dma_start3A_60 = arith.constant 0 : i32
    %dma_start3A_61 = tpu.memref_slice %dma_start3A_58[%add3A, %dma_start3A_59, %dma_start3A_60] : memref<32x80x125xi32, #tpu.memory_space<hbm>> -> memref<1x8x125xi32, #tpu.memory_space<hbm>>
    %dma_start3A_62 = tpu.memref_squeeze %dma_start3A_61 : memref<1x8x125xi32, #tpu.memory_space<hbm>> -> memref<8x125xi32, #tpu.memory_space<hbm>>
    tpu.enqueue_dma source(%dma_start3A_62 : memref<8x125xi32, #tpu.memory_space<hbm>>) target(%dma_start3A_53 : memref<8x125xi32, #tpu.memory_space<vmem>>) target_semaphore(%arg18 : memref<!tpu.dma_semaphore, #tpu.memory_space<semaphore_mem>>)
    %dma_start3A_63 = arith.constant 0 : i32
    %dma_start3A_64 = arith.constant 0 : i32
    %dma_start3A_65 = arith.constant 0 : i32
    %dma_start3A_66 = tpu.memref_slice %arg9[%dma_start3A_63, %dma_start3A_64, %dma_start3A_65] : memref<2x8x125xi32, #tpu.memory_space<vmem>> -> memref<1x1x125xi32, #tpu.memory_space<vmem>>
    %dma_start3A_67 = tpu.memref_squeeze %dma_start3A_66 : memref<1x1x125xi32, #tpu.memory_space<vmem>> -> memref<125xi32, #tpu.memory_space<vmem>>
    %dma_start3A_68 = arith.constant 0 : i32
    %dma_start3A_69 = arith.constant 0 : i32
    %dma_start3A_70 = tpu.memref_slice %arg2[%dma_start3A_68, %dma_start3A_69] : memref<10000x128xf32, #tpu.memory_space<hbm>> -> memref<10000x128xf32, #tpu.memory_space<hbm>>
    tpu.enqueue_indirect_dma source(%dma_start3A_70 : memref<10000x128xf32, #tpu.memory_space<hbm>>) target(%arg11 : memref<125x128xf32, #tpu.memory_space<vmem>>) offsets(%dma_start3A_67 : memref<125xi32, #tpu.memory_space<vmem>>) semaphore(%arg16 : memref<!tpu.dma_semaphore, #tpu.memory_space<semaphore_mem>>)
    %scan3A = arith.constant 0 : i32
    %scan3A_71 = arith.constant 1 : i32
    %scan3A_72 = arith.constant 0 : i32
    %scan3A_73 = arith.constant 0 : i32
    %scan3A_74 = arith.constant 10 : i32
    %scan3A_75 = arith.addi %scan3A_73, %scan3A_74 : i32
    %scan3A_76 = arith.constant 1 : i32
    %scan3A_77 = scf.for %scan3A_85 = %scan3A_73 to %scan3A_75 step %scan3A_76 iter_args(%scan3A_86 = %scan3A_72) -> (i32)  : i32 {
      %rem3A = arith.constant 2 : i32
      %rem3A_87 = arith.remsi %scan3A_85, %rem3A : i32
      %sub3A = arith.constant 1 : i32
      %sub3A_88 = arith.subi %sub3A, %rem3A_87 : i32
      %dma_start3A_89 = arith.constant 1 : i32
      %dma_start3A_90 = arith.constant 0 : i32
      %dma_start3A_91 = tpu.memref_slice %arg9[%rem3A_87, %dma_start3A_89, %dma_start3A_90] : memref<2x8x125xi32, #tpu.memory_space<vmem>> -> memref<1x1x125xi32, #tpu.memory_space<vmem>>
      %dma_start3A_92 = tpu.memref_squeeze %dma_start3A_91 : memref<1x1x125xi32, #tpu.memory_space<vmem>> -> memref<125xi32, #tpu.memory_space<vmem>>
      %dma_start3A_93 = arith.constant 0 : i32
      %dma_start3A_94 = arith.constant 0 : i32
      %dma_start3A_95 = tpu.memref_slice %arg2[%dma_start3A_93, %dma_start3A_94] : memref<10000x128xf32, #tpu.memory_space<hbm>> -> memref<10000x128xf32, #tpu.memory_space<hbm>>
      tpu.enqueue_indirect_dma source(%dma_start3A_95 : memref<10000x128xf32, #tpu.memory_space<hbm>>) target(%arg12 : memref<125x128xf32, #tpu.memory_space<vmem>>) offsets(%dma_start3A_92 : memref<125xi32, #tpu.memory_space<vmem>>) semaphore(%arg17 : memref<!tpu.dma_semaphore, #tpu.memory_space<semaphore_mem>>)
      %dma_wait3A = arith.constant 0 : i32
      %dma_wait3A_96 = arith.constant 0 : i32
      %dma_wait3A_97 = tpu.memref_slice %arg9[%rem3A_87, %dma_wait3A, %dma_wait3A_96] : memref<2x8x125xi32, #tpu.memory_space<vmem>> -> memref<1x1x125xi32, #tpu.memory_space<vmem>>
      %dma_wait3A_98 = tpu.memref_squeeze %dma_wait3A_97 : memref<1x1x125xi32, #tpu.memory_space<vmem>> -> memref<125xi32, #tpu.memory_space<vmem>>
      %dma_wait3A_99 = arith.constant 0 : i32
      %dma_wait3A_100 = arith.constant 0 : i32
      %dma_wait3A_101 = tpu.memref_slice %arg2[%dma_wait3A_99, %dma_wait3A_100] : memref<10000x128xf32, #tpu.memory_space<hbm>> -> memref<10000x128xf32, #tpu.memory_space<hbm>>
      tpu.wait_indirect_dma semaphore(%arg16 : memref<!tpu.dma_semaphore, #tpu.memory_space<semaphore_mem>>) src(%dma_wait3A_101 : memref<10000x128xf32, #tpu.memory_space<hbm>>) dst(%arg11 : memref<125x128xf32, #tpu.memory_space<vmem>>)
      %run_scoped3A_102 = arith.constant 0 : i32
      "tpu.region"() ({
        %run_scoped3A_223 = tpu.sem_alloc : memref<!tpu.dma_semaphore, #tpu.memory_space<semaphore_mem>>
        %dma_start3A_224 = arith.constant 0 : i32
        %dma_start3A_225 = tpu.memref_slice %arg10[%rem3A_87, %run_scoped3A_102, %dma_start3A_224] : memref<2x8x125xi32, #tpu.memory_space<vmem>> -> memref<1x1x125xi32, #tpu.memory_space<vmem>>
        %dma_start3A_226 = tpu.memref_squeeze %dma_start3A_225 : memref<1x1x125xi32, #tpu.memory_space<vmem>> -> memref<125xi32, #tpu.memory_space<vmem>>
        %dma_start3A_227 = arith.constant 0 : i32
        %dma_start3A_228 = arith.constant 0 : i32
        %dma_start3A_229 = tpu.memref_slice %arg14[%dma_start3A_227, %dma_start3A_228] : memref<10000x128xf32, #tpu.memory_space<vmem_shared>> -> memref<10000x128xf32, #tpu.memory_space<vmem_shared>>
        tpu.enqueue_indirect_dma source(%arg11 : memref<125x128xf32, #tpu.memory_space<vmem>>) target(%dma_start3A_229 : memref<10000x128xf32, #tpu.memory_space<vmem_shared>>) offsets(%dma_start3A_226 : memref<125xi32, #tpu.memory_space<vmem>>) semaphore(%run_scoped3A_223 : memref<!tpu.dma_semaphore, #tpu.memory_space<semaphore_mem>>) {add = true}
        %dma_wait3A_230 = arith.constant 0 : i32
        %dma_wait3A_231 = tpu.memref_slice %arg10[%rem3A_87, %run_scoped3A_102, %dma_wait3A_230] : memref<2x8x125xi32, #tpu.memory_space<vmem>> -> memref<1x1x125xi32, #tpu.memory_space<vmem>>
        %dma_wait3A_232 = tpu.memref_squeeze %dma_wait3A_231 : memref<1x1x125xi32, #tpu.memory_space<vmem>> -> memref<125xi32, #tpu.memory_space<vmem>>
        %dma_wait3A_233 = arith.constant 0 : i32
        %dma_wait3A_234 = arith.constant 0 : i32
        %dma_wait3A_235 = tpu.memref_slice %arg14[%dma_wait3A_233, %dma_wait3A_234] : memref<10000x128xf32, #tpu.memory_space<vmem_shared>> -> memref<10000x128xf32, #tpu.memory_space<vmem_shared>>
        tpu.wait_indirect_dma semaphore(%run_scoped3A_223 : memref<!tpu.dma_semaphore, #tpu.memory_space<semaphore_mem>>) src(%arg11 : memref<125x128xf32, #tpu.memory_space<vmem>>) dst(%dma_wait3A_235 : memref<10000x128xf32, #tpu.memory_space<vmem_shared>>)
        tpu.yield
      }) : () -> ()
      %run_scoped3A_103 = arith.constant 0 : i32
      "tpu.region"() ({
        %run_scoped3A_223 = tpu.sem_alloc : memref<!tpu.dma_semaphore, #tpu.memory_space<semaphore_mem>>
        %dma_start3A_224 = arith.constant 0 : i32
        %dma_start3A_225 = tpu.memref_slice %arg10[%rem3A_87, %run_scoped3A_103, %dma_start3A_224] : memref<2x8x125xi32, #tpu.memory_space<vmem>> -> memref<1x1x125xi32, #tpu.memory_space<vmem>>
        %dma_start3A_226 = tpu.memref_squeeze %dma_start3A_225 : memref<1x1x125xi32, #tpu.memory_space<vmem>> -> memref<125xi32, #tpu.memory_space<vmem>>
        %dma_start3A_227 = arith.constant 0 : i32
        %dma_start3A_228 = arith.constant 0 : i32
        %dma_start3A_229 = tpu.memref_slice %arg15[%dma_start3A_227, %dma_start3A_228] : memref<10000x8xf32, #tpu.memory_space<vmem_shared>> -> memref<10000x8xf32, #tpu.memory_space<vmem_shared>>
        tpu.enqueue_indirect_dma source(%arg13 : memref<125x8xf32, #tpu.memory_space<vmem>>) target(%dma_start3A_229 : memref<10000x8xf32, #tpu.memory_space<vmem_shared>>) offsets(%dma_start3A_226 : memref<125xi32, #tpu.memory_space<vmem>>) semaphore(%run_scoped3A_223 : memref<!tpu.dma_semaphore, #tpu.memory_space<semaphore_mem>>) {add = true}
        %dma_wait3A_230 = arith.constant 0 : i32
        %dma_wait3A_231 = tpu.memref_slice %arg10[%rem3A_87, %run_scoped3A_103, %dma_wait3A_230] : memref<2x8x125xi32, #tpu.memory_space<vmem>> -> memref<1x1x125xi32, #tpu.memory_space<vmem>>
        %dma_wait3A_232 = tpu.memref_squeeze %dma_wait3A_231 : memref<1x1x125xi32, #tpu.memory_space<vmem>> -> memref<125xi32, #tpu.memory_space<vmem>>
        %dma_wait3A_233 = arith.constant 0 : i32
        %dma_wait3A_234 = arith.constant 0 : i32
        %dma_wait3A_235 = tpu.memref_slice %arg15[%dma_wait3A_233, %dma_wait3A_234] : memref<10000x8xf32, #tpu.memory_space<vmem_shared>> -> memref<10000x8xf32, #tpu.memory_space<vmem_shared>>
        tpu.wait_indirect_dma semaphore(%run_scoped3A_223 : memref<!tpu.dma_semaphore, #tpu.memory_space<semaphore_mem>>) src(%arg13 : memref<125x8xf32, #tpu.memory_space<vmem>>) dst(%dma_wait3A_235 : memref<10000x8xf32, #tpu.memory_space<vmem_shared>>)
        tpu.yield
      }) : () -> ()
      %dma_start3A_104 = arith.constant 2 : i32
      %dma_start3A_105 = arith.constant 0 : i32
      %dma_start3A_106 = tpu.memref_slice %arg9[%rem3A_87, %dma_start3A_104, %dma_start3A_105] : memref<2x8x125xi32, #tpu.memory_space<vmem>> -> memref<1x1x125xi32, #tpu.memory_space<vmem>>
      %dma_start3A_107 = tpu.memref_squeeze %dma_start3A_106 : memref<1x1x125xi32, #tpu.memory_space<vmem>> -> memref<125xi32, #tpu.memory_space<vmem>>
      %dma_start3A_108 = arith.constant 0 : i32
      %dma_start3A_109 = arith.constant 0 : i32
      %dma_start3A_110 = tpu.memref_slice %arg2[%dma_start3A_108, %dma_start3A_109] : memref<10000x128xf32, #tpu.memory_space<hbm>> -> memref<10000x128xf32, #tpu.memory_space<hbm>>
      tpu.enqueue_indirect_dma source(%dma_start3A_110 : memref<10000x128xf32, #tpu.memory_space<hbm>>) target(%arg11 : memref<125x128xf32, #tpu.memory_space<vmem>>) offsets(%dma_start3A_107 : memref<125xi32, #tpu.memory_space<vmem>>) semaphore(%arg16 : memref<!tpu.dma_semaphore, #tpu.memory_space<semaphore_mem>>)
      %dma_wait3A_111 = arith.constant 1 : i32
      %dma_wait3A_112 = arith.constant 0 : i32
      %dma_wait3A_113 = tpu.memref_slice %arg9[%rem3A_87, %dma_wait3A_111, %dma_wait3A_112] : memref<2x8x125xi32, #tpu.memory_space<vmem>> -> memref<1x1x125xi32, #tpu.memory_space<vmem>>
      %dma_wait3A_114 = tpu.memref_squeeze %dma_wait3A_113 : memref<1x1x125xi32, #tpu.memory_space<vmem>> -> memref<125xi32, #tpu.memory_space<vmem>>
      %dma_wait3A_115 = arith.constant 0 : i32
      %dma_wait3A_116 = arith.constant 0 : i32
      %dma_wait3A_117 = tpu.memref_slice %arg2[%dma_wait3A_115, %dma_wait3A_116] : memref<10000x128xf32, #tpu.memory_space<hbm>> -> memref<10000x128xf32, #tpu.memory_space<hbm>>
      tpu.wait_indirect_dma semaphore(%arg17 : memref<!tpu.dma_semaphore, #tpu.memory_space<semaphore_mem>>) src(%dma_wait3A_117 : memref<10000x128xf32, #tpu.memory_space<hbm>>) dst(%arg12 : memref<125x128xf32, #tpu.memory_space<vmem>>)
      %run_scoped3A_118 = arith.constant 1 : i32
      "tpu.region"() ({
        %run_scoped3A_223 = tpu.sem_alloc : memref<!tpu.dma_semaphore, #tpu.memory_space<semaphore_mem>>
        %dma_start3A_224 = arith.constant 0 : i32
        %dma_start3A_225 = tpu.memref_slice %arg10[%rem3A_87, %run_scoped3A_118, %dma_start3A_224] : memref<2x8x125xi32, #tpu.memory_space<vmem>> -> memref<1x1x125xi32, #tpu.memory_space<vmem>>
        %dma_start3A_226 = tpu.memref_squeeze %dma_start3A_225 : memref<1x1x125xi32, #tpu.memory_space<vmem>> -> memref<125xi32, #tpu.memory_space<vmem>>
        %dma_start3A_227 = arith.constant 0 : i32
        %dma_start3A_228 = arith.constant 0 : i32
        %dma_start3A_229 = tpu.memref_slice %arg14[%dma_start3A_227, %dma_start3A_228] : memref<10000x128xf32, #tpu.memory_space<vmem_shared>> -> memref<10000x128xf32, #tpu.memory_space<vmem_shared>>
        tpu.enqueue_indirect_dma source(%arg12 : memref<125x128xf32, #tpu.memory_space<vmem>>) target(%dma_start3A_229 : memref<10000x128xf32, #tpu.memory_space<vmem_shared>>) offsets(%dma_start3A_226 : memref<125xi32, #tpu.memory_space<vmem>>) semaphore(%run_scoped3A_223 : memref<!tpu.dma_semaphore, #tpu.memory_space<semaphore_mem>>) {add = true}
        %dma_wait3A_230 = arith.constant 0 : i32
        %dma_wait3A_231 = tpu.memref_slice %arg10[%rem3A_87, %run_scoped3A_118, %dma_wait3A_230] : memref<2x8x125xi32, #tpu.memory_space<vmem>> -> memref<1x1x125xi32, #tpu.memory_space<vmem>>
        %dma_wait3A_232 = tpu.memref_squeeze %dma_wait3A_231 : memref<1x1x125xi32, #tpu.memory_space<vmem>> -> memref<125xi32, #tpu.memory_space<vmem>>
        %dma_wait3A_233 = arith.constant 0 : i32
        %dma_wait3A_234 = arith.constant 0 : i32
        %dma_wait3A_235 = tpu.memref_slice %arg14[%dma_wait3A_233, %dma_wait3A_234] : memref<10000x128xf32, #tpu.memory_space<vmem_shared>> -> memref<10000x128xf32, #tpu.memory_space<vmem_shared>>
        tpu.wait_indirect_dma semaphore(%run_scoped3A_223 : memref<!tpu.dma_semaphore, #tpu.memory_space<semaphore_mem>>) src(%arg12 : memref<125x128xf32, #tpu.memory_space<vmem>>) dst(%dma_wait3A_235 : memref<10000x128xf32, #tpu.memory_space<vmem_shared>>)
        tpu.yield
      }) : () -> ()
      %run_scoped3A_119 = arith.constant 1 : i32
      "tpu.region"() ({
        %run_scoped3A_223 = tpu.sem_alloc : memref<!tpu.dma_semaphore, #tpu.memory_space<semaphore_mem>>
        %dma_start3A_224 = arith.constant 0 : i32
        %dma_start3A_225 = tpu.memref_slice %arg10[%rem3A_87, %run_scoped3A_119, %dma_start3A_224] : memref<2x8x125xi32, #tpu.memory_space<vmem>> -> memref<1x1x125xi32, #tpu.memory_space<vmem>>
        %dma_start3A_226 = tpu.memref_squeeze %dma_start3A_225 : memref<1x1x125xi32, #tpu.memory_space<vmem>> -> memref<125xi32, #tpu.memory_space<vmem>>
        %dma_start3A_227 = arith.constant 0 : i32
        %dma_start3A_228 = arith.constant 0 : i32
        %dma_start3A_229 = tpu.memref_slice %arg15[%dma_start3A_227, %dma_start3A_228] : memref<10000x8xf32, #tpu.memory_space<vmem_shared>> -> memref<10000x8xf32, #tpu.memory_space<vmem_shared>>
        tpu.enqueue_indirect_dma source(%arg13 : memref<125x8xf32, #tpu.memory_space<vmem>>) target(%dma_start3A_229 : memref<10000x8xf32, #tpu.memory_space<vmem_shared>>) offsets(%dma_start3A_226 : memref<125xi32, #tpu.memory_space<vmem>>) semaphore(%run_scoped3A_223 : memref<!tpu.dma_semaphore, #tpu.memory_space<semaphore_mem>>) {add = true}
        %dma_wait3A_230 = arith.constant 0 : i32
        %dma_wait3A_231 = tpu.memref_slice %arg10[%rem3A_87, %run_scoped3A_119, %dma_wait3A_230] : memref<2x8x125xi32, #tpu.memory_space<vmem>> -> memref<1x1x125xi32, #tpu.memory_space<vmem>>
        %dma_wait3A_232 = tpu.memref_squeeze %dma_wait3A_231 : memref<1x1x125xi32, #tpu.memory_space<vmem>> -> memref<125xi32, #tpu.memory_space<vmem>>
        %dma_wait3A_233 = arith.constant 0 : i32
        %dma_wait3A_234 = arith.constant 0 : i32
        %dma_wait3A_235 = tpu.memref_slice %arg15[%dma_wait3A_233, %dma_wait3A_234] : memref<10000x8xf32, #tpu.memory_space<vmem_shared>> -> memref<10000x8xf32, #tpu.memory_space<vmem_shared>>
        tpu.wait_indirect_dma semaphore(%run_scoped3A_223 : memref<!tpu.dma_semaphore, #tpu.memory_space<semaphore_mem>>) src(%arg13 : memref<125x8xf32, #tpu.memory_space<vmem>>) dst(%dma_wait3A_235 : memref<10000x8xf32, #tpu.memory_space<vmem_shared>>)
        tpu.yield
      }) : () -> ()
      %dma_start3A_120 = arith.constant 3 : i32
      %dma_start3A_121 = arith.constant 0 : i32
      %dma_start3A_122 = tpu.memref_slice %arg9[%rem3A_87, %dma_start3A_120, %dma_start3A_121] : memref<2x8x125xi32, #tpu.memory_space<vmem>> -> memref<1x1x125xi32, #tpu.memory_space<vmem>>
      %dma_start3A_123 = tpu.memref_squeeze %dma_start3A_122 : memref<1x1x125xi32, #tpu.memory_space<vmem>> -> memref<125xi32, #tpu.memory_space<vmem>>
      %dma_start3A_124 = arith.constant 0 : i32
      %dma_start3A_125 = arith.constant 0 : i32
      %dma_start3A_126 = tpu.memref_slice %arg2[%dma_start3A_124, %dma_start3A_125] : memref<10000x128xf32, #tpu.memory_space<hbm>> -> memref<10000x128xf32, #tpu.memory_space<hbm>>
      tpu.enqueue_indirect_dma source(%dma_start3A_126 : memref<10000x128xf32, #tpu.memory_space<hbm>>) target(%arg12 : memref<125x128xf32, #tpu.memory_space<vmem>>) offsets(%dma_start3A_123 : memref<125xi32, #tpu.memory_space<vmem>>) semaphore(%arg17 : memref<!tpu.dma_semaphore, #tpu.memory_space<semaphore_mem>>)
      %dma_wait3A_127 = arith.constant 2 : i32
      %dma_wait3A_128 = arith.constant 0 : i32
      %dma_wait3A_129 = tpu.memref_slice %arg9[%rem3A_87, %dma_wait3A_127, %dma_wait3A_128] : memref<2x8x125xi32, #tpu.memory_space<vmem>> -> memref<1x1x125xi32, #tpu.memory_space<vmem>>
      %dma_wait3A_130 = tpu.memref_squeeze %dma_wait3A_129 : memref<1x1x125xi32, #tpu.memory_space<vmem>> -> memref<125xi32, #tpu.memory_space<vmem>>
      %dma_wait3A_131 = arith.constant 0 : i32
      %dma_wait3A_132 = arith.constant 0 : i32
      %dma_wait3A_133 = tpu.memref_slice %arg2[%dma_wait3A_131, %dma_wait3A_132] : memref<10000x128xf32, #tpu.memory_space<hbm>> -> memref<10000x128xf32, #tpu.memory_space<hbm>>
      tpu.wait_indirect_dma semaphore(%arg16 : memref<!tpu.dma_semaphore, #tpu.memory_space<semaphore_mem>>) src(%dma_wait3A_133 : memref<10000x128xf32, #tpu.memory_space<hbm>>) dst(%arg11 : memref<125x128xf32, #tpu.memory_space<vmem>>)
      %run_scoped3A_134 = arith.constant 2 : i32
      "tpu.region"() ({
        %run_scoped3A_223 = tpu.sem_alloc : memref<!tpu.dma_semaphore, #tpu.memory_space<semaphore_mem>>
        %dma_start3A_224 = arith.constant 0 : i32
        %dma_start3A_225 = tpu.memref_slice %arg10[%rem3A_87, %run_scoped3A_134, %dma_start3A_224] : memref<2x8x125xi32, #tpu.memory_space<vmem>> -> memref<1x1x125xi32, #tpu.memory_space<vmem>>
        %dma_start3A_226 = tpu.memref_squeeze %dma_start3A_225 : memref<1x1x125xi32, #tpu.memory_space<vmem>> -> memref<125xi32, #tpu.memory_space<vmem>>
        %dma_start3A_227 = arith.constant 0 : i32
        %dma_start3A_228 = arith.constant 0 : i32
        %dma_start3A_229 = tpu.memref_slice %arg14[%dma_start3A_227, %dma_start3A_228] : memref<10000x128xf32, #tpu.memory_space<vmem_shared>> -> memref<10000x128xf32, #tpu.memory_space<vmem_shared>>
        tpu.enqueue_indirect_dma source(%arg11 : memref<125x128xf32, #tpu.memory_space<vmem>>) target(%dma_start3A_229 : memref<10000x128xf32, #tpu.memory_space<vmem_shared>>) offsets(%dma_start3A_226 : memref<125xi32, #tpu.memory_space<vmem>>) semaphore(%run_scoped3A_223 : memref<!tpu.dma_semaphore, #tpu.memory_space<semaphore_mem>>) {add = true}
        %dma_wait3A_230 = arith.constant 0 : i32
        %dma_wait3A_231 = tpu.memref_slice %arg10[%rem3A_87, %run_scoped3A_134, %dma_wait3A_230] : memref<2x8x125xi32, #tpu.memory_space<vmem>> -> memref<1x1x125xi32, #tpu.memory_space<vmem>>
        %dma_wait3A_232 = tpu.memref_squeeze %dma_wait3A_231 : memref<1x1x125xi32, #tpu.memory_space<vmem>> -> memref<125xi32, #tpu.memory_space<vmem>>
        %dma_wait3A_233 = arith.constant 0 : i32
        %dma_wait3A_234 = arith.constant 0 : i32
        %dma_wait3A_235 = tpu.memref_slice %arg14[%dma_wait3A_233, %dma_wait3A_234] : memref<10000x128xf32, #tpu.memory_space<vmem_shared>> -> memref<10000x128xf32, #tpu.memory_space<vmem_shared>>
        tpu.wait_indirect_dma semaphore(%run_scoped3A_223 : memref<!tpu.dma_semaphore, #tpu.memory_space<semaphore_mem>>) src(%arg11 : memref<125x128xf32, #tpu.memory_space<vmem>>) dst(%dma_wait3A_235 : memref<10000x128xf32, #tpu.memory_space<vmem_shared>>)
        tpu.yield
      }) : () -> ()
      %run_scoped3A_135 = arith.constant 2 : i32
      "tpu.region"() ({
        %run_scoped3A_223 = tpu.sem_alloc : memref<!tpu.dma_semaphore, #tpu.memory_space<semaphore_mem>>
        %dma_start3A_224 = arith.constant 0 : i32
        %dma_start3A_225 = tpu.memref_slice %arg10[%rem3A_87, %run_scoped3A_135, %dma_start3A_224] : memref<2x8x125xi32, #tpu.memory_space<vmem>> -> memref<1x1x125xi32, #tpu.memory_space<vmem>>
        %dma_start3A_226 = tpu.memref_squeeze %dma_start3A_225 : memref<1x1x125xi32, #tpu.memory_space<vmem>> -> memref<125xi32, #tpu.memory_space<vmem>>
        %dma_start3A_227 = arith.constant 0 : i32
        %dma_start3A_228 = arith.constant 0 : i32
        %dma_start3A_229 = tpu.memref_slice %arg15[%dma_start3A_227, %dma_start3A_228] : memref<10000x8xf32, #tpu.memory_space<vmem_shared>> -> memref<10000x8xf32, #tpu.memory_space<vmem_shared>>
        tpu.enqueue_indirect_dma source(%arg13 : memref<125x8xf32, #tpu.memory_space<vmem>>) target(%dma_start3A_229 : memref<10000x8xf32, #tpu.memory_space<vmem_shared>>) offsets(%dma_start3A_226 : memref<125xi32, #tpu.memory_space<vmem>>) semaphore(%run_scoped3A_223 : memref<!tpu.dma_semaphore, #tpu.memory_space<semaphore_mem>>) {add = true}
        %dma_wait3A_230 = arith.constant 0 : i32
        %dma_wait3A_231 = tpu.memref_slice %arg10[%rem3A_87, %run_scoped3A_135, %dma_wait3A_230] : memref<2x8x125xi32, #tpu.memory_space<vmem>> -> memref<1x1x125xi32, #tpu.memory_space<vmem>>
        %dma_wait3A_232 = tpu.memref_squeeze %dma_wait3A_231 : memref<1x1x125xi32, #tpu.memory_space<vmem>> -> memref<125xi32, #tpu.memory_space<vmem>>
        %dma_wait3A_233 = arith.constant 0 : i32
        %dma_wait3A_234 = arith.constant 0 : i32
        %dma_wait3A_235 = tpu.memref_slice %arg15[%dma_wait3A_233, %dma_wait3A_234] : memref<10000x8xf32, #tpu.memory_space<vmem_shared>> -> memref<10000x8xf32, #tpu.memory_space<vmem_shared>>
        tpu.wait_indirect_dma semaphore(%run_scoped3A_223 : memref<!tpu.dma_semaphore, #tpu.memory_space<semaphore_mem>>) src(%arg13 : memref<125x8xf32, #tpu.memory_space<vmem>>) dst(%dma_wait3A_235 : memref<10000x8xf32, #tpu.memory_space<vmem_shared>>)
        tpu.yield
      }) : () -> ()
      %dma_start3A_136 = arith.constant 4 : i32
      %dma_start3A_137 = arith.constant 0 : i32
      %dma_start3A_138 = tpu.memref_slice %arg9[%rem3A_87, %dma_start3A_136, %dma_start3A_137] : memref<2x8x125xi32, #tpu.memory_space<vmem>> -> memref<1x1x125xi32, #tpu.memory_space<vmem>>
      %dma_start3A_139 = tpu.memref_squeeze %dma_start3A_138 : memref<1x1x125xi32, #tpu.memory_space<vmem>> -> memref<125xi32, #tpu.memory_space<vmem>>
      %dma_start3A_140 = arith.constant 0 : i32
      %dma_start3A_141 = arith.constant 0 : i32
      %dma_start3A_142 = tpu.memref_slice %arg2[%dma_start3A_140, %dma_start3A_141] : memref<10000x128xf32, #tpu.memory_space<hbm>> -> memref<10000x128xf32, #tpu.memory_space<hbm>>
      tpu.enqueue_indirect_dma source(%dma_start3A_142 : memref<10000x128xf32, #tpu.memory_space<hbm>>) target(%arg11 : memref<125x128xf32, #tpu.memory_space<vmem>>) offsets(%dma_start3A_139 : memref<125xi32, #tpu.memory_space<vmem>>) semaphore(%arg16 : memref<!tpu.dma_semaphore, #tpu.memory_space<semaphore_mem>>)
      %dma_wait3A_143 = arith.constant 3 : i32
      %dma_wait3A_144 = arith.constant 0 : i32
      %dma_wait3A_145 = tpu.memref_slice %arg9[%rem3A_87, %dma_wait3A_143, %dma_wait3A_144] : memref<2x8x125xi32, #tpu.memory_space<vmem>> -> memref<1x1x125xi32, #tpu.memory_space<vmem>>
      %dma_wait3A_146 = tpu.memref_squeeze %dma_wait3A_145 : memref<1x1x125xi32, #tpu.memory_space<vmem>> -> memref<125xi32, #tpu.memory_space<vmem>>
      %dma_wait3A_147 = arith.constant 0 : i32
      %dma_wait3A_148 = arith.constant 0 : i32
      %dma_wait3A_149 = tpu.memref_slice %arg2[%dma_wait3A_147, %dma_wait3A_148] : memref<10000x128xf32, #tpu.memory_space<hbm>> -> memref<10000x128xf32, #tpu.memory_space<hbm>>
      tpu.wait_indirect_dma semaphore(%arg17 : memref<!tpu.dma_semaphore, #tpu.memory_space<semaphore_mem>>) src(%dma_wait3A_149 : memref<10000x128xf32, #tpu.memory_space<hbm>>) dst(%arg12 : memref<125x128xf32, #tpu.memory_space<vmem>>)
      %run_scoped3A_150 = arith.constant 3 : i32
      "tpu.region"() ({
        %run_scoped3A_223 = tpu.sem_alloc : memref<!tpu.dma_semaphore, #tpu.memory_space<semaphore_mem>>
        %dma_start3A_224 = arith.constant 0 : i32
        %dma_start3A_225 = tpu.memref_slice %arg10[%rem3A_87, %run_scoped3A_150, %dma_start3A_224] : memref<2x8x125xi32, #tpu.memory_space<vmem>> -> memref<1x1x125xi32, #tpu.memory_space<vmem>>
        %dma_start3A_226 = tpu.memref_squeeze %dma_start3A_225 : memref<1x1x125xi32, #tpu.memory_space<vmem>> -> memref<125xi32, #tpu.memory_space<vmem>>
        %dma_start3A_227 = arith.constant 0 : i32
        %dma_start3A_228 = arith.constant 0 : i32
        %dma_start3A_229 = tpu.memref_slice %arg14[%dma_start3A_227, %dma_start3A_228] : memref<10000x128xf32, #tpu.memory_space<vmem_shared>> -> memref<10000x128xf32, #tpu.memory_space<vmem_shared>>
        tpu.enqueue_indirect_dma source(%arg12 : memref<125x128xf32, #tpu.memory_space<vmem>>) target(%dma_start3A_229 : memref<10000x128xf32, #tpu.memory_space<vmem_shared>>) offsets(%dma_start3A_226 : memref<125xi32, #tpu.memory_space<vmem>>) semaphore(%run_scoped3A_223 : memref<!tpu.dma_semaphore, #tpu.memory_space<semaphore_mem>>) {add = true}
        %dma_wait3A_230 = arith.constant 0 : i32
        %dma_wait3A_231 = tpu.memref_slice %arg10[%rem3A_87, %run_scoped3A_150, %dma_wait3A_230] : memref<2x8x125xi32, #tpu.memory_space<vmem>> -> memref<1x1x125xi32, #tpu.memory_space<vmem>>
        %dma_wait3A_232 = tpu.memref_squeeze %dma_wait3A_231 : memref<1x1x125xi32, #tpu.memory_space<vmem>> -> memref<125xi32, #tpu.memory_space<vmem>>
        %dma_wait3A_233 = arith.constant 0 : i32
        %dma_wait3A_234 = arith.constant 0 : i32
        %dma_wait3A_235 = tpu.memref_slice %arg14[%dma_wait3A_233, %dma_wait3A_234] : memref<10000x128xf32, #tpu.memory_space<vmem_shared>> -> memref<10000x128xf32, #tpu.memory_space<vmem_shared>>
        tpu.wait_indirect_dma semaphore(%run_scoped3A_223 : memref<!tpu.dma_semaphore, #tpu.memory_space<semaphore_mem>>) src(%arg12 : memref<125x128xf32, #tpu.memory_space<vmem>>) dst(%dma_wait3A_235 : memref<10000x128xf32, #tpu.memory_space<vmem_shared>>)
        tpu.yield
      }) : () -> ()
      %run_scoped3A_151 = arith.constant 3 : i32
      "tpu.region"() ({
        %run_scoped3A_223 = tpu.sem_alloc : memref<!tpu.dma_semaphore, #tpu.memory_space<semaphore_mem>>
        %dma_start3A_224 = arith.constant 0 : i32
        %dma_start3A_225 = tpu.memref_slice %arg10[%rem3A_87, %run_scoped3A_151, %dma_start3A_224] : memref<2x8x125xi32, #tpu.memory_space<vmem>> -> memref<1x1x125xi32, #tpu.memory_space<vmem>>
        %dma_start3A_226 = tpu.memref_squeeze %dma_start3A_225 : memref<1x1x125xi32, #tpu.memory_space<vmem>> -> memref<125xi32, #tpu.memory_space<vmem>>
        %dma_start3A_227 = arith.constant 0 : i32
        %dma_start3A_228 = arith.constant 0 : i32
        %dma_start3A_229 = tpu.memref_slice %arg15[%dma_start3A_227, %dma_start3A_228] : memref<10000x8xf32, #tpu.memory_space<vmem_shared>> -> memref<10000x8xf32, #tpu.memory_space<vmem_shared>>
        tpu.enqueue_indirect_dma source(%arg13 : memref<125x8xf32, #tpu.memory_space<vmem>>) target(%dma_start3A_229 : memref<10000x8xf32, #tpu.memory_space<vmem_shared>>) offsets(%dma_start3A_226 : memref<125xi32, #tpu.memory_space<vmem>>) semaphore(%run_scoped3A_223 : memref<!tpu.dma_semaphore, #tpu.memory_space<semaphore_mem>>) {add = true}
        %dma_wait3A_230 = arith.constant 0 : i32
        %dma_wait3A_231 = tpu.memref_slice %arg10[%rem3A_87, %run_scoped3A_151, %dma_wait3A_230] : memref<2x8x125xi32, #tpu.memory_space<vmem>> -> memref<1x1x125xi32, #tpu.memory_space<vmem>>
        %dma_wait3A_232 = tpu.memref_squeeze %dma_wait3A_231 : memref<1x1x125xi32, #tpu.memory_space<vmem>> -> memref<125xi32, #tpu.memory_space<vmem>>
        %dma_wait3A_233 = arith.constant 0 : i32
        %dma_wait3A_234 = arith.constant 0 : i32
        %dma_wait3A_235 = tpu.memref_slice %arg15[%dma_wait3A_233, %dma_wait3A_234] : memref<10000x8xf32, #tpu.memory_space<vmem_shared>> -> memref<10000x8xf32, #tpu.memory_space<vmem_shared>>
        tpu.wait_indirect_dma semaphore(%run_scoped3A_223 : memref<!tpu.dma_semaphore, #tpu.memory_space<semaphore_mem>>) src(%arg13 : memref<125x8xf32, #tpu.memory_space<vmem>>) dst(%dma_wait3A_235 : memref<10000x8xf32, #tpu.memory_space<vmem_shared>>)
        tpu.yield
      }) : () -> ()
      %dma_start3A_152 = arith.constant 5 : i32
      %dma_start3A_153 = arith.constant 0 : i32
      %dma_start3A_154 = tpu.memref_slice %arg9[%rem3A_87, %dma_start3A_152, %dma_start3A_153] : memref<2x8x125xi32, #tpu.memory_space<vmem>> -> memref<1x1x125xi32, #tpu.memory_space<vmem>>
      %dma_start3A_155 = tpu.memref_squeeze %dma_start3A_154 : memref<1x1x125xi32, #tpu.memory_space<vmem>> -> memref<125xi32, #tpu.memory_space<vmem>>
      %dma_start3A_156 = arith.constant 0 : i32
      %dma_start3A_157 = arith.constant 0 : i32
      %dma_start3A_158 = tpu.memref_slice %arg2[%dma_start3A_156, %dma_start3A_157] : memref<10000x128xf32, #tpu.memory_space<hbm>> -> memref<10000x128xf32, #tpu.memory_space<hbm>>
      tpu.enqueue_indirect_dma source(%dma_start3A_158 : memref<10000x128xf32, #tpu.memory_space<hbm>>) target(%arg12 : memref<125x128xf32, #tpu.memory_space<vmem>>) offsets(%dma_start3A_155 : memref<125xi32, #tpu.memory_space<vmem>>) semaphore(%arg17 : memref<!tpu.dma_semaphore, #tpu.memory_space<semaphore_mem>>)
      %dma_wait3A_159 = arith.constant 4 : i32
      %dma_wait3A_160 = arith.constant 0 : i32
      %dma_wait3A_161 = tpu.memref_slice %arg9[%rem3A_87, %dma_wait3A_159, %dma_wait3A_160] : memref<2x8x125xi32, #tpu.memory_space<vmem>> -> memref<1x1x125xi32, #tpu.memory_space<vmem>>
      %dma_wait3A_162 = tpu.memref_squeeze %dma_wait3A_161 : memref<1x1x125xi32, #tpu.memory_space<vmem>> -> memref<125xi32, #tpu.memory_space<vmem>>
      %dma_wait3A_163 = arith.constant 0 : i32
      %dma_wait3A_164 = arith.constant 0 : i32
      %dma_wait3A_165 = tpu.memref_slice %arg2[%dma_wait3A_163, %dma_wait3A_164] : memref<10000x128xf32, #tpu.memory_space<hbm>> -> memref<10000x128xf32, #tpu.memory_space<hbm>>
      tpu.wait_indirect_dma semaphore(%arg16 : memref<!tpu.dma_semaphore, #tpu.memory_space<semaphore_mem>>) src(%dma_wait3A_165 : memref<10000x128xf32, #tpu.memory_space<hbm>>) dst(%arg11 : memref<125x128xf32, #tpu.memory_space<vmem>>)
      %run_scoped3A_166 = arith.constant 4 : i32
      "tpu.region"() ({
        %run_scoped3A_223 = tpu.sem_alloc : memref<!tpu.dma_semaphore, #tpu.memory_space<semaphore_mem>>
        %dma_start3A_224 = arith.constant 0 : i32
        %dma_start3A_225 = tpu.memref_slice %arg10[%rem3A_87, %run_scoped3A_166, %dma_start3A_224] : memref<2x8x125xi32, #tpu.memory_space<vmem>> -> memref<1x1x125xi32, #tpu.memory_space<vmem>>
        %dma_start3A_226 = tpu.memref_squeeze %dma_start3A_225 : memref<1x1x125xi32, #tpu.memory_space<vmem>> -> memref<125xi32, #tpu.memory_space<vmem>>
        %dma_start3A_227 = arith.constant 0 : i32
        %dma_start3A_228 = arith.constant 0 : i32
        %dma_start3A_229 = tpu.memref_slice %arg14[%dma_start3A_227, %dma_start3A_228] : memref<10000x128xf32, #tpu.memory_space<vmem_shared>> -> memref<10000x128xf32, #tpu.memory_space<vmem_shared>>
        tpu.enqueue_indirect_dma source(%arg11 : memref<125x128xf32, #tpu.memory_space<vmem>>) target(%dma_start3A_229 : memref<10000x128xf32, #tpu.memory_space<vmem_shared>>) offsets(%dma_start3A_226 : memref<125xi32, #tpu.memory_space<vmem>>) semaphore(%run_scoped3A_223 : memref<!tpu.dma_semaphore, #tpu.memory_space<semaphore_mem>>) {add = true}
        %dma_wait3A_230 = arith.constant 0 : i32
        %dma_wait3A_231 = tpu.memref_slice %arg10[%rem3A_87, %run_scoped3A_166, %dma_wait3A_230] : memref<2x8x125xi32, #tpu.memory_space<vmem>> -> memref<1x1x125xi32, #tpu.memory_space<vmem>>
        %dma_wait3A_232 = tpu.memref_squeeze %dma_wait3A_231 : memref<1x1x125xi32, #tpu.memory_space<vmem>> -> memref<125xi32, #tpu.memory_space<vmem>>
        %dma_wait3A_233 = arith.constant 0 : i32
        %dma_wait3A_234 = arith.constant 0 : i32
        %dma_wait3A_235 = tpu.memref_slice %arg14[%dma_wait3A_233, %dma_wait3A_234] : memref<10000x128xf32, #tpu.memory_space<vmem_shared>> -> memref<10000x128xf32, #tpu.memory_space<vmem_shared>>
        tpu.wait_indirect_dma semaphore(%run_scoped3A_223 : memref<!tpu.dma_semaphore, #tpu.memory_space<semaphore_mem>>) src(%arg11 : memref<125x128xf32, #tpu.memory_space<vmem>>) dst(%dma_wait3A_235 : memref<10000x128xf32, #tpu.memory_space<vmem_shared>>)
        tpu.yield
      }) : () -> ()
      %run_scoped3A_167 = arith.constant 4 : i32
      "tpu.region"() ({
        %run_scoped3A_223 = tpu.sem_alloc : memref<!tpu.dma_semaphore, #tpu.memory_space<semaphore_mem>>
        %dma_start3A_224 = arith.constant 0 : i32
        %dma_start3A_225 = tpu.memref_slice %arg10[%rem3A_87, %run_scoped3A_167, %dma_start3A_224] : memref<2x8x125xi32, #tpu.memory_space<vmem>> -> memref<1x1x125xi32, #tpu.memory_space<vmem>>
        %dma_start3A_226 = tpu.memref_squeeze %dma_start3A_225 : memref<1x1x125xi32, #tpu.memory_space<vmem>> -> memref<125xi32, #tpu.memory_space<vmem>>
        %dma_start3A_227 = arith.constant 0 : i32
        %dma_start3A_228 = arith.constant 0 : i32
        %dma_start3A_229 = tpu.memref_slice %arg15[%dma_start3A_227, %dma_start3A_228] : memref<10000x8xf32, #tpu.memory_space<vmem_shared>> -> memref<10000x8xf32, #tpu.memory_space<vmem_shared>>
        tpu.enqueue_indirect_dma source(%arg13 : memref<125x8xf32, #tpu.memory_space<vmem>>) target(%dma_start3A_229 : memref<10000x8xf32, #tpu.memory_space<vmem_shared>>) offsets(%dma_start3A_226 : memref<125xi32, #tpu.memory_space<vmem>>) semaphore(%run_scoped3A_223 : memref<!tpu.dma_semaphore, #tpu.memory_space<semaphore_mem>>) {add = true}
        %dma_wait3A_230 = arith.constant 0 : i32
        %dma_wait3A_231 = tpu.memref_slice %arg10[%rem3A_87, %run_scoped3A_167, %dma_wait3A_230] : memref<2x8x125xi32, #tpu.memory_space<vmem>> -> memref<1x1x125xi32, #tpu.memory_space<vmem>>
        %dma_wait3A_232 = tpu.memref_squeeze %dma_wait3A_231 : memref<1x1x125xi32, #tpu.memory_space<vmem>> -> memref<125xi32, #tpu.memory_space<vmem>>
        %dma_wait3A_233 = arith.constant 0 : i32
        %dma_wait3A_234 = arith.constant 0 : i32
        %dma_wait3A_235 = tpu.memref_slice %arg15[%dma_wait3A_233, %dma_wait3A_234] : memref<10000x8xf32, #tpu.memory_space<vmem_shared>> -> memref<10000x8xf32, #tpu.memory_space<vmem_shared>>
        tpu.wait_indirect_dma semaphore(%run_scoped3A_223 : memref<!tpu.dma_semaphore, #tpu.memory_space<semaphore_mem>>) src(%arg13 : memref<125x8xf32, #tpu.memory_space<vmem>>) dst(%dma_wait3A_235 : memref<10000x8xf32, #tpu.memory_space<vmem_shared>>)
        tpu.yield
      }) : () -> ()
      %dma_start3A_168 = arith.constant 6 : i32
      %dma_start3A_169 = arith.constant 0 : i32
      %dma_start3A_170 = tpu.memref_slice %arg9[%rem3A_87, %dma_start3A_168, %dma_start3A_169] : memref<2x8x125xi32, #tpu.memory_space<vmem>> -> memref<1x1x125xi32, #tpu.memory_space<vmem>>
      %dma_start3A_171 = tpu.memref_squeeze %dma_start3A_170 : memref<1x1x125xi32, #tpu.memory_space<vmem>> -> memref<125xi32, #tpu.memory_space<vmem>>
      %dma_start3A_172 = arith.constant 0 : i32
      %dma_start3A_173 = arith.constant 0 : i32
      %dma_start3A_174 = tpu.memref_slice %arg2[%dma_start3A_172, %dma_start3A_173] : memref<10000x128xf32, #tpu.memory_space<hbm>> -> memref<10000x128xf32, #tpu.memory_space<hbm>>
      tpu.enqueue_indirect_dma source(%dma_start3A_174 : memref<10000x128xf32, #tpu.memory_space<hbm>>) target(%arg11 : memref<125x128xf32, #tpu.memory_space<vmem>>) offsets(%dma_start3A_171 : memref<125xi32, #tpu.memory_space<vmem>>) semaphore(%arg16 : memref<!tpu.dma_semaphore, #tpu.memory_space<semaphore_mem>>)
      %dma_wait3A_175 = arith.constant 5 : i32
      %dma_wait3A_176 = arith.constant 0 : i32
      %dma_wait3A_177 = tpu.memref_slice %arg9[%rem3A_87, %dma_wait3A_175, %dma_wait3A_176] : memref<2x8x125xi32, #tpu.memory_space<vmem>> -> memref<1x1x125xi32, #tpu.memory_space<vmem>>
      %dma_wait3A_178 = tpu.memref_squeeze %dma_wait3A_177 : memref<1x1x125xi32, #tpu.memory_space<vmem>> -> memref<125xi32, #tpu.memory_space<vmem>>
      %dma_wait3A_179 = arith.constant 0 : i32
      %dma_wait3A_180 = arith.constant 0 : i32
      %dma_wait3A_181 = tpu.memref_slice %arg2[%dma_wait3A_179, %dma_wait3A_180] : memref<10000x128xf32, #tpu.memory_space<hbm>> -> memref<10000x128xf32, #tpu.memory_space<hbm>>
      tpu.wait_indirect_dma semaphore(%arg17 : memref<!tpu.dma_semaphore, #tpu.memory_space<semaphore_mem>>) src(%dma_wait3A_181 : memref<10000x128xf32, #tpu.memory_space<hbm>>) dst(%arg12 : memref<125x128xf32, #tpu.memory_space<vmem>>)
      %run_scoped3A_182 = arith.constant 5 : i32
      "tpu.region"() ({
        %run_scoped3A_223 = tpu.sem_alloc : memref<!tpu.dma_semaphore, #tpu.memory_space<semaphore_mem>>
        %dma_start3A_224 = arith.constant 0 : i32
        %dma_start3A_225 = tpu.memref_slice %arg10[%rem3A_87, %run_scoped3A_182, %dma_start3A_224] : memref<2x8x125xi32, #tpu.memory_space<vmem>> -> memref<1x1x125xi32, #tpu.memory_space<vmem>>
        %dma_start3A_226 = tpu.memref_squeeze %dma_start3A_225 : memref<1x1x125xi32, #tpu.memory_space<vmem>> -> memref<125xi32, #tpu.memory_space<vmem>>
        %dma_start3A_227 = arith.constant 0 : i32
        %dma_start3A_228 = arith.constant 0 : i32
        %dma_start3A_229 = tpu.memref_slice %arg14[%dma_start3A_227, %dma_start3A_228] : memref<10000x128xf32, #tpu.memory_space<vmem_shared>> -> memref<10000x128xf32, #tpu.memory_space<vmem_shared>>
        tpu.enqueue_indirect_dma source(%arg12 : memref<125x128xf32, #tpu.memory_space<vmem>>) target(%dma_start3A_229 : memref<10000x128xf32, #tpu.memory_space<vmem_shared>>) offsets(%dma_start3A_226 : memref<125xi32, #tpu.memory_space<vmem>>) semaphore(%run_scoped3A_223 : memref<!tpu.dma_semaphore, #tpu.memory_space<semaphore_mem>>) {add = true}
        %dma_wait3A_230 = arith.constant 0 : i32
        %dma_wait3A_231 = tpu.memref_slice %arg10[%rem3A_87, %run_scoped3A_182, %dma_wait3A_230] : memref<2x8x125xi32, #tpu.memory_space<vmem>> -> memref<1x1x125xi32, #tpu.memory_space<vmem>>
        %dma_wait3A_232 = tpu.memref_squeeze %dma_wait3A_231 : memref<1x1x125xi32, #tpu.memory_space<vmem>> -> memref<125xi32, #tpu.memory_space<vmem>>
        %dma_wait3A_233 = arith.constant 0 : i32
        %dma_wait3A_234 = arith.constant 0 : i32
        %dma_wait3A_235 = tpu.memref_slice %arg14[%dma_wait3A_233, %dma_wait3A_234] : memref<10000x128xf32, #tpu.memory_space<vmem_shared>> -> memref<10000x128xf32, #tpu.memory_space<vmem_shared>>
        tpu.wait_indirect_dma semaphore(%run_scoped3A_223 : memref<!tpu.dma_semaphore, #tpu.memory_space<semaphore_mem>>) src(%arg12 : memref<125x128xf32, #tpu.memory_space<vmem>>) dst(%dma_wait3A_235 : memref<10000x128xf32, #tpu.memory_space<vmem_shared>>)
        tpu.yield
      }) : () -> ()
      %run_scoped3A_183 = arith.constant 5 : i32
      "tpu.region"() ({
        %run_scoped3A_223 = tpu.sem_alloc : memref<!tpu.dma_semaphore, #tpu.memory_space<semaphore_mem>>
        %dma_start3A_224 = arith.constant 0 : i32
        %dma_start3A_225 = tpu.memref_slice %arg10[%rem3A_87, %run_scoped3A_183, %dma_start3A_224] : memref<2x8x125xi32, #tpu.memory_space<vmem>> -> memref<1x1x125xi32, #tpu.memory_space<vmem>>
        %dma_start3A_226 = tpu.memref_squeeze %dma_start3A_225 : memref<1x1x125xi32, #tpu.memory_space<vmem>> -> memref<125xi32, #tpu.memory_space<vmem>>
        %dma_start3A_227 = arith.constant 0 : i32
        %dma_start3A_228 = arith.constant 0 : i32
        %dma_start3A_229 = tpu.memref_slice %arg15[%dma_start3A_227, %dma_start3A_228] : memref<10000x8xf32, #tpu.memory_space<vmem_shared>> -> memref<10000x8xf32, #tpu.memory_space<vmem_shared>>
        tpu.enqueue_indirect_dma source(%arg13 : memref<125x8xf32, #tpu.memory_space<vmem>>) target(%dma_start3A_229 : memref<10000x8xf32, #tpu.memory_space<vmem_shared>>) offsets(%dma_start3A_226 : memref<125xi32, #tpu.memory_space<vmem>>) semaphore(%run_scoped3A_223 : memref<!tpu.dma_semaphore, #tpu.memory_space<semaphore_mem>>) {add = true}
        %dma_wait3A_230 = arith.constant 0 : i32
        %dma_wait3A_231 = tpu.memref_slice %arg10[%rem3A_87, %run_scoped3A_183, %dma_wait3A_230] : memref<2x8x125xi32, #tpu.memory_space<vmem>> -> memref<1x1x125xi32, #tpu.memory_space<vmem>>
        %dma_wait3A_232 = tpu.memref_squeeze %dma_wait3A_231 : memref<1x1x125xi32, #tpu.memory_space<vmem>> -> memref<125xi32, #tpu.memory_space<vmem>>
        %dma_wait3A_233 = arith.constant 0 : i32
        %dma_wait3A_234 = arith.constant 0 : i32
        %dma_wait3A_235 = tpu.memref_slice %arg15[%dma_wait3A_233, %dma_wait3A_234] : memref<10000x8xf32, #tpu.memory_space<vmem_shared>> -> memref<10000x8xf32, #tpu.memory_space<vmem_shared>>
        tpu.wait_indirect_dma semaphore(%run_scoped3A_223 : memref<!tpu.dma_semaphore, #tpu.memory_space<semaphore_mem>>) src(%arg13 : memref<125x8xf32, #tpu.memory_space<vmem>>) dst(%dma_wait3A_235 : memref<10000x8xf32, #tpu.memory_space<vmem_shared>>)
        tpu.yield
      }) : () -> ()
      %dma_start3A_184 = arith.constant 7 : i32
      %dma_start3A_185 = arith.constant 0 : i32
      %dma_start3A_186 = tpu.memref_slice %arg9[%rem3A_87, %dma_start3A_184, %dma_start3A_185] : memref<2x8x125xi32, #tpu.memory_space<vmem>> -> memref<1x1x125xi32, #tpu.memory_space<vmem>>
      %dma_start3A_187 = tpu.memref_squeeze %dma_start3A_186 : memref<1x1x125xi32, #tpu.memory_space<vmem>> -> memref<125xi32, #tpu.memory_space<vmem>>
      %dma_start3A_188 = arith.constant 0 : i32
      %dma_start3A_189 = arith.constant 0 : i32
      %dma_start3A_190 = tpu.memref_slice %arg2[%dma_start3A_188, %dma_start3A_189] : memref<10000x128xf32, #tpu.memory_space<hbm>> -> memref<10000x128xf32, #tpu.memory_space<hbm>>
      tpu.enqueue_indirect_dma source(%dma_start3A_190 : memref<10000x128xf32, #tpu.memory_space<hbm>>) target(%arg12 : memref<125x128xf32, #tpu.memory_space<vmem>>) offsets(%dma_start3A_187 : memref<125xi32, #tpu.memory_space<vmem>>) semaphore(%arg17 : memref<!tpu.dma_semaphore, #tpu.memory_space<semaphore_mem>>)
      %dma_wait3A_191 = arith.constant 6 : i32
      %dma_wait3A_192 = arith.constant 0 : i32
      %dma_wait3A_193 = tpu.memref_slice %arg9[%rem3A_87, %dma_wait3A_191, %dma_wait3A_192] : memref<2x8x125xi32, #tpu.memory_space<vmem>> -> memref<1x1x125xi32, #tpu.memory_space<vmem>>
      %dma_wait3A_194 = tpu.memref_squeeze %dma_wait3A_193 : memref<1x1x125xi32, #tpu.memory_space<vmem>> -> memref<125xi32, #tpu.memory_space<vmem>>
      %dma_wait3A_195 = arith.constant 0 : i32
      %dma_wait3A_196 = arith.constant 0 : i32
      %dma_wait3A_197 = tpu.memref_slice %arg2[%dma_wait3A_195, %dma_wait3A_196] : memref<10000x128xf32, #tpu.memory_space<hbm>> -> memref<10000x128xf32, #tpu.memory_space<hbm>>
      tpu.wait_indirect_dma semaphore(%arg16 : memref<!tpu.dma_semaphore, #tpu.memory_space<semaphore_mem>>) src(%dma_wait3A_197 : memref<10000x128xf32, #tpu.memory_space<hbm>>) dst(%arg11 : memref<125x128xf32, #tpu.memory_space<vmem>>)
      %run_scoped3A_198 = arith.constant 6 : i32
      "tpu.region"() ({
        %run_scoped3A_223 = tpu.sem_alloc : memref<!tpu.dma_semaphore, #tpu.memory_space<semaphore_mem>>
        %dma_start3A_224 = arith.constant 0 : i32
        %dma_start3A_225 = tpu.memref_slice %arg10[%rem3A_87, %run_scoped3A_198, %dma_start3A_224] : memref<2x8x125xi32, #tpu.memory_space<vmem>> -> memref<1x1x125xi32, #tpu.memory_space<vmem>>
        %dma_start3A_226 = tpu.memref_squeeze %dma_start3A_225 : memref<1x1x125xi32, #tpu.memory_space<vmem>> -> memref<125xi32, #tpu.memory_space<vmem>>
        %dma_start3A_227 = arith.constant 0 : i32
        %dma_start3A_228 = arith.constant 0 : i32
        %dma_start3A_229 = tpu.memref_slice %arg14[%dma_start3A_227, %dma_start3A_228] : memref<10000x128xf32, #tpu.memory_space<vmem_shared>> -> memref<10000x128xf32, #tpu.memory_space<vmem_shared>>
        tpu.enqueue_indirect_dma source(%arg11 : memref<125x128xf32, #tpu.memory_space<vmem>>) target(%dma_start3A_229 : memref<10000x128xf32, #tpu.memory_space<vmem_shared>>) offsets(%dma_start3A_226 : memref<125xi32, #tpu.memory_space<vmem>>) semaphore(%run_scoped3A_223 : memref<!tpu.dma_semaphore, #tpu.memory_space<semaphore_mem>>) {add = true}
        %dma_wait3A_230 = arith.constant 0 : i32
        %dma_wait3A_231 = tpu.memref_slice %arg10[%rem3A_87, %run_scoped3A_198, %dma_wait3A_230] : memref<2x8x125xi32, #tpu.memory_space<vmem>> -> memref<1x1x125xi32, #tpu.memory_space<vmem>>
        %dma_wait3A_232 = tpu.memref_squeeze %dma_wait3A_231 : memref<1x1x125xi32, #tpu.memory_space<vmem>> -> memref<125xi32, #tpu.memory_space<vmem>>
        %dma_wait3A_233 = arith.constant 0 : i32
        %dma_wait3A_234 = arith.constant 0 : i32
        %dma_wait3A_235 = tpu.memref_slice %arg14[%dma_wait3A_233, %dma_wait3A_234] : memref<10000x128xf32, #tpu.memory_space<vmem_shared>> -> memref<10000x128xf32, #tpu.memory_space<vmem_shared>>
        tpu.wait_indirect_dma semaphore(%run_scoped3A_223 : memref<!tpu.dma_semaphore, #tpu.memory_space<semaphore_mem>>) src(%arg11 : memref<125x128xf32, #tpu.memory_space<vmem>>) dst(%dma_wait3A_235 : memref<10000x128xf32, #tpu.memory_space<vmem_shared>>)
        tpu.yield
      }) : () -> ()
      %run_scoped3A_199 = arith.constant 6 : i32
      "tpu.region"() ({
        %run_scoped3A_223 = tpu.sem_alloc : memref<!tpu.dma_semaphore, #tpu.memory_space<semaphore_mem>>
        %dma_start3A_224 = arith.constant 0 : i32
        %dma_start3A_225 = tpu.memref_slice %arg10[%rem3A_87, %run_scoped3A_199, %dma_start3A_224] : memref<2x8x125xi32, #tpu.memory_space<vmem>> -> memref<1x1x125xi32, #tpu.memory_space<vmem>>
        %dma_start3A_226 = tpu.memref_squeeze %dma_start3A_225 : memref<1x1x125xi32, #tpu.memory_space<vmem>> -> memref<125xi32, #tpu.memory_space<vmem>>
        %dma_start3A_227 = arith.constant 0 : i32
        %dma_start3A_228 = arith.constant 0 : i32
        %dma_start3A_229 = tpu.memref_slice %arg15[%dma_start3A_227, %dma_start3A_228] : memref<10000x8xf32, #tpu.memory_space<vmem_shared>> -> memref<10000x8xf32, #tpu.memory_space<vmem_shared>>
        tpu.enqueue_indirect_dma source(%arg13 : memref<125x8xf32, #tpu.memory_space<vmem>>) target(%dma_start3A_229 : memref<10000x8xf32, #tpu.memory_space<vmem_shared>>) offsets(%dma_start3A_226 : memref<125xi32, #tpu.memory_space<vmem>>) semaphore(%run_scoped3A_223 : memref<!tpu.dma_semaphore, #tpu.memory_space<semaphore_mem>>) {add = true}
        %dma_wait3A_230 = arith.constant 0 : i32
        %dma_wait3A_231 = tpu.memref_slice %arg10[%rem3A_87, %run_scoped3A_199, %dma_wait3A_230] : memref<2x8x125xi32, #tpu.memory_space<vmem>> -> memref<1x1x125xi32, #tpu.memory_space<vmem>>
        %dma_wait3A_232 = tpu.memref_squeeze %dma_wait3A_231 : memref<1x1x125xi32, #tpu.memory_space<vmem>> -> memref<125xi32, #tpu.memory_space<vmem>>
        %dma_wait3A_233 = arith.constant 0 : i32
        %dma_wait3A_234 = arith.constant 0 : i32
        %dma_wait3A_235 = tpu.memref_slice %arg15[%dma_wait3A_233, %dma_wait3A_234] : memref<10000x8xf32, #tpu.memory_space<vmem_shared>> -> memref<10000x8xf32, #tpu.memory_space<vmem_shared>>
        tpu.wait_indirect_dma semaphore(%run_scoped3A_223 : memref<!tpu.dma_semaphore, #tpu.memory_space<semaphore_mem>>) src(%arg13 : memref<125x8xf32, #tpu.memory_space<vmem>>) dst(%dma_wait3A_235 : memref<10000x8xf32, #tpu.memory_space<vmem_shared>>)
        tpu.yield
      }) : () -> ()
      %add3A_200 = arith.constant 1 : i32
      %add3A_201 = arith.addi %scan3A_85, %add3A_200 : i32
      %lt3A = arith.constant 10 : i32
      %lt3A_202 = arith.cmpi slt, %add3A_201, %lt3A : i32
      %convert_element_type3A_203 = arith.extui %lt3A_202 : i1 to i32
      %cond3A_204 = arith.constant 0 : i32
      %cond3A_205 = arith.cmpi ne, %convert_element_type3A_203, %cond3A_204 : i32
      scf.if %cond3A_205 {
        %add3A_223 = arith.constant 1 : i32
        %add3A_224 = arith.addi %scan3A_85, %add3A_223 : i32
        %mul3A_225 = arith.constant 8 : i32
        %mul3A_226 = arith.muli %add3A_224, %mul3A_225 : i32
        %dma_wait3A_227 = arith.constant 0 : i32
        %dma_wait3A_228 = arith.constant 0 : i32
        %dma_wait3A_229 = tpu.memref_slice %arg9[%sub3A_88, %dma_wait3A_227, %dma_wait3A_228] : memref<2x8x125xi32, #tpu.memory_space<vmem>> -> memref<1x8x125xi32, #tpu.memory_space<vmem>>
        %dma_wait3A_230 = tpu.memref_squeeze %dma_wait3A_229 : memref<1x8x125xi32, #tpu.memory_space<vmem>> -> memref<8x125xi32, #tpu.memory_space<vmem>>
        %dma_wait3A_231 = arith.constant 0 : i32
        %dma_wait3A_232 = arith.constant 0 : i32
        %dma_wait3A_233 = arith.constant 0 : i32
        %dma_wait3A_234 = tpu.memref_slice %arg3[%scan3A, %dma_wait3A_231, %dma_wait3A_232, %dma_wait3A_233] : memref<2x32x80x125xi32, #tpu.memory_space<hbm>> -> memref<1x32x80x125xi32, #tpu.memory_space<hbm>>
        %dma_wait3A_235 = tpu.memref_squeeze %dma_wait3A_234 : memref<1x32x80x125xi32, #tpu.memory_space<hbm>> -> memref<32x80x125xi32, #tpu.memory_space<hbm>>
        %dma_wait3A_236 = arith.constant 0 : i32
        %dma_wait3A_237 = tpu.memref_slice %dma_wait3A_235[%add3A, %mul3A_226, %dma_wait3A_236] : memref<32x80x125xi32, #tpu.memory_space<hbm>> -> memref<1x8x125xi32, #tpu.memory_space<hbm>>
        %dma_wait3A_238 = tpu.memref_squeeze %dma_wait3A_237 : memref<1x8x125xi32, #tpu.memory_space<hbm>> -> memref<8x125xi32, #tpu.memory_space<hbm>>
        %dma_wait3A_239 = arith.constant 0 : i32
        %dma_wait3A_240 = arith.constant 0 : i32
        %dma_wait3A_241 = tpu.memref_slice %arg9[%sub3A_88, %dma_wait3A_239, %dma_wait3A_240] : memref<2x8x125xi32, #tpu.memory_space<vmem>> -> memref<1x8x125xi32, #tpu.memory_space<vmem>>
        %dma_wait3A_242 = tpu.memref_squeeze %dma_wait3A_241 : memref<1x8x125xi32, #tpu.memory_space<vmem>> -> memref<8x125xi32, #tpu.memory_space<vmem>>
        %dma_wait3A_243 = arith.constant 0 : i32
        %dma_wait3A_244 = arith.constant 0 : i32
        %dma_wait3A_245 = arith.constant 0 : i32
        %dma_wait3A_246 = tpu.memref_slice %arg3[%scan3A, %dma_wait3A_243, %dma_wait3A_244, %dma_wait3A_245] : memref<2x32x80x125xi32, #tpu.memory_space<hbm>> -> memref<1x32x80x125xi32, #tpu.memory_space<hbm>>
        %dma_wait3A_247 = tpu.memref_squeeze %dma_wait3A_246 : memref<1x32x80x125xi32, #tpu.memory_space<hbm>> -> memref<32x80x125xi32, #tpu.memory_space<hbm>>
        %dma_wait3A_248 = arith.constant 0 : i32
        %dma_wait3A_249 = tpu.memref_slice %dma_wait3A_247[%add3A, %mul3A_226, %dma_wait3A_248] : memref<32x80x125xi32, #tpu.memory_space<hbm>> -> memref<1x8x125xi32, #tpu.memory_space<hbm>>
        %dma_wait3A_250 = tpu.memref_squeeze %dma_wait3A_249 : memref<1x8x125xi32, #tpu.memory_space<hbm>> -> memref<8x125xi32, #tpu.memory_space<hbm>>
        tpu.wait_dma2 semaphore(%arg18 : memref<!tpu.dma_semaphore, #tpu.memory_space<semaphore_mem>>) src(%dma_wait3A_250 : memref<8x125xi32, #tpu.memory_space<hbm>>) dst(%dma_wait3A_242 : memref<8x125xi32, #tpu.memory_space<vmem>>)
        %add3A_251 = arith.constant 1 : i32
        %add3A_252 = arith.addi %scan3A_85, %add3A_251 : i32
        %mul3A_253 = arith.constant 8 : i32
        %mul3A_254 = arith.muli %add3A_252, %mul3A_253 : i32
        %dma_wait3A_255 = arith.constant 0 : i32
        %dma_wait3A_256 = arith.constant 0 : i32
        %dma_wait3A_257 = tpu.memref_slice %arg10[%sub3A_88, %dma_wait3A_255, %dma_wait3A_256] : memref<2x8x125xi32, #tpu.memory_space<vmem>> -> memref<1x8x125xi32, #tpu.memory_space<vmem>>
        %dma_wait3A_258 = tpu.memref_squeeze %dma_wait3A_257 : memref<1x8x125xi32, #tpu.memory_space<vmem>> -> memref<8x125xi32, #tpu.memory_space<vmem>>
        %dma_wait3A_259 = arith.constant 0 : i32
        %dma_wait3A_260 = arith.constant 0 : i32
        %dma_wait3A_261 = arith.constant 0 : i32
        %dma_wait3A_262 = tpu.memref_slice %arg3[%scan3A_71, %dma_wait3A_259, %dma_wait3A_260, %dma_wait3A_261] : memref<2x32x80x125xi32, #tpu.memory_space<hbm>> -> memref<1x32x80x125xi32, #tpu.memory_space<hbm>>
        %dma_wait3A_263 = tpu.memref_squeeze %dma_wait3A_262 : memref<1x32x80x125xi32, #tpu.memory_space<hbm>> -> memref<32x80x125xi32, #tpu.memory_space<hbm>>
        %dma_wait3A_264 = arith.constant 0 : i32
        %dma_wait3A_265 = tpu.memref_slice %dma_wait3A_263[%add3A, %mul3A_254, %dma_wait3A_264] : memref<32x80x125xi32, #tpu.memory_space<hbm>> -> memref<1x8x125xi32, #tpu.memory_space<hbm>>
        %dma_wait3A_266 = tpu.memref_squeeze %dma_wait3A_265 : memref<1x8x125xi32, #tpu.memory_space<hbm>> -> memref<8x125xi32, #tpu.memory_space<hbm>>
        %dma_wait3A_267 = arith.constant 0 : i32
        %dma_wait3A_268 = arith.constant 0 : i32
        %dma_wait3A_269 = tpu.memref_slice %arg10[%sub3A_88, %dma_wait3A_267, %dma_wait3A_268] : memref<2x8x125xi32, #tpu.memory_space<vmem>> -> memref<1x8x125xi32, #tpu.memory_space<vmem>>
        %dma_wait3A_270 = tpu.memref_squeeze %dma_wait3A_269 : memref<1x8x125xi32, #tpu.memory_space<vmem>> -> memref<8x125xi32, #tpu.memory_space<vmem>>
        %dma_wait3A_271 = arith.constant 0 : i32
        %dma_wait3A_272 = arith.constant 0 : i32
        %dma_wait3A_273 = arith.constant 0 : i32
        %dma_wait3A_274 = tpu.memref_slice %arg3[%scan3A_71, %dma_wait3A_271, %dma_wait3A_272, %dma_wait3A_273] : memref<2x32x80x125xi32, #tpu.memory_space<hbm>> -> memref<1x32x80x125xi32, #tpu.memory_space<hbm>>
        %dma_wait3A_275 = tpu.memref_squeeze %dma_wait3A_274 : memref<1x32x80x125xi32, #tpu.memory_space<hbm>> -> memref<32x80x125xi32, #tpu.memory_space<hbm>>
        %dma_wait3A_276 = arith.constant 0 : i32
        %dma_wait3A_277 = tpu.memref_slice %dma_wait3A_275[%add3A, %mul3A_254, %dma_wait3A_276] : memref<32x80x125xi32, #tpu.memory_space<hbm>> -> memref<1x8x125xi32, #tpu.memory_space<hbm>>
        %dma_wait3A_278 = tpu.memref_squeeze %dma_wait3A_277 : memref<1x8x125xi32, #tpu.memory_space<hbm>> -> memref<8x125xi32, #tpu.memory_space<hbm>>
        tpu.wait_dma2 semaphore(%arg18 : memref<!tpu.dma_semaphore, #tpu.memory_space<semaphore_mem>>) src(%dma_wait3A_278 : memref<8x125xi32, #tpu.memory_space<hbm>>) dst(%dma_wait3A_270 : memref<8x125xi32, #tpu.memory_space<vmem>>)
        %dma_start3A_279 = arith.constant 0 : i32
        %dma_start3A_280 = arith.constant 0 : i32
        %dma_start3A_281 = tpu.memref_slice %arg9[%sub3A_88, %dma_start3A_279, %dma_start3A_280] : memref<2x8x125xi32, #tpu.memory_space<vmem>> -> memref<1x1x125xi32, #tpu.memory_space<vmem>>
        %dma_start3A_282 = tpu.memref_squeeze %dma_start3A_281 : memref<1x1x125xi32, #tpu.memory_space<vmem>> -> memref<125xi32, #tpu.memory_space<vmem>>
        %dma_start3A_283 = arith.constant 0 : i32
        %dma_start3A_284 = arith.constant 0 : i32
        %dma_start3A_285 = tpu.memref_slice %arg2[%dma_start3A_283, %dma_start3A_284] : memref<10000x128xf32, #tpu.memory_space<hbm>> -> memref<10000x128xf32, #tpu.memory_space<hbm>>
        tpu.enqueue_indirect_dma source(%dma_start3A_285 : memref<10000x128xf32, #tpu.memory_space<hbm>>) target(%arg11 : memref<125x128xf32, #tpu.memory_space<vmem>>) offsets(%dma_start3A_282 : memref<125xi32, #tpu.memory_space<vmem>>) semaphore(%arg16 : memref<!tpu.dma_semaphore, #tpu.memory_space<semaphore_mem>>)
      } else {
      }
      %dma_wait3A_206 = arith.constant 7 : i32
      %dma_wait3A_207 = arith.constant 0 : i32
      %dma_wait3A_208 = tpu.memref_slice %arg9[%rem3A_87, %dma_wait3A_206, %dma_wait3A_207] : memref<2x8x125xi32, #tpu.memory_space<vmem>> -> memref<1x1x125xi32, #tpu.memory_space<vmem>>
      %dma_wait3A_209 = tpu.memref_squeeze %dma_wait3A_208 : memref<1x1x125xi32, #tpu.memory_space<vmem>> -> memref<125xi32, #tpu.memory_space<vmem>>
      %dma_wait3A_210 = arith.constant 0 : i32
      %dma_wait3A_211 = arith.constant 0 : i32
      %dma_wait3A_212 = tpu.memref_slice %arg2[%dma_wait3A_210, %dma_wait3A_211] : memref<10000x128xf32, #tpu.memory_space<hbm>> -> memref<10000x128xf32, #tpu.memory_space<hbm>>
      tpu.wait_indirect_dma semaphore(%arg17 : memref<!tpu.dma_semaphore, #tpu.memory_space<semaphore_mem>>) src(%dma_wait3A_212 : memref<10000x128xf32, #tpu.memory_space<hbm>>) dst(%arg12 : memref<125x128xf32, #tpu.memory_space<vmem>>)
      %run_scoped3A_213 = arith.constant 7 : i32
      "tpu.region"() ({
        %run_scoped3A_223 = tpu.sem_alloc : memref<!tpu.dma_semaphore, #tpu.memory_space<semaphore_mem>>
        %dma_start3A_224 = arith.constant 0 : i32
        %dma_start3A_225 = tpu.memref_slice %arg10[%rem3A_87, %run_scoped3A_213, %dma_start3A_224] : memref<2x8x125xi32, #tpu.memory_space<vmem>> -> memref<1x1x125xi32, #tpu.memory_space<vmem>>
        %dma_start3A_226 = tpu.memref_squeeze %dma_start3A_225 : memref<1x1x125xi32, #tpu.memory_space<vmem>> -> memref<125xi32, #tpu.memory_space<vmem>>
        %dma_start3A_227 = arith.constant 0 : i32
        %dma_start3A_228 = arith.constant 0 : i32
        %dma_start3A_229 = tpu.memref_slice %arg14[%dma_start3A_227, %dma_start3A_228] : memref<10000x128xf32, #tpu.memory_space<vmem_shared>> -> memref<10000x128xf32, #tpu.memory_space<vmem_shared>>
        tpu.enqueue_indirect_dma source(%arg12 : memref<125x128xf32, #tpu.memory_space<vmem>>) target(%dma_start3A_229 : memref<10000x128xf32, #tpu.memory_space<vmem_shared>>) offsets(%dma_start3A_226 : memref<125xi32, #tpu.memory_space<vmem>>) semaphore(%run_scoped3A_223 : memref<!tpu.dma_semaphore, #tpu.memory_space<semaphore_mem>>) {add = true}
        %dma_wait3A_230 = arith.constant 0 : i32
        %dma_wait3A_231 = tpu.memref_slice %arg10[%rem3A_87, %run_scoped3A_213, %dma_wait3A_230] : memref<2x8x125xi32, #tpu.memory_space<vmem>> -> memref<1x1x125xi32, #tpu.memory_space<vmem>>
        %dma_wait3A_232 = tpu.memref_squeeze %dma_wait3A_231 : memref<1x1x125xi32, #tpu.memory_space<vmem>> -> memref<125xi32, #tpu.memory_space<vmem>>
        %dma_wait3A_233 = arith.constant 0 : i32
        %dma_wait3A_234 = arith.constant 0 : i32
        %dma_wait3A_235 = tpu.memref_slice %arg14[%dma_wait3A_233, %dma_wait3A_234] : memref<10000x128xf32, #tpu.memory_space<vmem_shared>> -> memref<10000x128xf32, #tpu.memory_space<vmem_shared>>
        tpu.wait_indirect_dma semaphore(%run_scoped3A_223 : memref<!tpu.dma_semaphore, #tpu.memory_space<semaphore_mem>>) src(%arg12 : memref<125x128xf32, #tpu.memory_space<vmem>>) dst(%dma_wait3A_235 : memref<10000x128xf32, #tpu.memory_space<vmem_shared>>)
        tpu.yield
      }) : () -> ()
      %run_scoped3A_214 = arith.constant 7 : i32
      "tpu.region"() ({
        %run_scoped3A_223 = tpu.sem_alloc : memref<!tpu.dma_semaphore, #tpu.memory_space<semaphore_mem>>
        %dma_start3A_224 = arith.constant 0 : i32
        %dma_start3A_225 = tpu.memref_slice %arg10[%rem3A_87, %run_scoped3A_214, %dma_start3A_224] : memref<2x8x125xi32, #tpu.memory_space<vmem>> -> memref<1x1x125xi32, #tpu.memory_space<vmem>>
        %dma_start3A_226 = tpu.memref_squeeze %dma_start3A_225 : memref<1x1x125xi32, #tpu.memory_space<vmem>> -> memref<125xi32, #tpu.memory_space<vmem>>
        %dma_start3A_227 = arith.constant 0 : i32
        %dma_start3A_228 = arith.constant 0 : i32
        %dma_start3A_229 = tpu.memref_slice %arg15[%dma_start3A_227, %dma_start3A_228] : memref<10000x8xf32, #tpu.memory_space<vmem_shared>> -> memref<10000x8xf32, #tpu.memory_space<vmem_shared>>
        tpu.enqueue_indirect_dma source(%arg13 : memref<125x8xf32, #tpu.memory_space<vmem>>) target(%dma_start3A_229 : memref<10000x8xf32, #tpu.memory_space<vmem_shared>>) offsets(%dma_start3A_226 : memref<125xi32, #tpu.memory_space<vmem>>) semaphore(%run_scoped3A_223 : memref<!tpu.dma_semaphore, #tpu.memory_space<semaphore_mem>>) {add = true}
        %dma_wait3A_230 = arith.constant 0 : i32
        %dma_wait3A_231 = tpu.memref_slice %arg10[%rem3A_87, %run_scoped3A_214, %dma_wait3A_230] : memref<2x8x125xi32, #tpu.memory_space<vmem>> -> memref<1x1x125xi32, #tpu.memory_space<vmem>>
        %dma_wait3A_232 = tpu.memref_squeeze %dma_wait3A_231 : memref<1x1x125xi32, #tpu.memory_space<vmem>> -> memref<125xi32, #tpu.memory_space<vmem>>
        %dma_wait3A_233 = arith.constant 0 : i32
        %dma_wait3A_234 = arith.constant 0 : i32
        %dma_wait3A_235 = tpu.memref_slice %arg15[%dma_wait3A_233, %dma_wait3A_234] : memref<10000x8xf32, #tpu.memory_space<vmem_shared>> -> memref<10000x8xf32, #tpu.memory_space<vmem_shared>>
        tpu.wait_indirect_dma semaphore(%run_scoped3A_223 : memref<!tpu.dma_semaphore, #tpu.memory_space<semaphore_mem>>) src(%arg13 : memref<125x8xf32, #tpu.memory_space<vmem>>) dst(%dma_wait3A_235 : memref<10000x8xf32, #tpu.memory_space<vmem_shared>>)
        tpu.yield
      }) : () -> ()
      %add3A_215 = arith.constant 2 : i32
      %add3A_216 = arith.addi %scan3A_85, %add3A_215 : i32
      %lt3A_217 = arith.constant 10 : i32
      %lt3A_218 = arith.cmpi slt, %add3A_216, %lt3A_217 : i32
      %convert_element_type3A_219 = arith.extui %lt3A_218 : i1 to i32
      %cond3A_220 = arith.constant 0 : i32
      %cond3A_221 = arith.cmpi ne, %convert_element_type3A_219, %cond3A_220 : i32
      scf.if %cond3A_221 {
        %add3A_223 = arith.constant 2 : i32
        %add3A_224 = arith.addi %scan3A_85, %add3A_223 : i32
        %mul3A_225 = arith.constant 8 : i32
        %mul3A_226 = arith.muli %add3A_224, %mul3A_225 : i32
        %dma_start3A_227 = arith.constant 0 : i32
        %dma_start3A_228 = arith.constant 0 : i32
        %dma_start3A_229 = tpu.memref_slice %arg9[%rem3A_87, %dma_start3A_227, %dma_start3A_228] : memref<2x8x125xi32, #tpu.memory_space<vmem>> -> memref<1x8x125xi32, #tpu.memory_space<vmem>>
        %dma_start3A_230 = tpu.memref_squeeze %dma_start3A_229 : memref<1x8x125xi32, #tpu.memory_space<vmem>> -> memref<8x125xi32, #tpu.memory_space<vmem>>
        %dma_start3A_231 = arith.constant 0 : i32
        %dma_start3A_232 = arith.constant 0 : i32
        %dma_start3A_233 = arith.constant 0 : i32
        %dma_start3A_234 = tpu.memref_slice %arg3[%scan3A, %dma_start3A_231, %dma_start3A_232, %dma_start3A_233] : memref<2x32x80x125xi32, #tpu.memory_space<hbm>> -> memref<1x32x80x125xi32, #tpu.memory_space<hbm>>
        %dma_start3A_235 = tpu.memref_squeeze %dma_start3A_234 : memref<1x32x80x125xi32, #tpu.memory_space<hbm>> -> memref<32x80x125xi32, #tpu.memory_space<hbm>>
        %dma_start3A_236 = arith.constant 0 : i32
        %dma_start3A_237 = tpu.memref_slice %dma_start3A_235[%add3A, %mul3A_226, %dma_start3A_236] : memref<32x80x125xi32, #tpu.memory_space<hbm>> -> memref<1x8x125xi32, #tpu.memory_space<hbm>>
        %dma_start3A_238 = tpu.memref_squeeze %dma_start3A_237 : memref<1x8x125xi32, #tpu.memory_space<hbm>> -> memref<8x125xi32, #tpu.memory_space<hbm>>
        %dma_start3A_239 = arith.constant 0 : i32
        %dma_start3A_240 = arith.constant 0 : i32
        %dma_start3A_241 = tpu.memref_slice %arg9[%rem3A_87, %dma_start3A_239, %dma_start3A_240] : memref<2x8x125xi32, #tpu.memory_space<vmem>> -> memref<1x8x125xi32, #tpu.memory_space<vmem>>
        %dma_start3A_242 = tpu.memref_squeeze %dma_start3A_241 : memref<1x8x125xi32, #tpu.memory_space<vmem>> -> memref<8x125xi32, #tpu.memory_space<vmem>>
        %dma_start3A_243 = arith.constant 0 : i32
        %dma_start3A_244 = arith.constant 0 : i32
        %dma_start3A_245 = arith.constant 0 : i32
        %dma_start3A_246 = tpu.memref_slice %arg3[%scan3A, %dma_start3A_243, %dma_start3A_244, %dma_start3A_245] : memref<2x32x80x125xi32, #tpu.memory_space<hbm>> -> memref<1x32x80x125xi32, #tpu.memory_space<hbm>>
        %dma_start3A_247 = tpu.memref_squeeze %dma_start3A_246 : memref<1x32x80x125xi32, #tpu.memory_space<hbm>> -> memref<32x80x125xi32, #tpu.memory_space<hbm>>
        %dma_start3A_248 = arith.constant 0 : i32
        %dma_start3A_249 = tpu.memref_slice %dma_start3A_247[%add3A, %mul3A_226, %dma_start3A_248] : memref<32x80x125xi32, #tpu.memory_space<hbm>> -> memref<1x8x125xi32, #tpu.memory_space<hbm>>
        %dma_start3A_250 = tpu.memref_squeeze %dma_start3A_249 : memref<1x8x125xi32, #tpu.memory_space<hbm>> -> memref<8x125xi32, #tpu.memory_space<hbm>>
        tpu.enqueue_dma source(%dma_start3A_250 : memref<8x125xi32, #tpu.memory_space<hbm>>) target(%dma_start3A_242 : memref<8x125xi32, #tpu.memory_space<vmem>>) target_semaphore(%arg18 : memref<!tpu.dma_semaphore, #tpu.memory_space<semaphore_mem>>)
        %add3A_251 = arith.constant 2 : i32
        %add3A_252 = arith.addi %scan3A_85, %add3A_251 : i32
        %mul3A_253 = arith.constant 8 : i32
        %mul3A_254 = arith.muli %add3A_252, %mul3A_253 : i32
        %dma_start3A_255 = arith.constant 0 : i32
        %dma_start3A_256 = arith.constant 0 : i32
        %dma_start3A_257 = tpu.memref_slice %arg10[%rem3A_87, %dma_start3A_255, %dma_start3A_256] : memref<2x8x125xi32, #tpu.memory_space<vmem>> -> memref<1x8x125xi32, #tpu.memory_space<vmem>>
        %dma_start3A_258 = tpu.memref_squeeze %dma_start3A_257 : memref<1x8x125xi32, #tpu.memory_space<vmem>> -> memref<8x125xi32, #tpu.memory_space<vmem>>
        %dma_start3A_259 = arith.constant 0 : i32
        %dma_start3A_260 = arith.constant 0 : i32
        %dma_start3A_261 = arith.constant 0 : i32
        %dma_start3A_262 = tpu.memref_slice %arg3[%scan3A_71, %dma_start3A_259, %dma_start3A_260, %dma_start3A_261] : memref<2x32x80x125xi32, #tpu.memory_space<hbm>> -> memref<1x32x80x125xi32, #tpu.memory_space<hbm>>
        %dma_start3A_263 = tpu.memref_squeeze %dma_start3A_262 : memref<1x32x80x125xi32, #tpu.memory_space<hbm>> -> memref<32x80x125xi32, #tpu.memory_space<hbm>>
        %dma_start3A_264 = arith.constant 0 : i32
        %dma_start3A_265 = tpu.memref_slice %dma_start3A_263[%add3A, %mul3A_254, %dma_start3A_264] : memref<32x80x125xi32, #tpu.memory_space<hbm>> -> memref<1x8x125xi32, #tpu.memory_space<hbm>>
        %dma_start3A_266 = tpu.memref_squeeze %dma_start3A_265 : memref<1x8x125xi32, #tpu.memory_space<hbm>> -> memref<8x125xi32, #tpu.memory_space<hbm>>
        %dma_start3A_267 = arith.constant 0 : i32
        %dma_start3A_268 = arith.constant 0 : i32
        %dma_start3A_269 = tpu.memref_slice %arg10[%rem3A_87, %dma_start3A_267, %dma_start3A_268] : memref<2x8x125xi32, #tpu.memory_space<vmem>> -> memref<1x8x125xi32, #tpu.memory_space<vmem>>
        %dma_start3A_270 = tpu.memref_squeeze %dma_start3A_269 : memref<1x8x125xi32, #tpu.memory_space<vmem>> -> memref<8x125xi32, #tpu.memory_space<vmem>>
        %dma_start3A_271 = arith.constant 0 : i32
        %dma_start3A_272 = arith.constant 0 : i32
        %dma_start3A_273 = arith.constant 0 : i32
        %dma_start3A_274 = tpu.memref_slice %arg3[%scan3A_71, %dma_start3A_271, %dma_start3A_272, %dma_start3A_273] : memref<2x32x80x125xi32, #tpu.memory_space<hbm>> -> memref<1x32x80x125xi32, #tpu.memory_space<hbm>>
        %dma_start3A_275 = tpu.memref_squeeze %dma_start3A_274 : memref<1x32x80x125xi32, #tpu.memory_space<hbm>> -> memref<32x80x125xi32, #tpu.memory_space<hbm>>
        %dma_start3A_276 = arith.constant 0 : i32
        %dma_start3A_277 = tpu.memref_slice %dma_start3A_275[%add3A, %mul3A_254, %dma_start3A_276] : memref<32x80x125xi32, #tpu.memory_space<hbm>> -> memref<1x8x125xi32, #tpu.memory_space<hbm>>
        %dma_start3A_278 = tpu.memref_squeeze %dma_start3A_277 : memref<1x8x125xi32, #tpu.memory_space<hbm>> -> memref<8x125xi32, #tpu.memory_space<hbm>>
        tpu.enqueue_dma source(%dma_start3A_278 : memref<8x125xi32, #tpu.memory_space<hbm>>) target(%dma_start3A_270 : memref<8x125xi32, #tpu.memory_space<vmem>>) target_semaphore(%arg18 : memref<!tpu.dma_semaphore, #tpu.memory_space<semaphore_mem>>)
      } else {
      }
      %scan3A_222 = arith.constant 0 : i32
      scf.yield %scan3A_222 : i32
    }
    %scan3A_78 = arith.constant 10 : i32
    %barrier3A_79 = arith.constant 0 : index
    tpu.barrier barrier_id(%barrier3A_79)
    "tpu.region"() ({
      %run_scoped3A_85 = tpu.sem_alloc : memref<!tpu.dma_semaphore, #tpu.memory_space<semaphore_mem>>
      %dma_start3A_86 = arith.constant 0 : i32
      %dma_start3A_87 = tpu.memref_slice %arg7[%arg0, %mul3A_2, %dma_start3A_86] : memref<2x10000x128xf32, #tpu.memory_space<hbm>> -> memref<1x624x128xf32, #tpu.memory_space<hbm>>
      %dma_start3A_88 = tpu.memref_squeeze %dma_start3A_87 : memref<1x624x128xf32, #tpu.memory_space<hbm>> -> memref<624x128xf32, #tpu.memory_space<hbm>>
      %dma_start3A_89 = arith.constant 0 : i32
      %dma_start3A_90 = tpu.memref_slice %arg14[%mul3A_2, %dma_start3A_89] : memref<10000x128xf32, #tpu.memory_space<vmem_shared>> -> memref<624x128xf32, #tpu.memory_space<vmem_shared>>
      tpu.enqueue_dma source(%dma_start3A_90 : memref<624x128xf32, #tpu.memory_space<vmem_shared>>) target(%dma_start3A_88 : memref<624x128xf32, #tpu.memory_space<hbm>>) target_semaphore(%run_scoped3A_85 : memref<!tpu.dma_semaphore, #tpu.memory_space<semaphore_mem>>)
      %dma_wait3A = arith.constant 0 : i32
      %dma_wait3A_91 = tpu.memref_slice %arg7[%arg0, %mul3A_2, %dma_wait3A] : memref<2x10000x128xf32, #tpu.memory_space<hbm>> -> memref<1x624x128xf32, #tpu.memory_space<hbm>>
      %dma_wait3A_92 = tpu.memref_squeeze %dma_wait3A_91 : memref<1x624x128xf32, #tpu.memory_space<hbm>> -> memref<624x128xf32, #tpu.memory_space<hbm>>
      %dma_wait3A_93 = arith.constant 0 : i32
      %dma_wait3A_94 = tpu.memref_slice %arg14[%mul3A_2, %dma_wait3A_93] : memref<10000x128xf32, #tpu.memory_space<vmem_shared>> -> memref<624x128xf32, #tpu.memory_space<vmem_shared>>
      tpu.wait_dma2 semaphore(%run_scoped3A_85 : memref<!tpu.dma_semaphore, #tpu.memory_space<semaphore_mem>>) src(%dma_wait3A_94 : memref<624x128xf32, #tpu.memory_space<vmem_shared>>) dst(%dma_wait3A_92 : memref<624x128xf32, #tpu.memory_space<hbm>>)
      tpu.yield
    }) : () -> ()
    "tpu.region"() ({
      %run_scoped3A_85 = tpu.sem_alloc : memref<!tpu.dma_semaphore, #tpu.memory_space<semaphore_mem>>
      %dma_start3A_86 = arith.constant 0 : i32
      %dma_start3A_87 = tpu.memref_slice %arg8[%arg0, %mul3A_2, %dma_start3A_86] : memref<2x10000x8xf32, #tpu.memory_space<hbm>> -> memref<1x624x8xf32, #tpu.memory_space<hbm>>
      %dma_start3A_88 = tpu.memref_squeeze %dma_start3A_87 : memref<1x624x8xf32, #tpu.memory_space<hbm>> -> memref<624x8xf32, #tpu.memory_space<hbm>>
      %dma_start3A_89 = arith.constant 0 : i32
      %dma_start3A_90 = tpu.memref_slice %arg15[%mul3A_2, %dma_start3A_89] : memref<10000x8xf32, #tpu.memory_space<vmem_shared>> -> memref<624x8xf32, #tpu.memory_space<vmem_shared>>
      tpu.enqueue_dma source(%dma_start3A_90 : memref<624x8xf32, #tpu.memory_space<vmem_shared>>) target(%dma_start3A_88 : memref<624x8xf32, #tpu.memory_space<hbm>>) target_semaphore(%run_scoped3A_85 : memref<!tpu.dma_semaphore, #tpu.memory_space<semaphore_mem>>)
      %dma_wait3A = arith.constant 0 : i32
      %dma_wait3A_91 = tpu.memref_slice %arg8[%arg0, %mul3A_2, %dma_wait3A] : memref<2x10000x8xf32, #tpu.memory_space<hbm>> -> memref<1x624x8xf32, #tpu.memory_space<hbm>>
      %dma_wait3A_92 = tpu.memref_squeeze %dma_wait3A_91 : memref<1x624x8xf32, #tpu.memory_space<hbm>> -> memref<624x8xf32, #tpu.memory_space<hbm>>
      %dma_wait3A_93 = arith.constant 0 : i32
      %dma_wait3A_94 = tpu.memref_slice %arg15[%mul3A_2, %dma_wait3A_93] : memref<10000x8xf32, #tpu.memory_space<vmem_shared>> -> memref<624x8xf32, #tpu.memory_space<vmem_shared>>
      tpu.wait_dma2 semaphore(%run_scoped3A_85 : memref<!tpu.dma_semaphore, #tpu.memory_space<semaphore_mem>>) src(%dma_wait3A_94 : memref<624x8xf32, #tpu.memory_space<vmem_shared>>) dst(%dma_wait3A_92 : memref<624x8xf32, #tpu.memory_space<hbm>>)
      tpu.yield
    }) : () -> ()
    %eq3A_80 = arith.constant 15 : i32
    %eq3A_81 = arith.cmpi eq, %arg1, %eq3A_80 : i32
    %convert_element_type3A_82 = arith.extui %eq3A_81 : i1 to i32
    %cond3A_83 = arith.constant 0 : i32
    %cond3A_84 = arith.cmpi ne, %convert_element_type3A_82, %cond3A_83 : i32
    scf.if %cond3A_84 {
      "tpu.region"() ({
        %run_scoped3A_85 = tpu.sem_alloc : memref<!tpu.dma_semaphore, #tpu.memory_space<semaphore_mem>>
        %dma_start3A_86 = arith.constant 9984 : i32
        %dma_start3A_87 = arith.constant 0 : i32
        %dma_start3A_88 = tpu.memref_slice %arg7[%arg0, %dma_start3A_86, %dma_start3A_87] : memref<2x10000x128xf32, #tpu.memory_space<hbm>> -> memref<1x16x128xf32, #tpu.memory_space<hbm>>
        %dma_start3A_89 = tpu.memref_squeeze %dma_start3A_88 : memref<1x16x128xf32, #tpu.memory_space<hbm>> -> memref<16x128xf32, #tpu.memory_space<hbm>>
        %dma_start3A_90 = arith.constant 9984 : i32
        %dma_start3A_91 = arith.constant 0 : i32
        %dma_start3A_92 = tpu.memref_slice %arg14[%dma_start3A_90, %dma_start3A_91] : memref<10000x128xf32, #tpu.memory_space<vmem_shared>> -> memref<16x128xf32, #tpu.memory_space<vmem_shared>>
        tpu.enqueue_dma source(%dma_start3A_92 : memref<16x128xf32, #tpu.memory_space<vmem_shared>>) target(%dma_start3A_89 : memref<16x128xf32, #tpu.memory_space<hbm>>) target_semaphore(%run_scoped3A_85 : memref<!tpu.dma_semaphore, #tpu.memory_space<semaphore_mem>>)
        %dma_wait3A = arith.constant 9984 : i32
        %dma_wait3A_93 = arith.constant 0 : i32
        %dma_wait3A_94 = tpu.memref_slice %arg7[%arg0, %dma_wait3A, %dma_wait3A_93] : memref<2x10000x128xf32, #tpu.memory_space<hbm>> -> memref<1x16x128xf32, #tpu.memory_space<hbm>>
        %dma_wait3A_95 = tpu.memref_squeeze %dma_wait3A_94 : memref<1x16x128xf32, #tpu.memory_space<hbm>> -> memref<16x128xf32, #tpu.memory_space<hbm>>
        %dma_wait3A_96 = arith.constant 9984 : i32
        %dma_wait3A_97 = arith.constant 0 : i32
        %dma_wait3A_98 = tpu.memref_slice %arg14[%dma_wait3A_96, %dma_wait3A_97] : memref<10000x128xf32, #tpu.memory_space<vmem_shared>> -> memref<16x128xf32, #tpu.memory_space<vmem_shared>>
        tpu.wait_dma2 semaphore(%run_scoped3A_85 : memref<!tpu.dma_semaphore, #tpu.memory_space<semaphore_mem>>) src(%dma_wait3A_98 : memref<16x128xf32, #tpu.memory_space<vmem_shared>>) dst(%dma_wait3A_95 : memref<16x128xf32, #tpu.memory_space<hbm>>)
        tpu.yield
      }) : () -> ()
      "tpu.region"() ({
        %run_scoped3A_85 = tpu.sem_alloc : memref<!tpu.dma_semaphore, #tpu.memory_space<semaphore_mem>>
        %dma_start3A_86 = arith.constant 9984 : i32
        %dma_start3A_87 = arith.constant 0 : i32
        %dma_start3A_88 = tpu.memref_slice %arg8[%arg0, %dma_start3A_86, %dma_start3A_87] : memref<2x10000x8xf32, #tpu.memory_space<hbm>> -> memref<1x16x8xf32, #tpu.memory_space<hbm>>
        %dma_start3A_89 = tpu.memref_squeeze %dma_start3A_88 : memref<1x16x8xf32, #tpu.memory_space<hbm>> -> memref<16x8xf32, #tpu.memory_space<hbm>>
        %dma_start3A_90 = arith.constant 9984 : i32
        %dma_start3A_91 = arith.constant 0 : i32
        %dma_start3A_92 = tpu.memref_slice %arg15[%dma_start3A_90, %dma_start3A_91] : memref<10000x8xf32, #tpu.memory_space<vmem_shared>> -> memref<16x8xf32, #tpu.memory_space<vmem_shared>>
        tpu.enqueue_dma source(%dma_start3A_92 : memref<16x8xf32, #tpu.memory_space<vmem_shared>>) target(%dma_start3A_89 : memref<16x8xf32, #tpu.memory_space<hbm>>) target_semaphore(%run_scoped3A_85 : memref<!tpu.dma_semaphore, #tpu.memory_space<semaphore_mem>>)
        %dma_wait3A = arith.constant 9984 : i32
        %dma_wait3A_93 = arith.constant 0 : i32
        %dma_wait3A_94 = tpu.memref_slice %arg8[%arg0, %dma_wait3A, %dma_wait3A_93] : memref<2x10000x8xf32, #tpu.memory_space<hbm>> -> memref<1x16x8xf32, #tpu.memory_space<hbm>>
        %dma_wait3A_95 = tpu.memref_squeeze %dma_wait3A_94 : memref<1x16x8xf32, #tpu.memory_space<hbm>> -> memref<16x8xf32, #tpu.memory_space<hbm>>
        %dma_wait3A_96 = arith.constant 9984 : i32
        %dma_wait3A_97 = arith.constant 0 : i32
        %dma_wait3A_98 = tpu.memref_slice %arg15[%dma_wait3A_96, %dma_wait3A_97] : memref<10000x8xf32, #tpu.memory_space<vmem_shared>> -> memref<16x8xf32, #tpu.memory_space<vmem_shared>>
        tpu.wait_dma2 semaphore(%run_scoped3A_85 : memref<!tpu.dma_semaphore, #tpu.memory_space<semaphore_mem>>) src(%dma_wait3A_98 : memref<16x8xf32, #tpu.memory_space<vmem_shared>>) dst(%dma_wait3A_95 : memref<16x8xf32, #tpu.memory_space<hbm>>)
        tpu.yield
      }) : () -> ()
    } else {
    }
    return
  }
}

module attributes {stable_mosaic.version = 14 : i64} {
  func.func @body(%arg0: i32, %arg1: memref<1x1x1xi32, #tpu.memory_space<smem>>, %arg2: memref<1x1x1xi32, #tpu.memory_space<smem>>, %arg3: memref<2x1000x128xf32, #tpu.memory_space<vmem>>, %arg4: memref<2x1000x8xf32, #tpu.memory_space<vmem>>, %arg5: memref<1000x128xf32, #tpu.memory_space<vmem>>, %arg6: memref<1x1000x1xi32, #tpu.memory_space<vmem>>, %arg7: memref<256x128xf32, #tpu.memory_space<vmem>>, %arg8: memref<1x128xf32, #tpu.memory_space<vmem>>, %arg9: memref<256x128xf32, #tpu.memory_space<vmem>>, %arg10: memref<1x128xf32, #tpu.memory_space<vmem>>, %arg11: memref<64x128xf32, #tpu.memory_space<vmem>>, %arg12: memref<64x128xf32, #tpu.memory_space<vmem>>, %arg13: memref<64x128xf32, #tpu.memory_space<vmem>>, %arg14: memref<64x1xf32, #tpu.memory_space<vmem>>) attributes {dimension_semantics = [#tpu.dimension_semantics<arbitrary>], iteration_bounds = array<i64: 10>, scalar_prefetch = 0 : i64, scratch_operands = 3 : i64, tpu.core_type = #tpu.core_type<tc>, window_params = [{transform_indices = @transform_0, window_bounds = array<i64: 1, 1, 1>}, {transform_indices = @transform_1, window_bounds = array<i64: 1, 1, 1>}, {transform_indices = @transform_2, window_bounds = array<i64: 2, 1000, 128>}, {transform_indices = @transform_3, window_bounds = array<i64: 2, 1000, 8>}, {transform_indices = @transform_4, window_bounds = array<i64: 1000, 128>}, {transform_indices = @transform_5, window_bounds = array<i64: 1, 1000, 1>}, {pipeline_mode = #tpu.pipeline_mode<synchronous>, transform_indices = @transform_6, window_bounds = array<i64: 256, 128>}, {pipeline_mode = #tpu.pipeline_mode<synchronous>, transform_indices = @transform_7, window_bounds = array<i64: 1, 128>}, {pipeline_mode = #tpu.pipeline_mode<synchronous>, transform_indices = @transform_8, window_bounds = array<i64: 256, 128>}, {pipeline_mode = #tpu.pipeline_mode<synchronous>, transform_indices = @transform_9, window_bounds = array<i64: 1, 128>}, {pipeline_mode = #tpu.pipeline_mode<synchronous>, transform_indices = @transform_10, window_bounds = array<i64: 64, 128>}]} {
    %eq3A = arith.constant 0 : i32
    %eq3A_0 = arith.cmpi eq, %arg0, %eq3A : i32
    %convert_element_type3A = arith.extui %eq3A_0 : i1 to i32
    %cond3A = arith.constant 0 : i32
    %cond3A_1 = arith.cmpi ne, %convert_element_type3A, %cond3A : i32
    scf.if %cond3A_1 {
      %broadcast_in_dim3A_590 = arith.constant 0xFF800000 : f32
      %broadcast_in_dim3A_591 = vector.broadcast %broadcast_in_dim3A_590 : f32 to vector<64x128xf32>
      %swap3A_592 = arith.constant 0 : index
      %swap3A_593 = arith.constant 0 : index
      %swap3A_594 = vector.load %arg12[%swap3A_592, %swap3A_593] : memref<64x128xf32, #tpu.memory_space<vmem>>, vector<64x128xf32>
      tpu.vector_store %arg12[%swap3A_592, %swap3A_593], %broadcast_in_dim3A_591 {strides = array<i32>} : memref<64x128xf32, #tpu.memory_space<vmem>>, vector<64x128xf32>,
      %broadcast_in_dim3A_595 = arith.constant 0.000000e+00 : f32
      %broadcast_in_dim3A_596 = vector.broadcast %broadcast_in_dim3A_595 : f32 to vector<64x128xf32>
      %swap3A_597 = arith.constant 0 : index
      %swap3A_598 = arith.constant 0 : index
      %swap3A_599 = vector.load %arg13[%swap3A_597, %swap3A_598] : memref<64x128xf32, #tpu.memory_space<vmem>>, vector<64x128xf32>
      tpu.vector_store %arg13[%swap3A_597, %swap3A_598], %broadcast_in_dim3A_596 {strides = array<i32>} : memref<64x128xf32, #tpu.memory_space<vmem>>, vector<64x128xf32>,
      %broadcast_in_dim3A_600 = arith.constant 0.000000e+00 : f32
      %broadcast_in_dim3A_601 = vector.broadcast %broadcast_in_dim3A_600 : f32 to vector<64x1xf32>
      %swap3A_602 = arith.constant 0 : index
      %swap3A_603 = arith.constant 0 : index
      %swap3A_604 = vector.load %arg14[%swap3A_602, %swap3A_603] : memref<64x1xf32, #tpu.memory_space<vmem>>, vector<64x1xf32>
      tpu.vector_store %arg14[%swap3A_602, %swap3A_603], %broadcast_in_dim3A_601 {strides = array<i32>} : memref<64x1xf32, #tpu.memory_space<vmem>>, vector<64x1xf32>,
    } else {
    }
    %get3A = arith.constant 0 : index
    %get3A_2 = arith.constant 0 : index
    %get3A_3 = arith.constant 0 : index
    %get3A_4 = vector.load %arg3[%get3A, %get3A_2, %get3A_3] : memref<2x1000x128xf32, #tpu.memory_space<vmem>>, vector<1x1000x128xf32>
    %get3A_5 = vector.shape_cast %get3A_4 : vector<1x1000x128xf32> to vector<1000x128xf32>
    %get3A_6 = arith.constant 1 : index
    %get3A_7 = arith.constant 0 : index
    %get3A_8 = arith.constant 0 : index
    %get3A_9 = vector.load %arg3[%get3A_6, %get3A_7, %get3A_8] : memref<2x1000x128xf32, #tpu.memory_space<vmem>>, vector<1x1000x128xf32>
    %get3A_10 = vector.shape_cast %get3A_9 : vector<1x1000x128xf32> to vector<1000x128xf32>
    %add3A = arith.addf %get3A_5, %get3A_10 : vector<1000x128xf32>
    %get3A_11 = arith.constant 0 : index
    %get3A_12 = arith.constant 0 : index
    %get3A_13 = arith.constant 0 : index
    %get3A_14 = vector.load %arg4[%get3A_11, %get3A_12, %get3A_13] : memref<2x1000x8xf32, #tpu.memory_space<vmem>>, vector<1x1000x1xf32>
    %get3A_15 = vector.shape_cast %get3A_14 : vector<1x1000x1xf32> to vector<1000x1xf32>
    %get3A_16 = arith.constant 1 : index
    %get3A_17 = arith.constant 0 : index
    %get3A_18 = arith.constant 0 : index
    %get3A_19 = vector.load %arg4[%get3A_16, %get3A_17, %get3A_18] : memref<2x1000x8xf32, #tpu.memory_space<vmem>>, vector<1x1000x1xf32>
    %get3A_20 = vector.shape_cast %get3A_19 : vector<1x1000x1xf32> to vector<1000x1xf32>
    %add3A_21 = arith.addf %get3A_15, %get3A_20 : vector<1000x1xf32>
    %max3A = arith.constant 1.000000e+00 : f32
    %max3A_22 = vector.broadcast %max3A : f32 to vector<1000x1xf32>
    %max3A_23 = arith.maximumf %add3A_21, %max3A_22 : vector<1000x1xf32>
    %div3A = vector.broadcast %max3A_23 : vector<1000x1xf32> to vector<1000x128xf32>
    %div3A_24 = arith.divf %add3A, %div3A : vector<1000x128xf32>
    %get3A_25 = arith.constant 0 : index
    %get3A_26 = arith.constant 0 : index
    %get3A_27 = vector.load %arg5[%get3A_25, %get3A_26] : memref<1000x128xf32, #tpu.memory_space<vmem>>, vector<1000x128xf32>
    %concatenate3A = tpu.concatenate %div3A_24, %get3A_27 in 1 : vector<1000x128xf32>, vector<1000x128xf32> -> vector<1000x256xf32>
    %get3A_28 = arith.constant 0 : index
    %get3A_29 = arith.constant 0 : index
    %get3A_30 = vector.load %arg7[%get3A_28, %get3A_29] : memref<256x128xf32, #tpu.memory_space<vmem>>, vector<256x128xf32>
    %dot_general3A = arith.constant dense<0.000000e+00> : vector<1000x128xf32>
    %dot_general3A_31 = tpu.matmul %concatenate3A, %get3A_30, %dot_general3A {dimension_numbers = #tpu.dot_dimension_numbers<[1], [0], [0], [1], [0, 0, 1, 1], [], []>, transpose_lhs_hint = false} : vector<1000x256xf32>, vector<256x128xf32>, vector<1000x128xf32> -> vector<1000x128xf32>
    %get3A_32 = arith.constant 0 : index
    %get3A_33 = arith.constant 0 : index
    %get3A_34 = vector.load %arg8[%get3A_32, %get3A_33] : memref<1x128xf32, #tpu.memory_space<vmem>>, vector<1x128xf32>
    %add3A_35 = vector.broadcast %get3A_34 : vector<1x128xf32> to vector<1000x128xf32>
    %add3A_36 = arith.addf %dot_general3A_31, %add3A_35 : vector<1000x128xf32>
    %max3A_37 = arith.constant 0.000000e+00 : f32
    %max3A_38 = vector.broadcast %max3A_37 : f32 to vector<1000x128xf32>
    %max3A_39 = arith.maximumf %add3A_36, %max3A_38 : vector<1000x128xf32>
    %get3A_40 = arith.constant 0 : index
    %get3A_41 = arith.constant 0 : index
    %get3A_42 = arith.constant 0 : index
    %get3A_43 = vector.load %arg6[%get3A_40, %get3A_41, %get3A_42] : memref<1x1000x1xi32, #tpu.memory_space<vmem>>, vector<1x1000x1xi32>
    %get3A_44 = vector.shape_cast %get3A_43 : vector<1x1000x1xi32> to vector<1000x1xi32>
    %iota3A = tpu.iota {dimensions = array<i32: 1>} : vector<1x64xi32>
    %eq3A_45 = vector.broadcast %get3A_44 : vector<1000x1xi32> to vector<1000x64xi32>
    %eq3A_46 = vector.broadcast %iota3A : vector<1x64xi32> to vector<1000x64xi32>
    %eq3A_47 = arith.cmpi eq, %eq3A_45, %eq3A_46 : vector<1000x64xi32>
    %convert_element_type3A_48 = arith.extui %eq3A_47 : vector<1000x64xi1> to vector<1000x64xi32>
    %convert_element_type3A_49 = arith.sitofp %convert_element_type3A_48 : vector<1000x64xi32> to vector<1000x64xf32>
    %get3A_50 = arith.constant 0 : index
    %get3A_51 = arith.constant 0 : index
    %get3A_52 = vector.load %arg13[%get3A_50, %get3A_51] : memref<64x128xf32, #tpu.memory_space<vmem>>, vector<64x128xf32>
    %dot_general3A_53 = arith.constant dense<0.000000e+00> : vector<64x128xf32>
    %dot_general3A_54 = tpu.matmul %convert_element_type3A_49, %max3A_39, %dot_general3A_53 {dimension_numbers = #tpu.dot_dimension_numbers<[0], [0], [1], [1], [0, 1, 1, 1], [], []>, transpose_lhs_hint = false} : vector<1000x64xf32>, vector<1000x128xf32>, vector<64x128xf32> -> vector<64x128xf32>
    %add3A_55 = arith.addf %get3A_52, %dot_general3A_54 : vector<64x128xf32>
    %swap3A = arith.constant 0 : index
    %swap3A_56 = arith.constant 0 : index
    %swap3A_57 = vector.load %arg13[%swap3A, %swap3A_56] : memref<64x128xf32, #tpu.memory_space<vmem>>, vector<64x128xf32>
    tpu.vector_store %arg13[%swap3A, %swap3A_56], %add3A_55 {strides = array<i32>} : memref<64x128xf32, #tpu.memory_space<vmem>>, vector<64x128xf32>,
    %broadcast_in_dim3A = arith.constant 1.000000e+00 : f32
    %broadcast_in_dim3A_58 = vector.broadcast %broadcast_in_dim3A : f32 to vector<1000x1xf32>
    %get3A_59 = arith.constant 0 : index
    %get3A_60 = arith.constant 0 : index
    %get3A_61 = vector.load %arg14[%get3A_59, %get3A_60] : memref<64x1xf32, #tpu.memory_space<vmem>>, vector<64x1xf32>
    %dot_general3A_62 = arith.constant dense<0.000000e+00> : vector<64x1xf32>
    %dot_general3A_63 = tpu.matmul %convert_element_type3A_49, %broadcast_in_dim3A_58, %dot_general3A_62 {dimension_numbers = #tpu.dot_dimension_numbers<[0], [0], [1], [1], [0, 1, 1, 1], [], []>, transpose_lhs_hint = false} : vector<1000x64xf32>, vector<1000x1xf32>, vector<64x1xf32> -> vector<64x1xf32>
    %add3A_64 = arith.addf %get3A_61, %dot_general3A_63 : vector<64x1xf32>
    %swap3A_65 = arith.constant 0 : index
    %swap3A_66 = arith.constant 0 : index
    %swap3A_67 = vector.load %arg14[%swap3A_65, %swap3A_66] : memref<64x1xf32, #tpu.memory_space<vmem>>, vector<64x1xf32>
    tpu.vector_store %arg14[%swap3A_65, %swap3A_66], %add3A_64 {strides = array<i32>} : memref<64x1xf32, #tpu.memory_space<vmem>>, vector<64x1xf32>,
    %get3A_68 = arith.constant 0 : index
    %get3A_69 = arith.constant 0 : index
    %get3A_70 = arith.constant 0 : index
    %get3A_71 = memref.load %arg1[%get3A_68, %get3A_69, %get3A_70] : memref<1x1x1xi32, #tpu.memory_space<smem>>
    %get3A_72 = arith.constant 0 : index
    %get3A_73 = arith.constant 0 : index
    %get3A_74 = arith.constant 0 : index
    %get3A_75 = memref.load %arg2[%get3A_72, %get3A_73, %get3A_74] : memref<1x1x1xi32, #tpu.memory_space<smem>>
    %le3A = arith.constant 0 : i32
    %le3A_76 = arith.cmpi sle, %get3A_71, %le3A : i32
    %ge3A = arith.constant 0 : i32
    %ge3A_77 = arith.cmpi sge, %get3A_75, %ge3A : i32
    %and3A = arith.andi %le3A_76, %ge3A_77 : i1
    %convert_element_type3A_78 = arith.extui %and3A : i1 to i32
    %cond3A_79 = arith.constant 0 : i32
    %cond3A_80 = arith.cmpi ne, %convert_element_type3A_78, %cond3A_79 : i32
    scf.if %cond3A_80 {
      %eq3A_590 = arith.constant 0 : i32
      %eq3A_591 = vector.broadcast %eq3A_590 : i32 to vector<1000x1xi32>
      %eq3A_592 = arith.cmpi eq, %get3A_44, %eq3A_591 : vector<1000x1xi32>
      %jit3A = arith.constant 0xFF800000 : f32
      %broadcast_in_dim3A_593 = vector.shape_cast %eq3A_592 : vector<1000x1xi1> to vector<1000x1xi1>
      %broadcast_in_dim3A_594 = vector.broadcast %broadcast_in_dim3A_593 : vector<1000x1xi1> to vector<1000x128xi1>
      %broadcast_in_dim3A_595 = vector.broadcast %jit3A : f32 to vector<1000x128xf32>
      %select_n3A = arith.select %broadcast_in_dim3A_594, %max3A_39, %broadcast_in_dim3A_595 : vector<1000x128xi1>, vector<1000x128xf32>
      %reduce_max3A = arith.constant dense<0xFF800000> : vector<128xf32>
      %reduce_max3A_596 = vector.multi_reduction <maximumf>, %select_n3A, %reduce_max3A [0] : vector<1000x128xf32> to vector<128xf32>
      %broadcast_in_dim3A_597 = vector.shape_cast %reduce_max3A_596 : vector<128xf32> to vector<1x128xf32>
      %get3A_598 = arith.constant 0 : index
      %get3A_599 = arith.constant 0 : index
      %get3A_600 = vector.load %arg12[%get3A_598, %get3A_599] : memref<64x128xf32, #tpu.memory_space<vmem>>, vector<1x128xf32>
      %max3A_601 = arith.maximumf %get3A_600, %broadcast_in_dim3A_597 : vector<1x128xf32>
      %swap3A_602 = arith.constant 0 : index
      %swap3A_603 = arith.constant 0 : index
      %swap3A_604 = vector.load %arg12[%swap3A_602, %swap3A_603] : memref<64x128xf32, #tpu.memory_space<vmem>>, vector<1x128xf32>
      tpu.vector_store %arg12[%swap3A_602, %swap3A_603], %max3A_601 {strides = array<i32>} : memref<64x128xf32, #tpu.memory_space<vmem>>, vector<1x128xf32>,
    } else {
    }
    %le3A_81 = arith.constant 1 : i32
    %le3A_82 = arith.cmpi sle, %get3A_71, %le3A_81 : i32
    %ge3A_83 = arith.constant 1 : i32
    %ge3A_84 = arith.cmpi sge, %get3A_75, %ge3A_83 : i32
    %and3A_85 = arith.andi %le3A_82, %ge3A_84 : i1
    %convert_element_type3A_86 = arith.extui %and3A_85 : i1 to i32
    %cond3A_87 = arith.constant 0 : i32
    %cond3A_88 = arith.cmpi ne, %convert_element_type3A_86, %cond3A_87 : i32
    scf.if %cond3A_88 {
      %eq3A_590 = arith.constant 1 : i32
      %eq3A_591 = vector.broadcast %eq3A_590 : i32 to vector<1000x1xi32>
      %eq3A_592 = arith.cmpi eq, %get3A_44, %eq3A_591 : vector<1000x1xi32>
      %jit3A = arith.constant 0xFF800000 : f32
      %broadcast_in_dim3A_593 = vector.shape_cast %eq3A_592 : vector<1000x1xi1> to vector<1000x1xi1>
      %broadcast_in_dim3A_594 = vector.broadcast %broadcast_in_dim3A_593 : vector<1000x1xi1> to vector<1000x128xi1>
      %broadcast_in_dim3A_595 = vector.broadcast %jit3A : f32 to vector<1000x128xf32>
      %select_n3A = arith.select %broadcast_in_dim3A_594, %max3A_39, %broadcast_in_dim3A_595 : vector<1000x128xi1>, vector<1000x128xf32>
      %reduce_max3A = arith.constant dense<0xFF800000> : vector<128xf32>
      %reduce_max3A_596 = vector.multi_reduction <maximumf>, %select_n3A, %reduce_max3A [0] : vector<1000x128xf32> to vector<128xf32>
      %broadcast_in_dim3A_597 = vector.shape_cast %reduce_max3A_596 : vector<128xf32> to vector<1x128xf32>
      %get3A_598 = arith.constant 1 : index
      %get3A_599 = arith.constant 0 : index
      %get3A_600 = vector.load %arg12[%get3A_598, %get3A_599] : memref<64x128xf32, #tpu.memory_space<vmem>>, vector<1x128xf32>
      %max3A_601 = arith.maximumf %get3A_600, %broadcast_in_dim3A_597 : vector<1x128xf32>
      %swap3A_602 = arith.constant 1 : index
      %swap3A_603 = arith.constant 0 : index
      %swap3A_604 = vector.load %arg12[%swap3A_602, %swap3A_603] : memref<64x128xf32, #tpu.memory_space<vmem>>, vector<1x128xf32>
      tpu.vector_store %arg12[%swap3A_602, %swap3A_603], %max3A_601 {strides = array<i32>} : memref<64x128xf32, #tpu.memory_space<vmem>>, vector<1x128xf32>,
    } else {
    }
    %le3A_89 = arith.constant 2 : i32
    %le3A_90 = arith.cmpi sle, %get3A_71, %le3A_89 : i32
    %ge3A_91 = arith.constant 2 : i32
    %ge3A_92 = arith.cmpi sge, %get3A_75, %ge3A_91 : i32
    %and3A_93 = arith.andi %le3A_90, %ge3A_92 : i1
    %convert_element_type3A_94 = arith.extui %and3A_93 : i1 to i32
    %cond3A_95 = arith.constant 0 : i32
    %cond3A_96 = arith.cmpi ne, %convert_element_type3A_94, %cond3A_95 : i32
    scf.if %cond3A_96 {
      %eq3A_590 = arith.constant 2 : i32
      %eq3A_591 = vector.broadcast %eq3A_590 : i32 to vector<1000x1xi32>
      %eq3A_592 = arith.cmpi eq, %get3A_44, %eq3A_591 : vector<1000x1xi32>
      %jit3A = arith.constant 0xFF800000 : f32
      %broadcast_in_dim3A_593 = vector.shape_cast %eq3A_592 : vector<1000x1xi1> to vector<1000x1xi1>
      %broadcast_in_dim3A_594 = vector.broadcast %broadcast_in_dim3A_593 : vector<1000x1xi1> to vector<1000x128xi1>
      %broadcast_in_dim3A_595 = vector.broadcast %jit3A : f32 to vector<1000x128xf32>
      %select_n3A = arith.select %broadcast_in_dim3A_594, %max3A_39, %broadcast_in_dim3A_595 : vector<1000x128xi1>, vector<1000x128xf32>
      %reduce_max3A = arith.constant dense<0xFF800000> : vector<128xf32>
      %reduce_max3A_596 = vector.multi_reduction <maximumf>, %select_n3A, %reduce_max3A [0] : vector<1000x128xf32> to vector<128xf32>
      %broadcast_in_dim3A_597 = vector.shape_cast %reduce_max3A_596 : vector<128xf32> to vector<1x128xf32>
      %get3A_598 = arith.constant 2 : index
      %get3A_599 = arith.constant 0 : index
      %get3A_600 = vector.load %arg12[%get3A_598, %get3A_599] : memref<64x128xf32, #tpu.memory_space<vmem>>, vector<1x128xf32>
      %max3A_601 = arith.maximumf %get3A_600, %broadcast_in_dim3A_597 : vector<1x128xf32>
      %swap3A_602 = arith.constant 2 : index
      %swap3A_603 = arith.constant 0 : index
      %swap3A_604 = vector.load %arg12[%swap3A_602, %swap3A_603] : memref<64x128xf32, #tpu.memory_space<vmem>>, vector<1x128xf32>
      tpu.vector_store %arg12[%swap3A_602, %swap3A_603], %max3A_601 {strides = array<i32>} : memref<64x128xf32, #tpu.memory_space<vmem>>, vector<1x128xf32>,
    } else {
    }
    %le3A_97 = arith.constant 3 : i32
    %le3A_98 = arith.cmpi sle, %get3A_71, %le3A_97 : i32
    %ge3A_99 = arith.constant 3 : i32
    %ge3A_100 = arith.cmpi sge, %get3A_75, %ge3A_99 : i32
    %and3A_101 = arith.andi %le3A_98, %ge3A_100 : i1
    %convert_element_type3A_102 = arith.extui %and3A_101 : i1 to i32
    %cond3A_103 = arith.constant 0 : i32
    %cond3A_104 = arith.cmpi ne, %convert_element_type3A_102, %cond3A_103 : i32
    scf.if %cond3A_104 {
      %eq3A_590 = arith.constant 3 : i32
      %eq3A_591 = vector.broadcast %eq3A_590 : i32 to vector<1000x1xi32>
      %eq3A_592 = arith.cmpi eq, %get3A_44, %eq3A_591 : vector<1000x1xi32>
      %jit3A = arith.constant 0xFF800000 : f32
      %broadcast_in_dim3A_593 = vector.shape_cast %eq3A_592 : vector<1000x1xi1> to vector<1000x1xi1>
      %broadcast_in_dim3A_594 = vector.broadcast %broadcast_in_dim3A_593 : vector<1000x1xi1> to vector<1000x128xi1>
      %broadcast_in_dim3A_595 = vector.broadcast %jit3A : f32 to vector<1000x128xf32>
      %select_n3A = arith.select %broadcast_in_dim3A_594, %max3A_39, %broadcast_in_dim3A_595 : vector<1000x128xi1>, vector<1000x128xf32>
      %reduce_max3A = arith.constant dense<0xFF800000> : vector<128xf32>
      %reduce_max3A_596 = vector.multi_reduction <maximumf>, %select_n3A, %reduce_max3A [0] : vector<1000x128xf32> to vector<128xf32>
      %broadcast_in_dim3A_597 = vector.shape_cast %reduce_max3A_596 : vector<128xf32> to vector<1x128xf32>
      %get3A_598 = arith.constant 3 : index
      %get3A_599 = arith.constant 0 : index
      %get3A_600 = vector.load %arg12[%get3A_598, %get3A_599] : memref<64x128xf32, #tpu.memory_space<vmem>>, vector<1x128xf32>
      %max3A_601 = arith.maximumf %get3A_600, %broadcast_in_dim3A_597 : vector<1x128xf32>
      %swap3A_602 = arith.constant 3 : index
      %swap3A_603 = arith.constant 0 : index
      %swap3A_604 = vector.load %arg12[%swap3A_602, %swap3A_603] : memref<64x128xf32, #tpu.memory_space<vmem>>, vector<1x128xf32>
      tpu.vector_store %arg12[%swap3A_602, %swap3A_603], %max3A_601 {strides = array<i32>} : memref<64x128xf32, #tpu.memory_space<vmem>>, vector<1x128xf32>,
    } else {
    }
    %le3A_105 = arith.constant 4 : i32
    %le3A_106 = arith.cmpi sle, %get3A_71, %le3A_105 : i32
    %ge3A_107 = arith.constant 4 : i32
    %ge3A_108 = arith.cmpi sge, %get3A_75, %ge3A_107 : i32
    %and3A_109 = arith.andi %le3A_106, %ge3A_108 : i1
    %convert_element_type3A_110 = arith.extui %and3A_109 : i1 to i32
    %cond3A_111 = arith.constant 0 : i32
    %cond3A_112 = arith.cmpi ne, %convert_element_type3A_110, %cond3A_111 : i32
    scf.if %cond3A_112 {
      %eq3A_590 = arith.constant 4 : i32
      %eq3A_591 = vector.broadcast %eq3A_590 : i32 to vector<1000x1xi32>
      %eq3A_592 = arith.cmpi eq, %get3A_44, %eq3A_591 : vector<1000x1xi32>
      %jit3A = arith.constant 0xFF800000 : f32
      %broadcast_in_dim3A_593 = vector.shape_cast %eq3A_592 : vector<1000x1xi1> to vector<1000x1xi1>
      %broadcast_in_dim3A_594 = vector.broadcast %broadcast_in_dim3A_593 : vector<1000x1xi1> to vector<1000x128xi1>
      %broadcast_in_dim3A_595 = vector.broadcast %jit3A : f32 to vector<1000x128xf32>
      %select_n3A = arith.select %broadcast_in_dim3A_594, %max3A_39, %broadcast_in_dim3A_595 : vector<1000x128xi1>, vector<1000x128xf32>
      %reduce_max3A = arith.constant dense<0xFF800000> : vector<128xf32>
      %reduce_max3A_596 = vector.multi_reduction <maximumf>, %select_n3A, %reduce_max3A [0] : vector<1000x128xf32> to vector<128xf32>
      %broadcast_in_dim3A_597 = vector.shape_cast %reduce_max3A_596 : vector<128xf32> to vector<1x128xf32>
      %get3A_598 = arith.constant 4 : index
      %get3A_599 = arith.constant 0 : index
      %get3A_600 = vector.load %arg12[%get3A_598, %get3A_599] : memref<64x128xf32, #tpu.memory_space<vmem>>, vector<1x128xf32>
      %max3A_601 = arith.maximumf %get3A_600, %broadcast_in_dim3A_597 : vector<1x128xf32>
      %swap3A_602 = arith.constant 4 : index
      %swap3A_603 = arith.constant 0 : index
      %swap3A_604 = vector.load %arg12[%swap3A_602, %swap3A_603] : memref<64x128xf32, #tpu.memory_space<vmem>>, vector<1x128xf32>
      tpu.vector_store %arg12[%swap3A_602, %swap3A_603], %max3A_601 {strides = array<i32>} : memref<64x128xf32, #tpu.memory_space<vmem>>, vector<1x128xf32>,
    } else {
    }
    %le3A_113 = arith.constant 5 : i32
    %le3A_114 = arith.cmpi sle, %get3A_71, %le3A_113 : i32
    %ge3A_115 = arith.constant 5 : i32
    %ge3A_116 = arith.cmpi sge, %get3A_75, %ge3A_115 : i32
    %and3A_117 = arith.andi %le3A_114, %ge3A_116 : i1
    %convert_element_type3A_118 = arith.extui %and3A_117 : i1 to i32
    %cond3A_119 = arith.constant 0 : i32
    %cond3A_120 = arith.cmpi ne, %convert_element_type3A_118, %cond3A_119 : i32
    scf.if %cond3A_120 {
      %eq3A_590 = arith.constant 5 : i32
      %eq3A_591 = vector.broadcast %eq3A_590 : i32 to vector<1000x1xi32>
      %eq3A_592 = arith.cmpi eq, %get3A_44, %eq3A_591 : vector<1000x1xi32>
      %jit3A = arith.constant 0xFF800000 : f32
      %broadcast_in_dim3A_593 = vector.shape_cast %eq3A_592 : vector<1000x1xi1> to vector<1000x1xi1>
      %broadcast_in_dim3A_594 = vector.broadcast %broadcast_in_dim3A_593 : vector<1000x1xi1> to vector<1000x128xi1>
      %broadcast_in_dim3A_595 = vector.broadcast %jit3A : f32 to vector<1000x128xf32>
      %select_n3A = arith.select %broadcast_in_dim3A_594, %max3A_39, %broadcast_in_dim3A_595 : vector<1000x128xi1>, vector<1000x128xf32>
      %reduce_max3A = arith.constant dense<0xFF800000> : vector<128xf32>
      %reduce_max3A_596 = vector.multi_reduction <maximumf>, %select_n3A, %reduce_max3A [0] : vector<1000x128xf32> to vector<128xf32>
      %broadcast_in_dim3A_597 = vector.shape_cast %reduce_max3A_596 : vector<128xf32> to vector<1x128xf32>
      %get3A_598 = arith.constant 5 : index
      %get3A_599 = arith.constant 0 : index
      %get3A_600 = vector.load %arg12[%get3A_598, %get3A_599] : memref<64x128xf32, #tpu.memory_space<vmem>>, vector<1x128xf32>
      %max3A_601 = arith.maximumf %get3A_600, %broadcast_in_dim3A_597 : vector<1x128xf32>
      %swap3A_602 = arith.constant 5 : index
      %swap3A_603 = arith.constant 0 : index
      %swap3A_604 = vector.load %arg12[%swap3A_602, %swap3A_603] : memref<64x128xf32, #tpu.memory_space<vmem>>, vector<1x128xf32>
      tpu.vector_store %arg12[%swap3A_602, %swap3A_603], %max3A_601 {strides = array<i32>} : memref<64x128xf32, #tpu.memory_space<vmem>>, vector<1x128xf32>,
    } else {
    }
    %le3A_121 = arith.constant 6 : i32
    %le3A_122 = arith.cmpi sle, %get3A_71, %le3A_121 : i32
    %ge3A_123 = arith.constant 6 : i32
    %ge3A_124 = arith.cmpi sge, %get3A_75, %ge3A_123 : i32
    %and3A_125 = arith.andi %le3A_122, %ge3A_124 : i1
    %convert_element_type3A_126 = arith.extui %and3A_125 : i1 to i32
    %cond3A_127 = arith.constant 0 : i32
    %cond3A_128 = arith.cmpi ne, %convert_element_type3A_126, %cond3A_127 : i32
    scf.if %cond3A_128 {
      %eq3A_590 = arith.constant 6 : i32
      %eq3A_591 = vector.broadcast %eq3A_590 : i32 to vector<1000x1xi32>
      %eq3A_592 = arith.cmpi eq, %get3A_44, %eq3A_591 : vector<1000x1xi32>
      %jit3A = arith.constant 0xFF800000 : f32
      %broadcast_in_dim3A_593 = vector.shape_cast %eq3A_592 : vector<1000x1xi1> to vector<1000x1xi1>
      %broadcast_in_dim3A_594 = vector.broadcast %broadcast_in_dim3A_593 : vector<1000x1xi1> to vector<1000x128xi1>
      %broadcast_in_dim3A_595 = vector.broadcast %jit3A : f32 to vector<1000x128xf32>
      %select_n3A = arith.select %broadcast_in_dim3A_594, %max3A_39, %broadcast_in_dim3A_595 : vector<1000x128xi1>, vector<1000x128xf32>
      %reduce_max3A = arith.constant dense<0xFF800000> : vector<128xf32>
      %reduce_max3A_596 = vector.multi_reduction <maximumf>, %select_n3A, %reduce_max3A [0] : vector<1000x128xf32> to vector<128xf32>
      %broadcast_in_dim3A_597 = vector.shape_cast %reduce_max3A_596 : vector<128xf32> to vector<1x128xf32>
      %get3A_598 = arith.constant 6 : index
      %get3A_599 = arith.constant 0 : index
      %get3A_600 = vector.load %arg12[%get3A_598, %get3A_599] : memref<64x128xf32, #tpu.memory_space<vmem>>, vector<1x128xf32>
      %max3A_601 = arith.maximumf %get3A_600, %broadcast_in_dim3A_597 : vector<1x128xf32>
      %swap3A_602 = arith.constant 6 : index
      %swap3A_603 = arith.constant 0 : index
      %swap3A_604 = vector.load %arg12[%swap3A_602, %swap3A_603] : memref<64x128xf32, #tpu.memory_space<vmem>>, vector<1x128xf32>
      tpu.vector_store %arg12[%swap3A_602, %swap3A_603], %max3A_601 {strides = array<i32>} : memref<64x128xf32, #tpu.memory_space<vmem>>, vector<1x128xf32>,
    } else {
    }
    %le3A_129 = arith.constant 7 : i32
    %le3A_130 = arith.cmpi sle, %get3A_71, %le3A_129 : i32
    %ge3A_131 = arith.constant 7 : i32
    %ge3A_132 = arith.cmpi sge, %get3A_75, %ge3A_131 : i32
    %and3A_133 = arith.andi %le3A_130, %ge3A_132 : i1
    %convert_element_type3A_134 = arith.extui %and3A_133 : i1 to i32
    %cond3A_135 = arith.constant 0 : i32
    %cond3A_136 = arith.cmpi ne, %convert_element_type3A_134, %cond3A_135 : i32
    scf.if %cond3A_136 {
      %eq3A_590 = arith.constant 7 : i32
      %eq3A_591 = vector.broadcast %eq3A_590 : i32 to vector<1000x1xi32>
      %eq3A_592 = arith.cmpi eq, %get3A_44, %eq3A_591 : vector<1000x1xi32>
      %jit3A = arith.constant 0xFF800000 : f32
      %broadcast_in_dim3A_593 = vector.shape_cast %eq3A_592 : vector<1000x1xi1> to vector<1000x1xi1>
      %broadcast_in_dim3A_594 = vector.broadcast %broadcast_in_dim3A_593 : vector<1000x1xi1> to vector<1000x128xi1>
      %broadcast_in_dim3A_595 = vector.broadcast %jit3A : f32 to vector<1000x128xf32>
      %select_n3A = arith.select %broadcast_in_dim3A_594, %max3A_39, %broadcast_in_dim3A_595 : vector<1000x128xi1>, vector<1000x128xf32>
      %reduce_max3A = arith.constant dense<0xFF800000> : vector<128xf32>
      %reduce_max3A_596 = vector.multi_reduction <maximumf>, %select_n3A, %reduce_max3A [0] : vector<1000x128xf32> to vector<128xf32>
      %broadcast_in_dim3A_597 = vector.shape_cast %reduce_max3A_596 : vector<128xf32> to vector<1x128xf32>
      %get3A_598 = arith.constant 7 : index
      %get3A_599 = arith.constant 0 : index
      %get3A_600 = vector.load %arg12[%get3A_598, %get3A_599] : memref<64x128xf32, #tpu.memory_space<vmem>>, vector<1x128xf32>
      %max3A_601 = arith.maximumf %get3A_600, %broadcast_in_dim3A_597 : vector<1x128xf32>
      %swap3A_602 = arith.constant 7 : index
      %swap3A_603 = arith.constant 0 : index
      %swap3A_604 = vector.load %arg12[%swap3A_602, %swap3A_603] : memref<64x128xf32, #tpu.memory_space<vmem>>, vector<1x128xf32>
      tpu.vector_store %arg12[%swap3A_602, %swap3A_603], %max3A_601 {strides = array<i32>} : memref<64x128xf32, #tpu.memory_space<vmem>>, vector<1x128xf32>,
    } else {
    }
    %le3A_137 = arith.constant 8 : i32
    %le3A_138 = arith.cmpi sle, %get3A_71, %le3A_137 : i32
    %ge3A_139 = arith.constant 8 : i32
    %ge3A_140 = arith.cmpi sge, %get3A_75, %ge3A_139 : i32
    %and3A_141 = arith.andi %le3A_138, %ge3A_140 : i1
    %convert_element_type3A_142 = arith.extui %and3A_141 : i1 to i32
    %cond3A_143 = arith.constant 0 : i32
    %cond3A_144 = arith.cmpi ne, %convert_element_type3A_142, %cond3A_143 : i32
    scf.if %cond3A_144 {
      %eq3A_590 = arith.constant 8 : i32
      %eq3A_591 = vector.broadcast %eq3A_590 : i32 to vector<1000x1xi32>
      %eq3A_592 = arith.cmpi eq, %get3A_44, %eq3A_591 : vector<1000x1xi32>
      %jit3A = arith.constant 0xFF800000 : f32
      %broadcast_in_dim3A_593 = vector.shape_cast %eq3A_592 : vector<1000x1xi1> to vector<1000x1xi1>
      %broadcast_in_dim3A_594 = vector.broadcast %broadcast_in_dim3A_593 : vector<1000x1xi1> to vector<1000x128xi1>
      %broadcast_in_dim3A_595 = vector.broadcast %jit3A : f32 to vector<1000x128xf32>
      %select_n3A = arith.select %broadcast_in_dim3A_594, %max3A_39, %broadcast_in_dim3A_595 : vector<1000x128xi1>, vector<1000x128xf32>
      %reduce_max3A = arith.constant dense<0xFF800000> : vector<128xf32>
      %reduce_max3A_596 = vector.multi_reduction <maximumf>, %select_n3A, %reduce_max3A [0] : vector<1000x128xf32> to vector<128xf32>
      %broadcast_in_dim3A_597 = vector.shape_cast %reduce_max3A_596 : vector<128xf32> to vector<1x128xf32>
      %get3A_598 = arith.constant 8 : index
      %get3A_599 = arith.constant 0 : index
      %get3A_600 = vector.load %arg12[%get3A_598, %get3A_599] : memref<64x128xf32, #tpu.memory_space<vmem>>, vector<1x128xf32>
      %max3A_601 = arith.maximumf %get3A_600, %broadcast_in_dim3A_597 : vector<1x128xf32>
      %swap3A_602 = arith.constant 8 : index
      %swap3A_603 = arith.constant 0 : index
      %swap3A_604 = vector.load %arg12[%swap3A_602, %swap3A_603] : memref<64x128xf32, #tpu.memory_space<vmem>>, vector<1x128xf32>
      tpu.vector_store %arg12[%swap3A_602, %swap3A_603], %max3A_601 {strides = array<i32>} : memref<64x128xf32, #tpu.memory_space<vmem>>, vector<1x128xf32>,
    } else {
    }
    %le3A_145 = arith.constant 9 : i32
    %le3A_146 = arith.cmpi sle, %get3A_71, %le3A_145 : i32
    %ge3A_147 = arith.constant 9 : i32
    %ge3A_148 = arith.cmpi sge, %get3A_75, %ge3A_147 : i32
    %and3A_149 = arith.andi %le3A_146, %ge3A_148 : i1
    %convert_element_type3A_150 = arith.extui %and3A_149 : i1 to i32
    %cond3A_151 = arith.constant 0 : i32
    %cond3A_152 = arith.cmpi ne, %convert_element_type3A_150, %cond3A_151 : i32
    scf.if %cond3A_152 {
      %eq3A_590 = arith.constant 9 : i32
      %eq3A_591 = vector.broadcast %eq3A_590 : i32 to vector<1000x1xi32>
      %eq3A_592 = arith.cmpi eq, %get3A_44, %eq3A_591 : vector<1000x1xi32>
      %jit3A = arith.constant 0xFF800000 : f32
      %broadcast_in_dim3A_593 = vector.shape_cast %eq3A_592 : vector<1000x1xi1> to vector<1000x1xi1>
      %broadcast_in_dim3A_594 = vector.broadcast %broadcast_in_dim3A_593 : vector<1000x1xi1> to vector<1000x128xi1>
      %broadcast_in_dim3A_595 = vector.broadcast %jit3A : f32 to vector<1000x128xf32>
      %select_n3A = arith.select %broadcast_in_dim3A_594, %max3A_39, %broadcast_in_dim3A_595 : vector<1000x128xi1>, vector<1000x128xf32>
      %reduce_max3A = arith.constant dense<0xFF800000> : vector<128xf32>
      %reduce_max3A_596 = vector.multi_reduction <maximumf>, %select_n3A, %reduce_max3A [0] : vector<1000x128xf32> to vector<128xf32>
      %broadcast_in_dim3A_597 = vector.shape_cast %reduce_max3A_596 : vector<128xf32> to vector<1x128xf32>
      %get3A_598 = arith.constant 9 : index
      %get3A_599 = arith.constant 0 : index
      %get3A_600 = vector.load %arg12[%get3A_598, %get3A_599] : memref<64x128xf32, #tpu.memory_space<vmem>>, vector<1x128xf32>
      %max3A_601 = arith.maximumf %get3A_600, %broadcast_in_dim3A_597 : vector<1x128xf32>
      %swap3A_602 = arith.constant 9 : index
      %swap3A_603 = arith.constant 0 : index
      %swap3A_604 = vector.load %arg12[%swap3A_602, %swap3A_603] : memref<64x128xf32, #tpu.memory_space<vmem>>, vector<1x128xf32>
      tpu.vector_store %arg12[%swap3A_602, %swap3A_603], %max3A_601 {strides = array<i32>} : memref<64x128xf32, #tpu.memory_space<vmem>>, vector<1x128xf32>,
    } else {
    }
    %le3A_153 = arith.constant 10 : i32
    %le3A_154 = arith.cmpi sle, %get3A_71, %le3A_153 : i32
    %ge3A_155 = arith.constant 10 : i32
    %ge3A_156 = arith.cmpi sge, %get3A_75, %ge3A_155 : i32
    %and3A_157 = arith.andi %le3A_154, %ge3A_156 : i1
    %convert_element_type3A_158 = arith.extui %and3A_157 : i1 to i32
    %cond3A_159 = arith.constant 0 : i32
    %cond3A_160 = arith.cmpi ne, %convert_element_type3A_158, %cond3A_159 : i32
    scf.if %cond3A_160 {
      %eq3A_590 = arith.constant 10 : i32
      %eq3A_591 = vector.broadcast %eq3A_590 : i32 to vector<1000x1xi32>
      %eq3A_592 = arith.cmpi eq, %get3A_44, %eq3A_591 : vector<1000x1xi32>
      %jit3A = arith.constant 0xFF800000 : f32
      %broadcast_in_dim3A_593 = vector.shape_cast %eq3A_592 : vector<1000x1xi1> to vector<1000x1xi1>
      %broadcast_in_dim3A_594 = vector.broadcast %broadcast_in_dim3A_593 : vector<1000x1xi1> to vector<1000x128xi1>
      %broadcast_in_dim3A_595 = vector.broadcast %jit3A : f32 to vector<1000x128xf32>
      %select_n3A = arith.select %broadcast_in_dim3A_594, %max3A_39, %broadcast_in_dim3A_595 : vector<1000x128xi1>, vector<1000x128xf32>
      %reduce_max3A = arith.constant dense<0xFF800000> : vector<128xf32>
      %reduce_max3A_596 = vector.multi_reduction <maximumf>, %select_n3A, %reduce_max3A [0] : vector<1000x128xf32> to vector<128xf32>
      %broadcast_in_dim3A_597 = vector.shape_cast %reduce_max3A_596 : vector<128xf32> to vector<1x128xf32>
      %get3A_598 = arith.constant 10 : index
      %get3A_599 = arith.constant 0 : index
      %get3A_600 = vector.load %arg12[%get3A_598, %get3A_599] : memref<64x128xf32, #tpu.memory_space<vmem>>, vector<1x128xf32>
      %max3A_601 = arith.maximumf %get3A_600, %broadcast_in_dim3A_597 : vector<1x128xf32>
      %swap3A_602 = arith.constant 10 : index
      %swap3A_603 = arith.constant 0 : index
      %swap3A_604 = vector.load %arg12[%swap3A_602, %swap3A_603] : memref<64x128xf32, #tpu.memory_space<vmem>>, vector<1x128xf32>
      tpu.vector_store %arg12[%swap3A_602, %swap3A_603], %max3A_601 {strides = array<i32>} : memref<64x128xf32, #tpu.memory_space<vmem>>, vector<1x128xf32>,
    } else {
    }
    %le3A_161 = arith.constant 11 : i32
    %le3A_162 = arith.cmpi sle, %get3A_71, %le3A_161 : i32
    %ge3A_163 = arith.constant 11 : i32
    %ge3A_164 = arith.cmpi sge, %get3A_75, %ge3A_163 : i32
    %and3A_165 = arith.andi %le3A_162, %ge3A_164 : i1
    %convert_element_type3A_166 = arith.extui %and3A_165 : i1 to i32
    %cond3A_167 = arith.constant 0 : i32
    %cond3A_168 = arith.cmpi ne, %convert_element_type3A_166, %cond3A_167 : i32
    scf.if %cond3A_168 {
      %eq3A_590 = arith.constant 11 : i32
      %eq3A_591 = vector.broadcast %eq3A_590 : i32 to vector<1000x1xi32>
      %eq3A_592 = arith.cmpi eq, %get3A_44, %eq3A_591 : vector<1000x1xi32>
      %jit3A = arith.constant 0xFF800000 : f32
      %broadcast_in_dim3A_593 = vector.shape_cast %eq3A_592 : vector<1000x1xi1> to vector<1000x1xi1>
      %broadcast_in_dim3A_594 = vector.broadcast %broadcast_in_dim3A_593 : vector<1000x1xi1> to vector<1000x128xi1>
      %broadcast_in_dim3A_595 = vector.broadcast %jit3A : f32 to vector<1000x128xf32>
      %select_n3A = arith.select %broadcast_in_dim3A_594, %max3A_39, %broadcast_in_dim3A_595 : vector<1000x128xi1>, vector<1000x128xf32>
      %reduce_max3A = arith.constant dense<0xFF800000> : vector<128xf32>
      %reduce_max3A_596 = vector.multi_reduction <maximumf>, %select_n3A, %reduce_max3A [0] : vector<1000x128xf32> to vector<128xf32>
      %broadcast_in_dim3A_597 = vector.shape_cast %reduce_max3A_596 : vector<128xf32> to vector<1x128xf32>
      %get3A_598 = arith.constant 11 : index
      %get3A_599 = arith.constant 0 : index
      %get3A_600 = vector.load %arg12[%get3A_598, %get3A_599] : memref<64x128xf32, #tpu.memory_space<vmem>>, vector<1x128xf32>
      %max3A_601 = arith.maximumf %get3A_600, %broadcast_in_dim3A_597 : vector<1x128xf32>
      %swap3A_602 = arith.constant 11 : index
      %swap3A_603 = arith.constant 0 : index
      %swap3A_604 = vector.load %arg12[%swap3A_602, %swap3A_603] : memref<64x128xf32, #tpu.memory_space<vmem>>, vector<1x128xf32>
      tpu.vector_store %arg12[%swap3A_602, %swap3A_603], %max3A_601 {strides = array<i32>} : memref<64x128xf32, #tpu.memory_space<vmem>>, vector<1x128xf32>,
    } else {
    }
    %le3A_169 = arith.constant 12 : i32
    %le3A_170 = arith.cmpi sle, %get3A_71, %le3A_169 : i32
    %ge3A_171 = arith.constant 12 : i32
    %ge3A_172 = arith.cmpi sge, %get3A_75, %ge3A_171 : i32
    %and3A_173 = arith.andi %le3A_170, %ge3A_172 : i1
    %convert_element_type3A_174 = arith.extui %and3A_173 : i1 to i32
    %cond3A_175 = arith.constant 0 : i32
    %cond3A_176 = arith.cmpi ne, %convert_element_type3A_174, %cond3A_175 : i32
    scf.if %cond3A_176 {
      %eq3A_590 = arith.constant 12 : i32
      %eq3A_591 = vector.broadcast %eq3A_590 : i32 to vector<1000x1xi32>
      %eq3A_592 = arith.cmpi eq, %get3A_44, %eq3A_591 : vector<1000x1xi32>
      %jit3A = arith.constant 0xFF800000 : f32
      %broadcast_in_dim3A_593 = vector.shape_cast %eq3A_592 : vector<1000x1xi1> to vector<1000x1xi1>
      %broadcast_in_dim3A_594 = vector.broadcast %broadcast_in_dim3A_593 : vector<1000x1xi1> to vector<1000x128xi1>
      %broadcast_in_dim3A_595 = vector.broadcast %jit3A : f32 to vector<1000x128xf32>
      %select_n3A = arith.select %broadcast_in_dim3A_594, %max3A_39, %broadcast_in_dim3A_595 : vector<1000x128xi1>, vector<1000x128xf32>
      %reduce_max3A = arith.constant dense<0xFF800000> : vector<128xf32>
      %reduce_max3A_596 = vector.multi_reduction <maximumf>, %select_n3A, %reduce_max3A [0] : vector<1000x128xf32> to vector<128xf32>
      %broadcast_in_dim3A_597 = vector.shape_cast %reduce_max3A_596 : vector<128xf32> to vector<1x128xf32>
      %get3A_598 = arith.constant 12 : index
      %get3A_599 = arith.constant 0 : index
      %get3A_600 = vector.load %arg12[%get3A_598, %get3A_599] : memref<64x128xf32, #tpu.memory_space<vmem>>, vector<1x128xf32>
      %max3A_601 = arith.maximumf %get3A_600, %broadcast_in_dim3A_597 : vector<1x128xf32>
      %swap3A_602 = arith.constant 12 : index
      %swap3A_603 = arith.constant 0 : index
      %swap3A_604 = vector.load %arg12[%swap3A_602, %swap3A_603] : memref<64x128xf32, #tpu.memory_space<vmem>>, vector<1x128xf32>
      tpu.vector_store %arg12[%swap3A_602, %swap3A_603], %max3A_601 {strides = array<i32>} : memref<64x128xf32, #tpu.memory_space<vmem>>, vector<1x128xf32>,
    } else {
    }
    %le3A_177 = arith.constant 13 : i32
    %le3A_178 = arith.cmpi sle, %get3A_71, %le3A_177 : i32
    %ge3A_179 = arith.constant 13 : i32
    %ge3A_180 = arith.cmpi sge, %get3A_75, %ge3A_179 : i32
    %and3A_181 = arith.andi %le3A_178, %ge3A_180 : i1
    %convert_element_type3A_182 = arith.extui %and3A_181 : i1 to i32
    %cond3A_183 = arith.constant 0 : i32
    %cond3A_184 = arith.cmpi ne, %convert_element_type3A_182, %cond3A_183 : i32
    scf.if %cond3A_184 {
      %eq3A_590 = arith.constant 13 : i32
      %eq3A_591 = vector.broadcast %eq3A_590 : i32 to vector<1000x1xi32>
      %eq3A_592 = arith.cmpi eq, %get3A_44, %eq3A_591 : vector<1000x1xi32>
      %jit3A = arith.constant 0xFF800000 : f32
      %broadcast_in_dim3A_593 = vector.shape_cast %eq3A_592 : vector<1000x1xi1> to vector<1000x1xi1>
      %broadcast_in_dim3A_594 = vector.broadcast %broadcast_in_dim3A_593 : vector<1000x1xi1> to vector<1000x128xi1>
      %broadcast_in_dim3A_595 = vector.broadcast %jit3A : f32 to vector<1000x128xf32>
      %select_n3A = arith.select %broadcast_in_dim3A_594, %max3A_39, %broadcast_in_dim3A_595 : vector<1000x128xi1>, vector<1000x128xf32>
      %reduce_max3A = arith.constant dense<0xFF800000> : vector<128xf32>
      %reduce_max3A_596 = vector.multi_reduction <maximumf>, %select_n3A, %reduce_max3A [0] : vector<1000x128xf32> to vector<128xf32>
      %broadcast_in_dim3A_597 = vector.shape_cast %reduce_max3A_596 : vector<128xf32> to vector<1x128xf32>
      %get3A_598 = arith.constant 13 : index
      %get3A_599 = arith.constant 0 : index
      %get3A_600 = vector.load %arg12[%get3A_598, %get3A_599] : memref<64x128xf32, #tpu.memory_space<vmem>>, vector<1x128xf32>
      %max3A_601 = arith.maximumf %get3A_600, %broadcast_in_dim3A_597 : vector<1x128xf32>
      %swap3A_602 = arith.constant 13 : index
      %swap3A_603 = arith.constant 0 : index
      %swap3A_604 = vector.load %arg12[%swap3A_602, %swap3A_603] : memref<64x128xf32, #tpu.memory_space<vmem>>, vector<1x128xf32>
      tpu.vector_store %arg12[%swap3A_602, %swap3A_603], %max3A_601 {strides = array<i32>} : memref<64x128xf32, #tpu.memory_space<vmem>>, vector<1x128xf32>,
    } else {
    }
    %le3A_185 = arith.constant 14 : i32
    %le3A_186 = arith.cmpi sle, %get3A_71, %le3A_185 : i32
    %ge3A_187 = arith.constant 14 : i32
    %ge3A_188 = arith.cmpi sge, %get3A_75, %ge3A_187 : i32
    %and3A_189 = arith.andi %le3A_186, %ge3A_188 : i1
    %convert_element_type3A_190 = arith.extui %and3A_189 : i1 to i32
    %cond3A_191 = arith.constant 0 : i32
    %cond3A_192 = arith.cmpi ne, %convert_element_type3A_190, %cond3A_191 : i32
    scf.if %cond3A_192 {
      %eq3A_590 = arith.constant 14 : i32
      %eq3A_591 = vector.broadcast %eq3A_590 : i32 to vector<1000x1xi32>
      %eq3A_592 = arith.cmpi eq, %get3A_44, %eq3A_591 : vector<1000x1xi32>
      %jit3A = arith.constant 0xFF800000 : f32
      %broadcast_in_dim3A_593 = vector.shape_cast %eq3A_592 : vector<1000x1xi1> to vector<1000x1xi1>
      %broadcast_in_dim3A_594 = vector.broadcast %broadcast_in_dim3A_593 : vector<1000x1xi1> to vector<1000x128xi1>
      %broadcast_in_dim3A_595 = vector.broadcast %jit3A : f32 to vector<1000x128xf32>
      %select_n3A = arith.select %broadcast_in_dim3A_594, %max3A_39, %broadcast_in_dim3A_595 : vector<1000x128xi1>, vector<1000x128xf32>
      %reduce_max3A = arith.constant dense<0xFF800000> : vector<128xf32>
      %reduce_max3A_596 = vector.multi_reduction <maximumf>, %select_n3A, %reduce_max3A [0] : vector<1000x128xf32> to vector<128xf32>
      %broadcast_in_dim3A_597 = vector.shape_cast %reduce_max3A_596 : vector<128xf32> to vector<1x128xf32>
      %get3A_598 = arith.constant 14 : index
      %get3A_599 = arith.constant 0 : index
      %get3A_600 = vector.load %arg12[%get3A_598, %get3A_599] : memref<64x128xf32, #tpu.memory_space<vmem>>, vector<1x128xf32>
      %max3A_601 = arith.maximumf %get3A_600, %broadcast_in_dim3A_597 : vector<1x128xf32>
      %swap3A_602 = arith.constant 14 : index
      %swap3A_603 = arith.constant 0 : index
      %swap3A_604 = vector.load %arg12[%swap3A_602, %swap3A_603] : memref<64x128xf32, #tpu.memory_space<vmem>>, vector<1x128xf32>
      tpu.vector_store %arg12[%swap3A_602, %swap3A_603], %max3A_601 {strides = array<i32>} : memref<64x128xf32, #tpu.memory_space<vmem>>, vector<1x128xf32>,
    } else {
    }
    %le3A_193 = arith.constant 15 : i32
    %le3A_194 = arith.cmpi sle, %get3A_71, %le3A_193 : i32
    %ge3A_195 = arith.constant 15 : i32
    %ge3A_196 = arith.cmpi sge, %get3A_75, %ge3A_195 : i32
    %and3A_197 = arith.andi %le3A_194, %ge3A_196 : i1
    %convert_element_type3A_198 = arith.extui %and3A_197 : i1 to i32
    %cond3A_199 = arith.constant 0 : i32
    %cond3A_200 = arith.cmpi ne, %convert_element_type3A_198, %cond3A_199 : i32
    scf.if %cond3A_200 {
      %eq3A_590 = arith.constant 15 : i32
      %eq3A_591 = vector.broadcast %eq3A_590 : i32 to vector<1000x1xi32>
      %eq3A_592 = arith.cmpi eq, %get3A_44, %eq3A_591 : vector<1000x1xi32>
      %jit3A = arith.constant 0xFF800000 : f32
      %broadcast_in_dim3A_593 = vector.shape_cast %eq3A_592 : vector<1000x1xi1> to vector<1000x1xi1>
      %broadcast_in_dim3A_594 = vector.broadcast %broadcast_in_dim3A_593 : vector<1000x1xi1> to vector<1000x128xi1>
      %broadcast_in_dim3A_595 = vector.broadcast %jit3A : f32 to vector<1000x128xf32>
      %select_n3A = arith.select %broadcast_in_dim3A_594, %max3A_39, %broadcast_in_dim3A_595 : vector<1000x128xi1>, vector<1000x128xf32>
      %reduce_max3A = arith.constant dense<0xFF800000> : vector<128xf32>
      %reduce_max3A_596 = vector.multi_reduction <maximumf>, %select_n3A, %reduce_max3A [0] : vector<1000x128xf32> to vector<128xf32>
      %broadcast_in_dim3A_597 = vector.shape_cast %reduce_max3A_596 : vector<128xf32> to vector<1x128xf32>
      %get3A_598 = arith.constant 15 : index
      %get3A_599 = arith.constant 0 : index
      %get3A_600 = vector.load %arg12[%get3A_598, %get3A_599] : memref<64x128xf32, #tpu.memory_space<vmem>>, vector<1x128xf32>
      %max3A_601 = arith.maximumf %get3A_600, %broadcast_in_dim3A_597 : vector<1x128xf32>
      %swap3A_602 = arith.constant 15 : index
      %swap3A_603 = arith.constant 0 : index
      %swap3A_604 = vector.load %arg12[%swap3A_602, %swap3A_603] : memref<64x128xf32, #tpu.memory_space<vmem>>, vector<1x128xf32>
      tpu.vector_store %arg12[%swap3A_602, %swap3A_603], %max3A_601 {strides = array<i32>} : memref<64x128xf32, #tpu.memory_space<vmem>>, vector<1x128xf32>,
    } else {
    }
    %le3A_201 = arith.constant 16 : i32
    %le3A_202 = arith.cmpi sle, %get3A_71, %le3A_201 : i32
    %ge3A_203 = arith.constant 16 : i32
    %ge3A_204 = arith.cmpi sge, %get3A_75, %ge3A_203 : i32
    %and3A_205 = arith.andi %le3A_202, %ge3A_204 : i1
    %convert_element_type3A_206 = arith.extui %and3A_205 : i1 to i32
    %cond3A_207 = arith.constant 0 : i32
    %cond3A_208 = arith.cmpi ne, %convert_element_type3A_206, %cond3A_207 : i32
    scf.if %cond3A_208 {
      %eq3A_590 = arith.constant 16 : i32
      %eq3A_591 = vector.broadcast %eq3A_590 : i32 to vector<1000x1xi32>
      %eq3A_592 = arith.cmpi eq, %get3A_44, %eq3A_591 : vector<1000x1xi32>
      %jit3A = arith.constant 0xFF800000 : f32
      %broadcast_in_dim3A_593 = vector.shape_cast %eq3A_592 : vector<1000x1xi1> to vector<1000x1xi1>
      %broadcast_in_dim3A_594 = vector.broadcast %broadcast_in_dim3A_593 : vector<1000x1xi1> to vector<1000x128xi1>
      %broadcast_in_dim3A_595 = vector.broadcast %jit3A : f32 to vector<1000x128xf32>
      %select_n3A = arith.select %broadcast_in_dim3A_594, %max3A_39, %broadcast_in_dim3A_595 : vector<1000x128xi1>, vector<1000x128xf32>
      %reduce_max3A = arith.constant dense<0xFF800000> : vector<128xf32>
      %reduce_max3A_596 = vector.multi_reduction <maximumf>, %select_n3A, %reduce_max3A [0] : vector<1000x128xf32> to vector<128xf32>
      %broadcast_in_dim3A_597 = vector.shape_cast %reduce_max3A_596 : vector<128xf32> to vector<1x128xf32>
      %get3A_598 = arith.constant 16 : index
      %get3A_599 = arith.constant 0 : index
      %get3A_600 = vector.load %arg12[%get3A_598, %get3A_599] : memref<64x128xf32, #tpu.memory_space<vmem>>, vector<1x128xf32>
      %max3A_601 = arith.maximumf %get3A_600, %broadcast_in_dim3A_597 : vector<1x128xf32>
      %swap3A_602 = arith.constant 16 : index
      %swap3A_603 = arith.constant 0 : index
      %swap3A_604 = vector.load %arg12[%swap3A_602, %swap3A_603] : memref<64x128xf32, #tpu.memory_space<vmem>>, vector<1x128xf32>
      tpu.vector_store %arg12[%swap3A_602, %swap3A_603], %max3A_601 {strides = array<i32>} : memref<64x128xf32, #tpu.memory_space<vmem>>, vector<1x128xf32>,
    } else {
    }
    %le3A_209 = arith.constant 17 : i32
    %le3A_210 = arith.cmpi sle, %get3A_71, %le3A_209 : i32
    %ge3A_211 = arith.constant 17 : i32
    %ge3A_212 = arith.cmpi sge, %get3A_75, %ge3A_211 : i32
    %and3A_213 = arith.andi %le3A_210, %ge3A_212 : i1
    %convert_element_type3A_214 = arith.extui %and3A_213 : i1 to i32
    %cond3A_215 = arith.constant 0 : i32
    %cond3A_216 = arith.cmpi ne, %convert_element_type3A_214, %cond3A_215 : i32
    scf.if %cond3A_216 {
      %eq3A_590 = arith.constant 17 : i32
      %eq3A_591 = vector.broadcast %eq3A_590 : i32 to vector<1000x1xi32>
      %eq3A_592 = arith.cmpi eq, %get3A_44, %eq3A_591 : vector<1000x1xi32>
      %jit3A = arith.constant 0xFF800000 : f32
      %broadcast_in_dim3A_593 = vector.shape_cast %eq3A_592 : vector<1000x1xi1> to vector<1000x1xi1>
      %broadcast_in_dim3A_594 = vector.broadcast %broadcast_in_dim3A_593 : vector<1000x1xi1> to vector<1000x128xi1>
      %broadcast_in_dim3A_595 = vector.broadcast %jit3A : f32 to vector<1000x128xf32>
      %select_n3A = arith.select %broadcast_in_dim3A_594, %max3A_39, %broadcast_in_dim3A_595 : vector<1000x128xi1>, vector<1000x128xf32>
      %reduce_max3A = arith.constant dense<0xFF800000> : vector<128xf32>
      %reduce_max3A_596 = vector.multi_reduction <maximumf>, %select_n3A, %reduce_max3A [0] : vector<1000x128xf32> to vector<128xf32>
      %broadcast_in_dim3A_597 = vector.shape_cast %reduce_max3A_596 : vector<128xf32> to vector<1x128xf32>
      %get3A_598 = arith.constant 17 : index
      %get3A_599 = arith.constant 0 : index
      %get3A_600 = vector.load %arg12[%get3A_598, %get3A_599] : memref<64x128xf32, #tpu.memory_space<vmem>>, vector<1x128xf32>
      %max3A_601 = arith.maximumf %get3A_600, %broadcast_in_dim3A_597 : vector<1x128xf32>
      %swap3A_602 = arith.constant 17 : index
      %swap3A_603 = arith.constant 0 : index
      %swap3A_604 = vector.load %arg12[%swap3A_602, %swap3A_603] : memref<64x128xf32, #tpu.memory_space<vmem>>, vector<1x128xf32>
      tpu.vector_store %arg12[%swap3A_602, %swap3A_603], %max3A_601 {strides = array<i32>} : memref<64x128xf32, #tpu.memory_space<vmem>>, vector<1x128xf32>,
    } else {
    }
    %le3A_217 = arith.constant 18 : i32
    %le3A_218 = arith.cmpi sle, %get3A_71, %le3A_217 : i32
    %ge3A_219 = arith.constant 18 : i32
    %ge3A_220 = arith.cmpi sge, %get3A_75, %ge3A_219 : i32
    %and3A_221 = arith.andi %le3A_218, %ge3A_220 : i1
    %convert_element_type3A_222 = arith.extui %and3A_221 : i1 to i32
    %cond3A_223 = arith.constant 0 : i32
    %cond3A_224 = arith.cmpi ne, %convert_element_type3A_222, %cond3A_223 : i32
    scf.if %cond3A_224 {
      %eq3A_590 = arith.constant 18 : i32
      %eq3A_591 = vector.broadcast %eq3A_590 : i32 to vector<1000x1xi32>
      %eq3A_592 = arith.cmpi eq, %get3A_44, %eq3A_591 : vector<1000x1xi32>
      %jit3A = arith.constant 0xFF800000 : f32
      %broadcast_in_dim3A_593 = vector.shape_cast %eq3A_592 : vector<1000x1xi1> to vector<1000x1xi1>
      %broadcast_in_dim3A_594 = vector.broadcast %broadcast_in_dim3A_593 : vector<1000x1xi1> to vector<1000x128xi1>
      %broadcast_in_dim3A_595 = vector.broadcast %jit3A : f32 to vector<1000x128xf32>
      %select_n3A = arith.select %broadcast_in_dim3A_594, %max3A_39, %broadcast_in_dim3A_595 : vector<1000x128xi1>, vector<1000x128xf32>
      %reduce_max3A = arith.constant dense<0xFF800000> : vector<128xf32>
      %reduce_max3A_596 = vector.multi_reduction <maximumf>, %select_n3A, %reduce_max3A [0] : vector<1000x128xf32> to vector<128xf32>
      %broadcast_in_dim3A_597 = vector.shape_cast %reduce_max3A_596 : vector<128xf32> to vector<1x128xf32>
      %get3A_598 = arith.constant 18 : index
      %get3A_599 = arith.constant 0 : index
      %get3A_600 = vector.load %arg12[%get3A_598, %get3A_599] : memref<64x128xf32, #tpu.memory_space<vmem>>, vector<1x128xf32>
      %max3A_601 = arith.maximumf %get3A_600, %broadcast_in_dim3A_597 : vector<1x128xf32>
      %swap3A_602 = arith.constant 18 : index
      %swap3A_603 = arith.constant 0 : index
      %swap3A_604 = vector.load %arg12[%swap3A_602, %swap3A_603] : memref<64x128xf32, #tpu.memory_space<vmem>>, vector<1x128xf32>
      tpu.vector_store %arg12[%swap3A_602, %swap3A_603], %max3A_601 {strides = array<i32>} : memref<64x128xf32, #tpu.memory_space<vmem>>, vector<1x128xf32>,
    } else {
    }
    %le3A_225 = arith.constant 19 : i32
    %le3A_226 = arith.cmpi sle, %get3A_71, %le3A_225 : i32
    %ge3A_227 = arith.constant 19 : i32
    %ge3A_228 = arith.cmpi sge, %get3A_75, %ge3A_227 : i32
    %and3A_229 = arith.andi %le3A_226, %ge3A_228 : i1
    %convert_element_type3A_230 = arith.extui %and3A_229 : i1 to i32
    %cond3A_231 = arith.constant 0 : i32
    %cond3A_232 = arith.cmpi ne, %convert_element_type3A_230, %cond3A_231 : i32
    scf.if %cond3A_232 {
      %eq3A_590 = arith.constant 19 : i32
      %eq3A_591 = vector.broadcast %eq3A_590 : i32 to vector<1000x1xi32>
      %eq3A_592 = arith.cmpi eq, %get3A_44, %eq3A_591 : vector<1000x1xi32>
      %jit3A = arith.constant 0xFF800000 : f32
      %broadcast_in_dim3A_593 = vector.shape_cast %eq3A_592 : vector<1000x1xi1> to vector<1000x1xi1>
      %broadcast_in_dim3A_594 = vector.broadcast %broadcast_in_dim3A_593 : vector<1000x1xi1> to vector<1000x128xi1>
      %broadcast_in_dim3A_595 = vector.broadcast %jit3A : f32 to vector<1000x128xf32>
      %select_n3A = arith.select %broadcast_in_dim3A_594, %max3A_39, %broadcast_in_dim3A_595 : vector<1000x128xi1>, vector<1000x128xf32>
      %reduce_max3A = arith.constant dense<0xFF800000> : vector<128xf32>
      %reduce_max3A_596 = vector.multi_reduction <maximumf>, %select_n3A, %reduce_max3A [0] : vector<1000x128xf32> to vector<128xf32>
      %broadcast_in_dim3A_597 = vector.shape_cast %reduce_max3A_596 : vector<128xf32> to vector<1x128xf32>
      %get3A_598 = arith.constant 19 : index
      %get3A_599 = arith.constant 0 : index
      %get3A_600 = vector.load %arg12[%get3A_598, %get3A_599] : memref<64x128xf32, #tpu.memory_space<vmem>>, vector<1x128xf32>
      %max3A_601 = arith.maximumf %get3A_600, %broadcast_in_dim3A_597 : vector<1x128xf32>
      %swap3A_602 = arith.constant 19 : index
      %swap3A_603 = arith.constant 0 : index
      %swap3A_604 = vector.load %arg12[%swap3A_602, %swap3A_603] : memref<64x128xf32, #tpu.memory_space<vmem>>, vector<1x128xf32>
      tpu.vector_store %arg12[%swap3A_602, %swap3A_603], %max3A_601 {strides = array<i32>} : memref<64x128xf32, #tpu.memory_space<vmem>>, vector<1x128xf32>,
    } else {
    }
    %le3A_233 = arith.constant 20 : i32
    %le3A_234 = arith.cmpi sle, %get3A_71, %le3A_233 : i32
    %ge3A_235 = arith.constant 20 : i32
    %ge3A_236 = arith.cmpi sge, %get3A_75, %ge3A_235 : i32
    %and3A_237 = arith.andi %le3A_234, %ge3A_236 : i1
    %convert_element_type3A_238 = arith.extui %and3A_237 : i1 to i32
    %cond3A_239 = arith.constant 0 : i32
    %cond3A_240 = arith.cmpi ne, %convert_element_type3A_238, %cond3A_239 : i32
    scf.if %cond3A_240 {
      %eq3A_590 = arith.constant 20 : i32
      %eq3A_591 = vector.broadcast %eq3A_590 : i32 to vector<1000x1xi32>
      %eq3A_592 = arith.cmpi eq, %get3A_44, %eq3A_591 : vector<1000x1xi32>
      %jit3A = arith.constant 0xFF800000 : f32
      %broadcast_in_dim3A_593 = vector.shape_cast %eq3A_592 : vector<1000x1xi1> to vector<1000x1xi1>
      %broadcast_in_dim3A_594 = vector.broadcast %broadcast_in_dim3A_593 : vector<1000x1xi1> to vector<1000x128xi1>
      %broadcast_in_dim3A_595 = vector.broadcast %jit3A : f32 to vector<1000x128xf32>
      %select_n3A = arith.select %broadcast_in_dim3A_594, %max3A_39, %broadcast_in_dim3A_595 : vector<1000x128xi1>, vector<1000x128xf32>
      %reduce_max3A = arith.constant dense<0xFF800000> : vector<128xf32>
      %reduce_max3A_596 = vector.multi_reduction <maximumf>, %select_n3A, %reduce_max3A [0] : vector<1000x128xf32> to vector<128xf32>
      %broadcast_in_dim3A_597 = vector.shape_cast %reduce_max3A_596 : vector<128xf32> to vector<1x128xf32>
      %get3A_598 = arith.constant 20 : index
      %get3A_599 = arith.constant 0 : index
      %get3A_600 = vector.load %arg12[%get3A_598, %get3A_599] : memref<64x128xf32, #tpu.memory_space<vmem>>, vector<1x128xf32>
      %max3A_601 = arith.maximumf %get3A_600, %broadcast_in_dim3A_597 : vector<1x128xf32>
      %swap3A_602 = arith.constant 20 : index
      %swap3A_603 = arith.constant 0 : index
      %swap3A_604 = vector.load %arg12[%swap3A_602, %swap3A_603] : memref<64x128xf32, #tpu.memory_space<vmem>>, vector<1x128xf32>
      tpu.vector_store %arg12[%swap3A_602, %swap3A_603], %max3A_601 {strides = array<i32>} : memref<64x128xf32, #tpu.memory_space<vmem>>, vector<1x128xf32>,
    } else {
    }
    %le3A_241 = arith.constant 21 : i32
    %le3A_242 = arith.cmpi sle, %get3A_71, %le3A_241 : i32
    %ge3A_243 = arith.constant 21 : i32
    %ge3A_244 = arith.cmpi sge, %get3A_75, %ge3A_243 : i32
    %and3A_245 = arith.andi %le3A_242, %ge3A_244 : i1
    %convert_element_type3A_246 = arith.extui %and3A_245 : i1 to i32
    %cond3A_247 = arith.constant 0 : i32
    %cond3A_248 = arith.cmpi ne, %convert_element_type3A_246, %cond3A_247 : i32
    scf.if %cond3A_248 {
      %eq3A_590 = arith.constant 21 : i32
      %eq3A_591 = vector.broadcast %eq3A_590 : i32 to vector<1000x1xi32>
      %eq3A_592 = arith.cmpi eq, %get3A_44, %eq3A_591 : vector<1000x1xi32>
      %jit3A = arith.constant 0xFF800000 : f32
      %broadcast_in_dim3A_593 = vector.shape_cast %eq3A_592 : vector<1000x1xi1> to vector<1000x1xi1>
      %broadcast_in_dim3A_594 = vector.broadcast %broadcast_in_dim3A_593 : vector<1000x1xi1> to vector<1000x128xi1>
      %broadcast_in_dim3A_595 = vector.broadcast %jit3A : f32 to vector<1000x128xf32>
      %select_n3A = arith.select %broadcast_in_dim3A_594, %max3A_39, %broadcast_in_dim3A_595 : vector<1000x128xi1>, vector<1000x128xf32>
      %reduce_max3A = arith.constant dense<0xFF800000> : vector<128xf32>
      %reduce_max3A_596 = vector.multi_reduction <maximumf>, %select_n3A, %reduce_max3A [0] : vector<1000x128xf32> to vector<128xf32>
      %broadcast_in_dim3A_597 = vector.shape_cast %reduce_max3A_596 : vector<128xf32> to vector<1x128xf32>
      %get3A_598 = arith.constant 21 : index
      %get3A_599 = arith.constant 0 : index
      %get3A_600 = vector.load %arg12[%get3A_598, %get3A_599] : memref<64x128xf32, #tpu.memory_space<vmem>>, vector<1x128xf32>
      %max3A_601 = arith.maximumf %get3A_600, %broadcast_in_dim3A_597 : vector<1x128xf32>
      %swap3A_602 = arith.constant 21 : index
      %swap3A_603 = arith.constant 0 : index
      %swap3A_604 = vector.load %arg12[%swap3A_602, %swap3A_603] : memref<64x128xf32, #tpu.memory_space<vmem>>, vector<1x128xf32>
      tpu.vector_store %arg12[%swap3A_602, %swap3A_603], %max3A_601 {strides = array<i32>} : memref<64x128xf32, #tpu.memory_space<vmem>>, vector<1x128xf32>,
    } else {
    }
    %le3A_249 = arith.constant 22 : i32
    %le3A_250 = arith.cmpi sle, %get3A_71, %le3A_249 : i32
    %ge3A_251 = arith.constant 22 : i32
    %ge3A_252 = arith.cmpi sge, %get3A_75, %ge3A_251 : i32
    %and3A_253 = arith.andi %le3A_250, %ge3A_252 : i1
    %convert_element_type3A_254 = arith.extui %and3A_253 : i1 to i32
    %cond3A_255 = arith.constant 0 : i32
    %cond3A_256 = arith.cmpi ne, %convert_element_type3A_254, %cond3A_255 : i32
    scf.if %cond3A_256 {
      %eq3A_590 = arith.constant 22 : i32
      %eq3A_591 = vector.broadcast %eq3A_590 : i32 to vector<1000x1xi32>
      %eq3A_592 = arith.cmpi eq, %get3A_44, %eq3A_591 : vector<1000x1xi32>
      %jit3A = arith.constant 0xFF800000 : f32
      %broadcast_in_dim3A_593 = vector.shape_cast %eq3A_592 : vector<1000x1xi1> to vector<1000x1xi1>
      %broadcast_in_dim3A_594 = vector.broadcast %broadcast_in_dim3A_593 : vector<1000x1xi1> to vector<1000x128xi1>
      %broadcast_in_dim3A_595 = vector.broadcast %jit3A : f32 to vector<1000x128xf32>
      %select_n3A = arith.select %broadcast_in_dim3A_594, %max3A_39, %broadcast_in_dim3A_595 : vector<1000x128xi1>, vector<1000x128xf32>
      %reduce_max3A = arith.constant dense<0xFF800000> : vector<128xf32>
      %reduce_max3A_596 = vector.multi_reduction <maximumf>, %select_n3A, %reduce_max3A [0] : vector<1000x128xf32> to vector<128xf32>
      %broadcast_in_dim3A_597 = vector.shape_cast %reduce_max3A_596 : vector<128xf32> to vector<1x128xf32>
      %get3A_598 = arith.constant 22 : index
      %get3A_599 = arith.constant 0 : index
      %get3A_600 = vector.load %arg12[%get3A_598, %get3A_599] : memref<64x128xf32, #tpu.memory_space<vmem>>, vector<1x128xf32>
      %max3A_601 = arith.maximumf %get3A_600, %broadcast_in_dim3A_597 : vector<1x128xf32>
      %swap3A_602 = arith.constant 22 : index
      %swap3A_603 = arith.constant 0 : index
      %swap3A_604 = vector.load %arg12[%swap3A_602, %swap3A_603] : memref<64x128xf32, #tpu.memory_space<vmem>>, vector<1x128xf32>
      tpu.vector_store %arg12[%swap3A_602, %swap3A_603], %max3A_601 {strides = array<i32>} : memref<64x128xf32, #tpu.memory_space<vmem>>, vector<1x128xf32>,
    } else {
    }
    %le3A_257 = arith.constant 23 : i32
    %le3A_258 = arith.cmpi sle, %get3A_71, %le3A_257 : i32
    %ge3A_259 = arith.constant 23 : i32
    %ge3A_260 = arith.cmpi sge, %get3A_75, %ge3A_259 : i32
    %and3A_261 = arith.andi %le3A_258, %ge3A_260 : i1
    %convert_element_type3A_262 = arith.extui %and3A_261 : i1 to i32
    %cond3A_263 = arith.constant 0 : i32
    %cond3A_264 = arith.cmpi ne, %convert_element_type3A_262, %cond3A_263 : i32
    scf.if %cond3A_264 {
      %eq3A_590 = arith.constant 23 : i32
      %eq3A_591 = vector.broadcast %eq3A_590 : i32 to vector<1000x1xi32>
      %eq3A_592 = arith.cmpi eq, %get3A_44, %eq3A_591 : vector<1000x1xi32>
      %jit3A = arith.constant 0xFF800000 : f32
      %broadcast_in_dim3A_593 = vector.shape_cast %eq3A_592 : vector<1000x1xi1> to vector<1000x1xi1>
      %broadcast_in_dim3A_594 = vector.broadcast %broadcast_in_dim3A_593 : vector<1000x1xi1> to vector<1000x128xi1>
      %broadcast_in_dim3A_595 = vector.broadcast %jit3A : f32 to vector<1000x128xf32>
      %select_n3A = arith.select %broadcast_in_dim3A_594, %max3A_39, %broadcast_in_dim3A_595 : vector<1000x128xi1>, vector<1000x128xf32>
      %reduce_max3A = arith.constant dense<0xFF800000> : vector<128xf32>
      %reduce_max3A_596 = vector.multi_reduction <maximumf>, %select_n3A, %reduce_max3A [0] : vector<1000x128xf32> to vector<128xf32>
      %broadcast_in_dim3A_597 = vector.shape_cast %reduce_max3A_596 : vector<128xf32> to vector<1x128xf32>
      %get3A_598 = arith.constant 23 : index
      %get3A_599 = arith.constant 0 : index
      %get3A_600 = vector.load %arg12[%get3A_598, %get3A_599] : memref<64x128xf32, #tpu.memory_space<vmem>>, vector<1x128xf32>
      %max3A_601 = arith.maximumf %get3A_600, %broadcast_in_dim3A_597 : vector<1x128xf32>
      %swap3A_602 = arith.constant 23 : index
      %swap3A_603 = arith.constant 0 : index
      %swap3A_604 = vector.load %arg12[%swap3A_602, %swap3A_603] : memref<64x128xf32, #tpu.memory_space<vmem>>, vector<1x128xf32>
      tpu.vector_store %arg12[%swap3A_602, %swap3A_603], %max3A_601 {strides = array<i32>} : memref<64x128xf32, #tpu.memory_space<vmem>>, vector<1x128xf32>,
    } else {
    }
    %le3A_265 = arith.constant 24 : i32
    %le3A_266 = arith.cmpi sle, %get3A_71, %le3A_265 : i32
    %ge3A_267 = arith.constant 24 : i32
    %ge3A_268 = arith.cmpi sge, %get3A_75, %ge3A_267 : i32
    %and3A_269 = arith.andi %le3A_266, %ge3A_268 : i1
    %convert_element_type3A_270 = arith.extui %and3A_269 : i1 to i32
    %cond3A_271 = arith.constant 0 : i32
    %cond3A_272 = arith.cmpi ne, %convert_element_type3A_270, %cond3A_271 : i32
    scf.if %cond3A_272 {
      %eq3A_590 = arith.constant 24 : i32
      %eq3A_591 = vector.broadcast %eq3A_590 : i32 to vector<1000x1xi32>
      %eq3A_592 = arith.cmpi eq, %get3A_44, %eq3A_591 : vector<1000x1xi32>
      %jit3A = arith.constant 0xFF800000 : f32
      %broadcast_in_dim3A_593 = vector.shape_cast %eq3A_592 : vector<1000x1xi1> to vector<1000x1xi1>
      %broadcast_in_dim3A_594 = vector.broadcast %broadcast_in_dim3A_593 : vector<1000x1xi1> to vector<1000x128xi1>
      %broadcast_in_dim3A_595 = vector.broadcast %jit3A : f32 to vector<1000x128xf32>
      %select_n3A = arith.select %broadcast_in_dim3A_594, %max3A_39, %broadcast_in_dim3A_595 : vector<1000x128xi1>, vector<1000x128xf32>
      %reduce_max3A = arith.constant dense<0xFF800000> : vector<128xf32>
      %reduce_max3A_596 = vector.multi_reduction <maximumf>, %select_n3A, %reduce_max3A [0] : vector<1000x128xf32> to vector<128xf32>
      %broadcast_in_dim3A_597 = vector.shape_cast %reduce_max3A_596 : vector<128xf32> to vector<1x128xf32>
      %get3A_598 = arith.constant 24 : index
      %get3A_599 = arith.constant 0 : index
      %get3A_600 = vector.load %arg12[%get3A_598, %get3A_599] : memref<64x128xf32, #tpu.memory_space<vmem>>, vector<1x128xf32>
      %max3A_601 = arith.maximumf %get3A_600, %broadcast_in_dim3A_597 : vector<1x128xf32>
      %swap3A_602 = arith.constant 24 : index
      %swap3A_603 = arith.constant 0 : index
      %swap3A_604 = vector.load %arg12[%swap3A_602, %swap3A_603] : memref<64x128xf32, #tpu.memory_space<vmem>>, vector<1x128xf32>
      tpu.vector_store %arg12[%swap3A_602, %swap3A_603], %max3A_601 {strides = array<i32>} : memref<64x128xf32, #tpu.memory_space<vmem>>, vector<1x128xf32>,
    } else {
    }
    %le3A_273 = arith.constant 25 : i32
    %le3A_274 = arith.cmpi sle, %get3A_71, %le3A_273 : i32
    %ge3A_275 = arith.constant 25 : i32
    %ge3A_276 = arith.cmpi sge, %get3A_75, %ge3A_275 : i32
    %and3A_277 = arith.andi %le3A_274, %ge3A_276 : i1
    %convert_element_type3A_278 = arith.extui %and3A_277 : i1 to i32
    %cond3A_279 = arith.constant 0 : i32
    %cond3A_280 = arith.cmpi ne, %convert_element_type3A_278, %cond3A_279 : i32
    scf.if %cond3A_280 {
      %eq3A_590 = arith.constant 25 : i32
      %eq3A_591 = vector.broadcast %eq3A_590 : i32 to vector<1000x1xi32>
      %eq3A_592 = arith.cmpi eq, %get3A_44, %eq3A_591 : vector<1000x1xi32>
      %jit3A = arith.constant 0xFF800000 : f32
      %broadcast_in_dim3A_593 = vector.shape_cast %eq3A_592 : vector<1000x1xi1> to vector<1000x1xi1>
      %broadcast_in_dim3A_594 = vector.broadcast %broadcast_in_dim3A_593 : vector<1000x1xi1> to vector<1000x128xi1>
      %broadcast_in_dim3A_595 = vector.broadcast %jit3A : f32 to vector<1000x128xf32>
      %select_n3A = arith.select %broadcast_in_dim3A_594, %max3A_39, %broadcast_in_dim3A_595 : vector<1000x128xi1>, vector<1000x128xf32>
      %reduce_max3A = arith.constant dense<0xFF800000> : vector<128xf32>
      %reduce_max3A_596 = vector.multi_reduction <maximumf>, %select_n3A, %reduce_max3A [0] : vector<1000x128xf32> to vector<128xf32>
      %broadcast_in_dim3A_597 = vector.shape_cast %reduce_max3A_596 : vector<128xf32> to vector<1x128xf32>
      %get3A_598 = arith.constant 25 : index
      %get3A_599 = arith.constant 0 : index
      %get3A_600 = vector.load %arg12[%get3A_598, %get3A_599] : memref<64x128xf32, #tpu.memory_space<vmem>>, vector<1x128xf32>
      %max3A_601 = arith.maximumf %get3A_600, %broadcast_in_dim3A_597 : vector<1x128xf32>
      %swap3A_602 = arith.constant 25 : index
      %swap3A_603 = arith.constant 0 : index
      %swap3A_604 = vector.load %arg12[%swap3A_602, %swap3A_603] : memref<64x128xf32, #tpu.memory_space<vmem>>, vector<1x128xf32>
      tpu.vector_store %arg12[%swap3A_602, %swap3A_603], %max3A_601 {strides = array<i32>} : memref<64x128xf32, #tpu.memory_space<vmem>>, vector<1x128xf32>,
    } else {
    }
    %le3A_281 = arith.constant 26 : i32
    %le3A_282 = arith.cmpi sle, %get3A_71, %le3A_281 : i32
    %ge3A_283 = arith.constant 26 : i32
    %ge3A_284 = arith.cmpi sge, %get3A_75, %ge3A_283 : i32
    %and3A_285 = arith.andi %le3A_282, %ge3A_284 : i1
    %convert_element_type3A_286 = arith.extui %and3A_285 : i1 to i32
    %cond3A_287 = arith.constant 0 : i32
    %cond3A_288 = arith.cmpi ne, %convert_element_type3A_286, %cond3A_287 : i32
    scf.if %cond3A_288 {
      %eq3A_590 = arith.constant 26 : i32
      %eq3A_591 = vector.broadcast %eq3A_590 : i32 to vector<1000x1xi32>
      %eq3A_592 = arith.cmpi eq, %get3A_44, %eq3A_591 : vector<1000x1xi32>
      %jit3A = arith.constant 0xFF800000 : f32
      %broadcast_in_dim3A_593 = vector.shape_cast %eq3A_592 : vector<1000x1xi1> to vector<1000x1xi1>
      %broadcast_in_dim3A_594 = vector.broadcast %broadcast_in_dim3A_593 : vector<1000x1xi1> to vector<1000x128xi1>
      %broadcast_in_dim3A_595 = vector.broadcast %jit3A : f32 to vector<1000x128xf32>
      %select_n3A = arith.select %broadcast_in_dim3A_594, %max3A_39, %broadcast_in_dim3A_595 : vector<1000x128xi1>, vector<1000x128xf32>
      %reduce_max3A = arith.constant dense<0xFF800000> : vector<128xf32>
      %reduce_max3A_596 = vector.multi_reduction <maximumf>, %select_n3A, %reduce_max3A [0] : vector<1000x128xf32> to vector<128xf32>
      %broadcast_in_dim3A_597 = vector.shape_cast %reduce_max3A_596 : vector<128xf32> to vector<1x128xf32>
      %get3A_598 = arith.constant 26 : index
      %get3A_599 = arith.constant 0 : index
      %get3A_600 = vector.load %arg12[%get3A_598, %get3A_599] : memref<64x128xf32, #tpu.memory_space<vmem>>, vector<1x128xf32>
      %max3A_601 = arith.maximumf %get3A_600, %broadcast_in_dim3A_597 : vector<1x128xf32>
      %swap3A_602 = arith.constant 26 : index
      %swap3A_603 = arith.constant 0 : index
      %swap3A_604 = vector.load %arg12[%swap3A_602, %swap3A_603] : memref<64x128xf32, #tpu.memory_space<vmem>>, vector<1x128xf32>
      tpu.vector_store %arg12[%swap3A_602, %swap3A_603], %max3A_601 {strides = array<i32>} : memref<64x128xf32, #tpu.memory_space<vmem>>, vector<1x128xf32>,
    } else {
    }
    %le3A_289 = arith.constant 27 : i32
    %le3A_290 = arith.cmpi sle, %get3A_71, %le3A_289 : i32
    %ge3A_291 = arith.constant 27 : i32
    %ge3A_292 = arith.cmpi sge, %get3A_75, %ge3A_291 : i32
    %and3A_293 = arith.andi %le3A_290, %ge3A_292 : i1
    %convert_element_type3A_294 = arith.extui %and3A_293 : i1 to i32
    %cond3A_295 = arith.constant 0 : i32
    %cond3A_296 = arith.cmpi ne, %convert_element_type3A_294, %cond3A_295 : i32
    scf.if %cond3A_296 {
      %eq3A_590 = arith.constant 27 : i32
      %eq3A_591 = vector.broadcast %eq3A_590 : i32 to vector<1000x1xi32>
      %eq3A_592 = arith.cmpi eq, %get3A_44, %eq3A_591 : vector<1000x1xi32>
      %jit3A = arith.constant 0xFF800000 : f32
      %broadcast_in_dim3A_593 = vector.shape_cast %eq3A_592 : vector<1000x1xi1> to vector<1000x1xi1>
      %broadcast_in_dim3A_594 = vector.broadcast %broadcast_in_dim3A_593 : vector<1000x1xi1> to vector<1000x128xi1>
      %broadcast_in_dim3A_595 = vector.broadcast %jit3A : f32 to vector<1000x128xf32>
      %select_n3A = arith.select %broadcast_in_dim3A_594, %max3A_39, %broadcast_in_dim3A_595 : vector<1000x128xi1>, vector<1000x128xf32>
      %reduce_max3A = arith.constant dense<0xFF800000> : vector<128xf32>
      %reduce_max3A_596 = vector.multi_reduction <maximumf>, %select_n3A, %reduce_max3A [0] : vector<1000x128xf32> to vector<128xf32>
      %broadcast_in_dim3A_597 = vector.shape_cast %reduce_max3A_596 : vector<128xf32> to vector<1x128xf32>
      %get3A_598 = arith.constant 27 : index
      %get3A_599 = arith.constant 0 : index
      %get3A_600 = vector.load %arg12[%get3A_598, %get3A_599] : memref<64x128xf32, #tpu.memory_space<vmem>>, vector<1x128xf32>
      %max3A_601 = arith.maximumf %get3A_600, %broadcast_in_dim3A_597 : vector<1x128xf32>
      %swap3A_602 = arith.constant 27 : index
      %swap3A_603 = arith.constant 0 : index
      %swap3A_604 = vector.load %arg12[%swap3A_602, %swap3A_603] : memref<64x128xf32, #tpu.memory_space<vmem>>, vector<1x128xf32>
      tpu.vector_store %arg12[%swap3A_602, %swap3A_603], %max3A_601 {strides = array<i32>} : memref<64x128xf32, #tpu.memory_space<vmem>>, vector<1x128xf32>,
    } else {
    }
    %le3A_297 = arith.constant 28 : i32
    %le3A_298 = arith.cmpi sle, %get3A_71, %le3A_297 : i32
    %ge3A_299 = arith.constant 28 : i32
    %ge3A_300 = arith.cmpi sge, %get3A_75, %ge3A_299 : i32
    %and3A_301 = arith.andi %le3A_298, %ge3A_300 : i1
    %convert_element_type3A_302 = arith.extui %and3A_301 : i1 to i32
    %cond3A_303 = arith.constant 0 : i32
    %cond3A_304 = arith.cmpi ne, %convert_element_type3A_302, %cond3A_303 : i32
    scf.if %cond3A_304 {
      %eq3A_590 = arith.constant 28 : i32
      %eq3A_591 = vector.broadcast %eq3A_590 : i32 to vector<1000x1xi32>
      %eq3A_592 = arith.cmpi eq, %get3A_44, %eq3A_591 : vector<1000x1xi32>
      %jit3A = arith.constant 0xFF800000 : f32
      %broadcast_in_dim3A_593 = vector.shape_cast %eq3A_592 : vector<1000x1xi1> to vector<1000x1xi1>
      %broadcast_in_dim3A_594 = vector.broadcast %broadcast_in_dim3A_593 : vector<1000x1xi1> to vector<1000x128xi1>
      %broadcast_in_dim3A_595 = vector.broadcast %jit3A : f32 to vector<1000x128xf32>
      %select_n3A = arith.select %broadcast_in_dim3A_594, %max3A_39, %broadcast_in_dim3A_595 : vector<1000x128xi1>, vector<1000x128xf32>
      %reduce_max3A = arith.constant dense<0xFF800000> : vector<128xf32>
      %reduce_max3A_596 = vector.multi_reduction <maximumf>, %select_n3A, %reduce_max3A [0] : vector<1000x128xf32> to vector<128xf32>
      %broadcast_in_dim3A_597 = vector.shape_cast %reduce_max3A_596 : vector<128xf32> to vector<1x128xf32>
      %get3A_598 = arith.constant 28 : index
      %get3A_599 = arith.constant 0 : index
      %get3A_600 = vector.load %arg12[%get3A_598, %get3A_599] : memref<64x128xf32, #tpu.memory_space<vmem>>, vector<1x128xf32>
      %max3A_601 = arith.maximumf %get3A_600, %broadcast_in_dim3A_597 : vector<1x128xf32>
      %swap3A_602 = arith.constant 28 : index
      %swap3A_603 = arith.constant 0 : index
      %swap3A_604 = vector.load %arg12[%swap3A_602, %swap3A_603] : memref<64x128xf32, #tpu.memory_space<vmem>>, vector<1x128xf32>
      tpu.vector_store %arg12[%swap3A_602, %swap3A_603], %max3A_601 {strides = array<i32>} : memref<64x128xf32, #tpu.memory_space<vmem>>, vector<1x128xf32>,
    } else {
    }
    %le3A_305 = arith.constant 29 : i32
    %le3A_306 = arith.cmpi sle, %get3A_71, %le3A_305 : i32
    %ge3A_307 = arith.constant 29 : i32
    %ge3A_308 = arith.cmpi sge, %get3A_75, %ge3A_307 : i32
    %and3A_309 = arith.andi %le3A_306, %ge3A_308 : i1
    %convert_element_type3A_310 = arith.extui %and3A_309 : i1 to i32
    %cond3A_311 = arith.constant 0 : i32
    %cond3A_312 = arith.cmpi ne, %convert_element_type3A_310, %cond3A_311 : i32
    scf.if %cond3A_312 {
      %eq3A_590 = arith.constant 29 : i32
      %eq3A_591 = vector.broadcast %eq3A_590 : i32 to vector<1000x1xi32>
      %eq3A_592 = arith.cmpi eq, %get3A_44, %eq3A_591 : vector<1000x1xi32>
      %jit3A = arith.constant 0xFF800000 : f32
      %broadcast_in_dim3A_593 = vector.shape_cast %eq3A_592 : vector<1000x1xi1> to vector<1000x1xi1>
      %broadcast_in_dim3A_594 = vector.broadcast %broadcast_in_dim3A_593 : vector<1000x1xi1> to vector<1000x128xi1>
      %broadcast_in_dim3A_595 = vector.broadcast %jit3A : f32 to vector<1000x128xf32>
      %select_n3A = arith.select %broadcast_in_dim3A_594, %max3A_39, %broadcast_in_dim3A_595 : vector<1000x128xi1>, vector<1000x128xf32>
      %reduce_max3A = arith.constant dense<0xFF800000> : vector<128xf32>
      %reduce_max3A_596 = vector.multi_reduction <maximumf>, %select_n3A, %reduce_max3A [0] : vector<1000x128xf32> to vector<128xf32>
      %broadcast_in_dim3A_597 = vector.shape_cast %reduce_max3A_596 : vector<128xf32> to vector<1x128xf32>
      %get3A_598 = arith.constant 29 : index
      %get3A_599 = arith.constant 0 : index
      %get3A_600 = vector.load %arg12[%get3A_598, %get3A_599] : memref<64x128xf32, #tpu.memory_space<vmem>>, vector<1x128xf32>
      %max3A_601 = arith.maximumf %get3A_600, %broadcast_in_dim3A_597 : vector<1x128xf32>
      %swap3A_602 = arith.constant 29 : index
      %swap3A_603 = arith.constant 0 : index
      %swap3A_604 = vector.load %arg12[%swap3A_602, %swap3A_603] : memref<64x128xf32, #tpu.memory_space<vmem>>, vector<1x128xf32>
      tpu.vector_store %arg12[%swap3A_602, %swap3A_603], %max3A_601 {strides = array<i32>} : memref<64x128xf32, #tpu.memory_space<vmem>>, vector<1x128xf32>,
    } else {
    }
    %le3A_313 = arith.constant 30 : i32
    %le3A_314 = arith.cmpi sle, %get3A_71, %le3A_313 : i32
    %ge3A_315 = arith.constant 30 : i32
    %ge3A_316 = arith.cmpi sge, %get3A_75, %ge3A_315 : i32
    %and3A_317 = arith.andi %le3A_314, %ge3A_316 : i1
    %convert_element_type3A_318 = arith.extui %and3A_317 : i1 to i32
    %cond3A_319 = arith.constant 0 : i32
    %cond3A_320 = arith.cmpi ne, %convert_element_type3A_318, %cond3A_319 : i32
    scf.if %cond3A_320 {
      %eq3A_590 = arith.constant 30 : i32
      %eq3A_591 = vector.broadcast %eq3A_590 : i32 to vector<1000x1xi32>
      %eq3A_592 = arith.cmpi eq, %get3A_44, %eq3A_591 : vector<1000x1xi32>
      %jit3A = arith.constant 0xFF800000 : f32
      %broadcast_in_dim3A_593 = vector.shape_cast %eq3A_592 : vector<1000x1xi1> to vector<1000x1xi1>
      %broadcast_in_dim3A_594 = vector.broadcast %broadcast_in_dim3A_593 : vector<1000x1xi1> to vector<1000x128xi1>
      %broadcast_in_dim3A_595 = vector.broadcast %jit3A : f32 to vector<1000x128xf32>
      %select_n3A = arith.select %broadcast_in_dim3A_594, %max3A_39, %broadcast_in_dim3A_595 : vector<1000x128xi1>, vector<1000x128xf32>
      %reduce_max3A = arith.constant dense<0xFF800000> : vector<128xf32>
      %reduce_max3A_596 = vector.multi_reduction <maximumf>, %select_n3A, %reduce_max3A [0] : vector<1000x128xf32> to vector<128xf32>
      %broadcast_in_dim3A_597 = vector.shape_cast %reduce_max3A_596 : vector<128xf32> to vector<1x128xf32>
      %get3A_598 = arith.constant 30 : index
      %get3A_599 = arith.constant 0 : index
      %get3A_600 = vector.load %arg12[%get3A_598, %get3A_599] : memref<64x128xf32, #tpu.memory_space<vmem>>, vector<1x128xf32>
      %max3A_601 = arith.maximumf %get3A_600, %broadcast_in_dim3A_597 : vector<1x128xf32>
      %swap3A_602 = arith.constant 30 : index
      %swap3A_603 = arith.constant 0 : index
      %swap3A_604 = vector.load %arg12[%swap3A_602, %swap3A_603] : memref<64x128xf32, #tpu.memory_space<vmem>>, vector<1x128xf32>
      tpu.vector_store %arg12[%swap3A_602, %swap3A_603], %max3A_601 {strides = array<i32>} : memref<64x128xf32, #tpu.memory_space<vmem>>, vector<1x128xf32>,
    } else {
    }
    %le3A_321 = arith.constant 31 : i32
    %le3A_322 = arith.cmpi sle, %get3A_71, %le3A_321 : i32
    %ge3A_323 = arith.constant 31 : i32
    %ge3A_324 = arith.cmpi sge, %get3A_75, %ge3A_323 : i32
    %and3A_325 = arith.andi %le3A_322, %ge3A_324 : i1
    %convert_element_type3A_326 = arith.extui %and3A_325 : i1 to i32
    %cond3A_327 = arith.constant 0 : i32
    %cond3A_328 = arith.cmpi ne, %convert_element_type3A_326, %cond3A_327 : i32
    scf.if %cond3A_328 {
      %eq3A_590 = arith.constant 31 : i32
      %eq3A_591 = vector.broadcast %eq3A_590 : i32 to vector<1000x1xi32>
      %eq3A_592 = arith.cmpi eq, %get3A_44, %eq3A_591 : vector<1000x1xi32>
      %jit3A = arith.constant 0xFF800000 : f32
      %broadcast_in_dim3A_593 = vector.shape_cast %eq3A_592 : vector<1000x1xi1> to vector<1000x1xi1>
      %broadcast_in_dim3A_594 = vector.broadcast %broadcast_in_dim3A_593 : vector<1000x1xi1> to vector<1000x128xi1>
      %broadcast_in_dim3A_595 = vector.broadcast %jit3A : f32 to vector<1000x128xf32>
      %select_n3A = arith.select %broadcast_in_dim3A_594, %max3A_39, %broadcast_in_dim3A_595 : vector<1000x128xi1>, vector<1000x128xf32>
      %reduce_max3A = arith.constant dense<0xFF800000> : vector<128xf32>
      %reduce_max3A_596 = vector.multi_reduction <maximumf>, %select_n3A, %reduce_max3A [0] : vector<1000x128xf32> to vector<128xf32>
      %broadcast_in_dim3A_597 = vector.shape_cast %reduce_max3A_596 : vector<128xf32> to vector<1x128xf32>
      %get3A_598 = arith.constant 31 : index
      %get3A_599 = arith.constant 0 : index
      %get3A_600 = vector.load %arg12[%get3A_598, %get3A_599] : memref<64x128xf32, #tpu.memory_space<vmem>>, vector<1x128xf32>
      %max3A_601 = arith.maximumf %get3A_600, %broadcast_in_dim3A_597 : vector<1x128xf32>
      %swap3A_602 = arith.constant 31 : index
      %swap3A_603 = arith.constant 0 : index
      %swap3A_604 = vector.load %arg12[%swap3A_602, %swap3A_603] : memref<64x128xf32, #tpu.memory_space<vmem>>, vector<1x128xf32>
      tpu.vector_store %arg12[%swap3A_602, %swap3A_603], %max3A_601 {strides = array<i32>} : memref<64x128xf32, #tpu.memory_space<vmem>>, vector<1x128xf32>,
    } else {
    }
    %le3A_329 = arith.constant 32 : i32
    %le3A_330 = arith.cmpi sle, %get3A_71, %le3A_329 : i32
    %ge3A_331 = arith.constant 32 : i32
    %ge3A_332 = arith.cmpi sge, %get3A_75, %ge3A_331 : i32
    %and3A_333 = arith.andi %le3A_330, %ge3A_332 : i1
    %convert_element_type3A_334 = arith.extui %and3A_333 : i1 to i32
    %cond3A_335 = arith.constant 0 : i32
    %cond3A_336 = arith.cmpi ne, %convert_element_type3A_334, %cond3A_335 : i32
    scf.if %cond3A_336 {
      %eq3A_590 = arith.constant 32 : i32
      %eq3A_591 = vector.broadcast %eq3A_590 : i32 to vector<1000x1xi32>
      %eq3A_592 = arith.cmpi eq, %get3A_44, %eq3A_591 : vector<1000x1xi32>
      %jit3A = arith.constant 0xFF800000 : f32
      %broadcast_in_dim3A_593 = vector.shape_cast %eq3A_592 : vector<1000x1xi1> to vector<1000x1xi1>
      %broadcast_in_dim3A_594 = vector.broadcast %broadcast_in_dim3A_593 : vector<1000x1xi1> to vector<1000x128xi1>
      %broadcast_in_dim3A_595 = vector.broadcast %jit3A : f32 to vector<1000x128xf32>
      %select_n3A = arith.select %broadcast_in_dim3A_594, %max3A_39, %broadcast_in_dim3A_595 : vector<1000x128xi1>, vector<1000x128xf32>
      %reduce_max3A = arith.constant dense<0xFF800000> : vector<128xf32>
      %reduce_max3A_596 = vector.multi_reduction <maximumf>, %select_n3A, %reduce_max3A [0] : vector<1000x128xf32> to vector<128xf32>
      %broadcast_in_dim3A_597 = vector.shape_cast %reduce_max3A_596 : vector<128xf32> to vector<1x128xf32>
      %get3A_598 = arith.constant 32 : index
      %get3A_599 = arith.constant 0 : index
      %get3A_600 = vector.load %arg12[%get3A_598, %get3A_599] : memref<64x128xf32, #tpu.memory_space<vmem>>, vector<1x128xf32>
      %max3A_601 = arith.maximumf %get3A_600, %broadcast_in_dim3A_597 : vector<1x128xf32>
      %swap3A_602 = arith.constant 32 : index
      %swap3A_603 = arith.constant 0 : index
      %swap3A_604 = vector.load %arg12[%swap3A_602, %swap3A_603] : memref<64x128xf32, #tpu.memory_space<vmem>>, vector<1x128xf32>
      tpu.vector_store %arg12[%swap3A_602, %swap3A_603], %max3A_601 {strides = array<i32>} : memref<64x128xf32, #tpu.memory_space<vmem>>, vector<1x128xf32>,
    } else {
    }
    %le3A_337 = arith.constant 33 : i32
    %le3A_338 = arith.cmpi sle, %get3A_71, %le3A_337 : i32
    %ge3A_339 = arith.constant 33 : i32
    %ge3A_340 = arith.cmpi sge, %get3A_75, %ge3A_339 : i32
    %and3A_341 = arith.andi %le3A_338, %ge3A_340 : i1
    %convert_element_type3A_342 = arith.extui %and3A_341 : i1 to i32
    %cond3A_343 = arith.constant 0 : i32
    %cond3A_344 = arith.cmpi ne, %convert_element_type3A_342, %cond3A_343 : i32
    scf.if %cond3A_344 {
      %eq3A_590 = arith.constant 33 : i32
      %eq3A_591 = vector.broadcast %eq3A_590 : i32 to vector<1000x1xi32>
      %eq3A_592 = arith.cmpi eq, %get3A_44, %eq3A_591 : vector<1000x1xi32>
      %jit3A = arith.constant 0xFF800000 : f32
      %broadcast_in_dim3A_593 = vector.shape_cast %eq3A_592 : vector<1000x1xi1> to vector<1000x1xi1>
      %broadcast_in_dim3A_594 = vector.broadcast %broadcast_in_dim3A_593 : vector<1000x1xi1> to vector<1000x128xi1>
      %broadcast_in_dim3A_595 = vector.broadcast %jit3A : f32 to vector<1000x128xf32>
      %select_n3A = arith.select %broadcast_in_dim3A_594, %max3A_39, %broadcast_in_dim3A_595 : vector<1000x128xi1>, vector<1000x128xf32>
      %reduce_max3A = arith.constant dense<0xFF800000> : vector<128xf32>
      %reduce_max3A_596 = vector.multi_reduction <maximumf>, %select_n3A, %reduce_max3A [0] : vector<1000x128xf32> to vector<128xf32>
      %broadcast_in_dim3A_597 = vector.shape_cast %reduce_max3A_596 : vector<128xf32> to vector<1x128xf32>
      %get3A_598 = arith.constant 33 : index
      %get3A_599 = arith.constant 0 : index
      %get3A_600 = vector.load %arg12[%get3A_598, %get3A_599] : memref<64x128xf32, #tpu.memory_space<vmem>>, vector<1x128xf32>
      %max3A_601 = arith.maximumf %get3A_600, %broadcast_in_dim3A_597 : vector<1x128xf32>
      %swap3A_602 = arith.constant 33 : index
      %swap3A_603 = arith.constant 0 : index
      %swap3A_604 = vector.load %arg12[%swap3A_602, %swap3A_603] : memref<64x128xf32, #tpu.memory_space<vmem>>, vector<1x128xf32>
      tpu.vector_store %arg12[%swap3A_602, %swap3A_603], %max3A_601 {strides = array<i32>} : memref<64x128xf32, #tpu.memory_space<vmem>>, vector<1x128xf32>,
    } else {
    }
    %le3A_345 = arith.constant 34 : i32
    %le3A_346 = arith.cmpi sle, %get3A_71, %le3A_345 : i32
    %ge3A_347 = arith.constant 34 : i32
    %ge3A_348 = arith.cmpi sge, %get3A_75, %ge3A_347 : i32
    %and3A_349 = arith.andi %le3A_346, %ge3A_348 : i1
    %convert_element_type3A_350 = arith.extui %and3A_349 : i1 to i32
    %cond3A_351 = arith.constant 0 : i32
    %cond3A_352 = arith.cmpi ne, %convert_element_type3A_350, %cond3A_351 : i32
    scf.if %cond3A_352 {
      %eq3A_590 = arith.constant 34 : i32
      %eq3A_591 = vector.broadcast %eq3A_590 : i32 to vector<1000x1xi32>
      %eq3A_592 = arith.cmpi eq, %get3A_44, %eq3A_591 : vector<1000x1xi32>
      %jit3A = arith.constant 0xFF800000 : f32
      %broadcast_in_dim3A_593 = vector.shape_cast %eq3A_592 : vector<1000x1xi1> to vector<1000x1xi1>
      %broadcast_in_dim3A_594 = vector.broadcast %broadcast_in_dim3A_593 : vector<1000x1xi1> to vector<1000x128xi1>
      %broadcast_in_dim3A_595 = vector.broadcast %jit3A : f32 to vector<1000x128xf32>
      %select_n3A = arith.select %broadcast_in_dim3A_594, %max3A_39, %broadcast_in_dim3A_595 : vector<1000x128xi1>, vector<1000x128xf32>
      %reduce_max3A = arith.constant dense<0xFF800000> : vector<128xf32>
      %reduce_max3A_596 = vector.multi_reduction <maximumf>, %select_n3A, %reduce_max3A [0] : vector<1000x128xf32> to vector<128xf32>
      %broadcast_in_dim3A_597 = vector.shape_cast %reduce_max3A_596 : vector<128xf32> to vector<1x128xf32>
      %get3A_598 = arith.constant 34 : index
      %get3A_599 = arith.constant 0 : index
      %get3A_600 = vector.load %arg12[%get3A_598, %get3A_599] : memref<64x128xf32, #tpu.memory_space<vmem>>, vector<1x128xf32>
      %max3A_601 = arith.maximumf %get3A_600, %broadcast_in_dim3A_597 : vector<1x128xf32>
      %swap3A_602 = arith.constant 34 : index
      %swap3A_603 = arith.constant 0 : index
      %swap3A_604 = vector.load %arg12[%swap3A_602, %swap3A_603] : memref<64x128xf32, #tpu.memory_space<vmem>>, vector<1x128xf32>
      tpu.vector_store %arg12[%swap3A_602, %swap3A_603], %max3A_601 {strides = array<i32>} : memref<64x128xf32, #tpu.memory_space<vmem>>, vector<1x128xf32>,
    } else {
    }
    %le3A_353 = arith.constant 35 : i32
    %le3A_354 = arith.cmpi sle, %get3A_71, %le3A_353 : i32
    %ge3A_355 = arith.constant 35 : i32
    %ge3A_356 = arith.cmpi sge, %get3A_75, %ge3A_355 : i32
    %and3A_357 = arith.andi %le3A_354, %ge3A_356 : i1
    %convert_element_type3A_358 = arith.extui %and3A_357 : i1 to i32
    %cond3A_359 = arith.constant 0 : i32
    %cond3A_360 = arith.cmpi ne, %convert_element_type3A_358, %cond3A_359 : i32
    scf.if %cond3A_360 {
      %eq3A_590 = arith.constant 35 : i32
      %eq3A_591 = vector.broadcast %eq3A_590 : i32 to vector<1000x1xi32>
      %eq3A_592 = arith.cmpi eq, %get3A_44, %eq3A_591 : vector<1000x1xi32>
      %jit3A = arith.constant 0xFF800000 : f32
      %broadcast_in_dim3A_593 = vector.shape_cast %eq3A_592 : vector<1000x1xi1> to vector<1000x1xi1>
      %broadcast_in_dim3A_594 = vector.broadcast %broadcast_in_dim3A_593 : vector<1000x1xi1> to vector<1000x128xi1>
      %broadcast_in_dim3A_595 = vector.broadcast %jit3A : f32 to vector<1000x128xf32>
      %select_n3A = arith.select %broadcast_in_dim3A_594, %max3A_39, %broadcast_in_dim3A_595 : vector<1000x128xi1>, vector<1000x128xf32>
      %reduce_max3A = arith.constant dense<0xFF800000> : vector<128xf32>
      %reduce_max3A_596 = vector.multi_reduction <maximumf>, %select_n3A, %reduce_max3A [0] : vector<1000x128xf32> to vector<128xf32>
      %broadcast_in_dim3A_597 = vector.shape_cast %reduce_max3A_596 : vector<128xf32> to vector<1x128xf32>
      %get3A_598 = arith.constant 35 : index
      %get3A_599 = arith.constant 0 : index
      %get3A_600 = vector.load %arg12[%get3A_598, %get3A_599] : memref<64x128xf32, #tpu.memory_space<vmem>>, vector<1x128xf32>
      %max3A_601 = arith.maximumf %get3A_600, %broadcast_in_dim3A_597 : vector<1x128xf32>
      %swap3A_602 = arith.constant 35 : index
      %swap3A_603 = arith.constant 0 : index
      %swap3A_604 = vector.load %arg12[%swap3A_602, %swap3A_603] : memref<64x128xf32, #tpu.memory_space<vmem>>, vector<1x128xf32>
      tpu.vector_store %arg12[%swap3A_602, %swap3A_603], %max3A_601 {strides = array<i32>} : memref<64x128xf32, #tpu.memory_space<vmem>>, vector<1x128xf32>,
    } else {
    }
    %le3A_361 = arith.constant 36 : i32
    %le3A_362 = arith.cmpi sle, %get3A_71, %le3A_361 : i32
    %ge3A_363 = arith.constant 36 : i32
    %ge3A_364 = arith.cmpi sge, %get3A_75, %ge3A_363 : i32
    %and3A_365 = arith.andi %le3A_362, %ge3A_364 : i1
    %convert_element_type3A_366 = arith.extui %and3A_365 : i1 to i32
    %cond3A_367 = arith.constant 0 : i32
    %cond3A_368 = arith.cmpi ne, %convert_element_type3A_366, %cond3A_367 : i32
    scf.if %cond3A_368 {
      %eq3A_590 = arith.constant 36 : i32
      %eq3A_591 = vector.broadcast %eq3A_590 : i32 to vector<1000x1xi32>
      %eq3A_592 = arith.cmpi eq, %get3A_44, %eq3A_591 : vector<1000x1xi32>
      %jit3A = arith.constant 0xFF800000 : f32
      %broadcast_in_dim3A_593 = vector.shape_cast %eq3A_592 : vector<1000x1xi1> to vector<1000x1xi1>
      %broadcast_in_dim3A_594 = vector.broadcast %broadcast_in_dim3A_593 : vector<1000x1xi1> to vector<1000x128xi1>
      %broadcast_in_dim3A_595 = vector.broadcast %jit3A : f32 to vector<1000x128xf32>
      %select_n3A = arith.select %broadcast_in_dim3A_594, %max3A_39, %broadcast_in_dim3A_595 : vector<1000x128xi1>, vector<1000x128xf32>
      %reduce_max3A = arith.constant dense<0xFF800000> : vector<128xf32>
      %reduce_max3A_596 = vector.multi_reduction <maximumf>, %select_n3A, %reduce_max3A [0] : vector<1000x128xf32> to vector<128xf32>
      %broadcast_in_dim3A_597 = vector.shape_cast %reduce_max3A_596 : vector<128xf32> to vector<1x128xf32>
      %get3A_598 = arith.constant 36 : index
      %get3A_599 = arith.constant 0 : index
      %get3A_600 = vector.load %arg12[%get3A_598, %get3A_599] : memref<64x128xf32, #tpu.memory_space<vmem>>, vector<1x128xf32>
      %max3A_601 = arith.maximumf %get3A_600, %broadcast_in_dim3A_597 : vector<1x128xf32>
      %swap3A_602 = arith.constant 36 : index
      %swap3A_603 = arith.constant 0 : index
      %swap3A_604 = vector.load %arg12[%swap3A_602, %swap3A_603] : memref<64x128xf32, #tpu.memory_space<vmem>>, vector<1x128xf32>
      tpu.vector_store %arg12[%swap3A_602, %swap3A_603], %max3A_601 {strides = array<i32>} : memref<64x128xf32, #tpu.memory_space<vmem>>, vector<1x128xf32>,
    } else {
    }
    %le3A_369 = arith.constant 37 : i32
    %le3A_370 = arith.cmpi sle, %get3A_71, %le3A_369 : i32
    %ge3A_371 = arith.constant 37 : i32
    %ge3A_372 = arith.cmpi sge, %get3A_75, %ge3A_371 : i32
    %and3A_373 = arith.andi %le3A_370, %ge3A_372 : i1
    %convert_element_type3A_374 = arith.extui %and3A_373 : i1 to i32
    %cond3A_375 = arith.constant 0 : i32
    %cond3A_376 = arith.cmpi ne, %convert_element_type3A_374, %cond3A_375 : i32
    scf.if %cond3A_376 {
      %eq3A_590 = arith.constant 37 : i32
      %eq3A_591 = vector.broadcast %eq3A_590 : i32 to vector<1000x1xi32>
      %eq3A_592 = arith.cmpi eq, %get3A_44, %eq3A_591 : vector<1000x1xi32>
      %jit3A = arith.constant 0xFF800000 : f32
      %broadcast_in_dim3A_593 = vector.shape_cast %eq3A_592 : vector<1000x1xi1> to vector<1000x1xi1>
      %broadcast_in_dim3A_594 = vector.broadcast %broadcast_in_dim3A_593 : vector<1000x1xi1> to vector<1000x128xi1>
      %broadcast_in_dim3A_595 = vector.broadcast %jit3A : f32 to vector<1000x128xf32>
      %select_n3A = arith.select %broadcast_in_dim3A_594, %max3A_39, %broadcast_in_dim3A_595 : vector<1000x128xi1>, vector<1000x128xf32>
      %reduce_max3A = arith.constant dense<0xFF800000> : vector<128xf32>
      %reduce_max3A_596 = vector.multi_reduction <maximumf>, %select_n3A, %reduce_max3A [0] : vector<1000x128xf32> to vector<128xf32>
      %broadcast_in_dim3A_597 = vector.shape_cast %reduce_max3A_596 : vector<128xf32> to vector<1x128xf32>
      %get3A_598 = arith.constant 37 : index
      %get3A_599 = arith.constant 0 : index
      %get3A_600 = vector.load %arg12[%get3A_598, %get3A_599] : memref<64x128xf32, #tpu.memory_space<vmem>>, vector<1x128xf32>
      %max3A_601 = arith.maximumf %get3A_600, %broadcast_in_dim3A_597 : vector<1x128xf32>
      %swap3A_602 = arith.constant 37 : index
      %swap3A_603 = arith.constant 0 : index
      %swap3A_604 = vector.load %arg12[%swap3A_602, %swap3A_603] : memref<64x128xf32, #tpu.memory_space<vmem>>, vector<1x128xf32>
      tpu.vector_store %arg12[%swap3A_602, %swap3A_603], %max3A_601 {strides = array<i32>} : memref<64x128xf32, #tpu.memory_space<vmem>>, vector<1x128xf32>,
    } else {
    }
    %le3A_377 = arith.constant 38 : i32
    %le3A_378 = arith.cmpi sle, %get3A_71, %le3A_377 : i32
    %ge3A_379 = arith.constant 38 : i32
    %ge3A_380 = arith.cmpi sge, %get3A_75, %ge3A_379 : i32
    %and3A_381 = arith.andi %le3A_378, %ge3A_380 : i1
    %convert_element_type3A_382 = arith.extui %and3A_381 : i1 to i32
    %cond3A_383 = arith.constant 0 : i32
    %cond3A_384 = arith.cmpi ne, %convert_element_type3A_382, %cond3A_383 : i32
    scf.if %cond3A_384 {
      %eq3A_590 = arith.constant 38 : i32
      %eq3A_591 = vector.broadcast %eq3A_590 : i32 to vector<1000x1xi32>
      %eq3A_592 = arith.cmpi eq, %get3A_44, %eq3A_591 : vector<1000x1xi32>
      %jit3A = arith.constant 0xFF800000 : f32
      %broadcast_in_dim3A_593 = vector.shape_cast %eq3A_592 : vector<1000x1xi1> to vector<1000x1xi1>
      %broadcast_in_dim3A_594 = vector.broadcast %broadcast_in_dim3A_593 : vector<1000x1xi1> to vector<1000x128xi1>
      %broadcast_in_dim3A_595 = vector.broadcast %jit3A : f32 to vector<1000x128xf32>
      %select_n3A = arith.select %broadcast_in_dim3A_594, %max3A_39, %broadcast_in_dim3A_595 : vector<1000x128xi1>, vector<1000x128xf32>
      %reduce_max3A = arith.constant dense<0xFF800000> : vector<128xf32>
      %reduce_max3A_596 = vector.multi_reduction <maximumf>, %select_n3A, %reduce_max3A [0] : vector<1000x128xf32> to vector<128xf32>
      %broadcast_in_dim3A_597 = vector.shape_cast %reduce_max3A_596 : vector<128xf32> to vector<1x128xf32>
      %get3A_598 = arith.constant 38 : index
      %get3A_599 = arith.constant 0 : index
      %get3A_600 = vector.load %arg12[%get3A_598, %get3A_599] : memref<64x128xf32, #tpu.memory_space<vmem>>, vector<1x128xf32>
      %max3A_601 = arith.maximumf %get3A_600, %broadcast_in_dim3A_597 : vector<1x128xf32>
      %swap3A_602 = arith.constant 38 : index
      %swap3A_603 = arith.constant 0 : index
      %swap3A_604 = vector.load %arg12[%swap3A_602, %swap3A_603] : memref<64x128xf32, #tpu.memory_space<vmem>>, vector<1x128xf32>
      tpu.vector_store %arg12[%swap3A_602, %swap3A_603], %max3A_601 {strides = array<i32>} : memref<64x128xf32, #tpu.memory_space<vmem>>, vector<1x128xf32>,
    } else {
    }
    %le3A_385 = arith.constant 39 : i32
    %le3A_386 = arith.cmpi sle, %get3A_71, %le3A_385 : i32
    %ge3A_387 = arith.constant 39 : i32
    %ge3A_388 = arith.cmpi sge, %get3A_75, %ge3A_387 : i32
    %and3A_389 = arith.andi %le3A_386, %ge3A_388 : i1
    %convert_element_type3A_390 = arith.extui %and3A_389 : i1 to i32
    %cond3A_391 = arith.constant 0 : i32
    %cond3A_392 = arith.cmpi ne, %convert_element_type3A_390, %cond3A_391 : i32
    scf.if %cond3A_392 {
      %eq3A_590 = arith.constant 39 : i32
      %eq3A_591 = vector.broadcast %eq3A_590 : i32 to vector<1000x1xi32>
      %eq3A_592 = arith.cmpi eq, %get3A_44, %eq3A_591 : vector<1000x1xi32>
      %jit3A = arith.constant 0xFF800000 : f32
      %broadcast_in_dim3A_593 = vector.shape_cast %eq3A_592 : vector<1000x1xi1> to vector<1000x1xi1>
      %broadcast_in_dim3A_594 = vector.broadcast %broadcast_in_dim3A_593 : vector<1000x1xi1> to vector<1000x128xi1>
      %broadcast_in_dim3A_595 = vector.broadcast %jit3A : f32 to vector<1000x128xf32>
      %select_n3A = arith.select %broadcast_in_dim3A_594, %max3A_39, %broadcast_in_dim3A_595 : vector<1000x128xi1>, vector<1000x128xf32>
      %reduce_max3A = arith.constant dense<0xFF800000> : vector<128xf32>
      %reduce_max3A_596 = vector.multi_reduction <maximumf>, %select_n3A, %reduce_max3A [0] : vector<1000x128xf32> to vector<128xf32>
      %broadcast_in_dim3A_597 = vector.shape_cast %reduce_max3A_596 : vector<128xf32> to vector<1x128xf32>
      %get3A_598 = arith.constant 39 : index
      %get3A_599 = arith.constant 0 : index
      %get3A_600 = vector.load %arg12[%get3A_598, %get3A_599] : memref<64x128xf32, #tpu.memory_space<vmem>>, vector<1x128xf32>
      %max3A_601 = arith.maximumf %get3A_600, %broadcast_in_dim3A_597 : vector<1x128xf32>
      %swap3A_602 = arith.constant 39 : index
      %swap3A_603 = arith.constant 0 : index
      %swap3A_604 = vector.load %arg12[%swap3A_602, %swap3A_603] : memref<64x128xf32, #tpu.memory_space<vmem>>, vector<1x128xf32>
      tpu.vector_store %arg12[%swap3A_602, %swap3A_603], %max3A_601 {strides = array<i32>} : memref<64x128xf32, #tpu.memory_space<vmem>>, vector<1x128xf32>,
    } else {
    }
    %le3A_393 = arith.constant 40 : i32
    %le3A_394 = arith.cmpi sle, %get3A_71, %le3A_393 : i32
    %ge3A_395 = arith.constant 40 : i32
    %ge3A_396 = arith.cmpi sge, %get3A_75, %ge3A_395 : i32
    %and3A_397 = arith.andi %le3A_394, %ge3A_396 : i1
    %convert_element_type3A_398 = arith.extui %and3A_397 : i1 to i32
    %cond3A_399 = arith.constant 0 : i32
    %cond3A_400 = arith.cmpi ne, %convert_element_type3A_398, %cond3A_399 : i32
    scf.if %cond3A_400 {
      %eq3A_590 = arith.constant 40 : i32
      %eq3A_591 = vector.broadcast %eq3A_590 : i32 to vector<1000x1xi32>
      %eq3A_592 = arith.cmpi eq, %get3A_44, %eq3A_591 : vector<1000x1xi32>
      %jit3A = arith.constant 0xFF800000 : f32
      %broadcast_in_dim3A_593 = vector.shape_cast %eq3A_592 : vector<1000x1xi1> to vector<1000x1xi1>
      %broadcast_in_dim3A_594 = vector.broadcast %broadcast_in_dim3A_593 : vector<1000x1xi1> to vector<1000x128xi1>
      %broadcast_in_dim3A_595 = vector.broadcast %jit3A : f32 to vector<1000x128xf32>
      %select_n3A = arith.select %broadcast_in_dim3A_594, %max3A_39, %broadcast_in_dim3A_595 : vector<1000x128xi1>, vector<1000x128xf32>
      %reduce_max3A = arith.constant dense<0xFF800000> : vector<128xf32>
      %reduce_max3A_596 = vector.multi_reduction <maximumf>, %select_n3A, %reduce_max3A [0] : vector<1000x128xf32> to vector<128xf32>
      %broadcast_in_dim3A_597 = vector.shape_cast %reduce_max3A_596 : vector<128xf32> to vector<1x128xf32>
      %get3A_598 = arith.constant 40 : index
      %get3A_599 = arith.constant 0 : index
      %get3A_600 = vector.load %arg12[%get3A_598, %get3A_599] : memref<64x128xf32, #tpu.memory_space<vmem>>, vector<1x128xf32>
      %max3A_601 = arith.maximumf %get3A_600, %broadcast_in_dim3A_597 : vector<1x128xf32>
      %swap3A_602 = arith.constant 40 : index
      %swap3A_603 = arith.constant 0 : index
      %swap3A_604 = vector.load %arg12[%swap3A_602, %swap3A_603] : memref<64x128xf32, #tpu.memory_space<vmem>>, vector<1x128xf32>
      tpu.vector_store %arg12[%swap3A_602, %swap3A_603], %max3A_601 {strides = array<i32>} : memref<64x128xf32, #tpu.memory_space<vmem>>, vector<1x128xf32>,
    } else {
    }
    %le3A_401 = arith.constant 41 : i32
    %le3A_402 = arith.cmpi sle, %get3A_71, %le3A_401 : i32
    %ge3A_403 = arith.constant 41 : i32
    %ge3A_404 = arith.cmpi sge, %get3A_75, %ge3A_403 : i32
    %and3A_405 = arith.andi %le3A_402, %ge3A_404 : i1
    %convert_element_type3A_406 = arith.extui %and3A_405 : i1 to i32
    %cond3A_407 = arith.constant 0 : i32
    %cond3A_408 = arith.cmpi ne, %convert_element_type3A_406, %cond3A_407 : i32
    scf.if %cond3A_408 {
      %eq3A_590 = arith.constant 41 : i32
      %eq3A_591 = vector.broadcast %eq3A_590 : i32 to vector<1000x1xi32>
      %eq3A_592 = arith.cmpi eq, %get3A_44, %eq3A_591 : vector<1000x1xi32>
      %jit3A = arith.constant 0xFF800000 : f32
      %broadcast_in_dim3A_593 = vector.shape_cast %eq3A_592 : vector<1000x1xi1> to vector<1000x1xi1>
      %broadcast_in_dim3A_594 = vector.broadcast %broadcast_in_dim3A_593 : vector<1000x1xi1> to vector<1000x128xi1>
      %broadcast_in_dim3A_595 = vector.broadcast %jit3A : f32 to vector<1000x128xf32>
      %select_n3A = arith.select %broadcast_in_dim3A_594, %max3A_39, %broadcast_in_dim3A_595 : vector<1000x128xi1>, vector<1000x128xf32>
      %reduce_max3A = arith.constant dense<0xFF800000> : vector<128xf32>
      %reduce_max3A_596 = vector.multi_reduction <maximumf>, %select_n3A, %reduce_max3A [0] : vector<1000x128xf32> to vector<128xf32>
      %broadcast_in_dim3A_597 = vector.shape_cast %reduce_max3A_596 : vector<128xf32> to vector<1x128xf32>
      %get3A_598 = arith.constant 41 : index
      %get3A_599 = arith.constant 0 : index
      %get3A_600 = vector.load %arg12[%get3A_598, %get3A_599] : memref<64x128xf32, #tpu.memory_space<vmem>>, vector<1x128xf32>
      %max3A_601 = arith.maximumf %get3A_600, %broadcast_in_dim3A_597 : vector<1x128xf32>
      %swap3A_602 = arith.constant 41 : index
      %swap3A_603 = arith.constant 0 : index
      %swap3A_604 = vector.load %arg12[%swap3A_602, %swap3A_603] : memref<64x128xf32, #tpu.memory_space<vmem>>, vector<1x128xf32>
      tpu.vector_store %arg12[%swap3A_602, %swap3A_603], %max3A_601 {strides = array<i32>} : memref<64x128xf32, #tpu.memory_space<vmem>>, vector<1x128xf32>,
    } else {
    }
    %le3A_409 = arith.constant 42 : i32
    %le3A_410 = arith.cmpi sle, %get3A_71, %le3A_409 : i32
    %ge3A_411 = arith.constant 42 : i32
    %ge3A_412 = arith.cmpi sge, %get3A_75, %ge3A_411 : i32
    %and3A_413 = arith.andi %le3A_410, %ge3A_412 : i1
    %convert_element_type3A_414 = arith.extui %and3A_413 : i1 to i32
    %cond3A_415 = arith.constant 0 : i32
    %cond3A_416 = arith.cmpi ne, %convert_element_type3A_414, %cond3A_415 : i32
    scf.if %cond3A_416 {
      %eq3A_590 = arith.constant 42 : i32
      %eq3A_591 = vector.broadcast %eq3A_590 : i32 to vector<1000x1xi32>
      %eq3A_592 = arith.cmpi eq, %get3A_44, %eq3A_591 : vector<1000x1xi32>
      %jit3A = arith.constant 0xFF800000 : f32
      %broadcast_in_dim3A_593 = vector.shape_cast %eq3A_592 : vector<1000x1xi1> to vector<1000x1xi1>
      %broadcast_in_dim3A_594 = vector.broadcast %broadcast_in_dim3A_593 : vector<1000x1xi1> to vector<1000x128xi1>
      %broadcast_in_dim3A_595 = vector.broadcast %jit3A : f32 to vector<1000x128xf32>
      %select_n3A = arith.select %broadcast_in_dim3A_594, %max3A_39, %broadcast_in_dim3A_595 : vector<1000x128xi1>, vector<1000x128xf32>
      %reduce_max3A = arith.constant dense<0xFF800000> : vector<128xf32>
      %reduce_max3A_596 = vector.multi_reduction <maximumf>, %select_n3A, %reduce_max3A [0] : vector<1000x128xf32> to vector<128xf32>
      %broadcast_in_dim3A_597 = vector.shape_cast %reduce_max3A_596 : vector<128xf32> to vector<1x128xf32>
      %get3A_598 = arith.constant 42 : index
      %get3A_599 = arith.constant 0 : index
      %get3A_600 = vector.load %arg12[%get3A_598, %get3A_599] : memref<64x128xf32, #tpu.memory_space<vmem>>, vector<1x128xf32>
      %max3A_601 = arith.maximumf %get3A_600, %broadcast_in_dim3A_597 : vector<1x128xf32>
      %swap3A_602 = arith.constant 42 : index
      %swap3A_603 = arith.constant 0 : index
      %swap3A_604 = vector.load %arg12[%swap3A_602, %swap3A_603] : memref<64x128xf32, #tpu.memory_space<vmem>>, vector<1x128xf32>
      tpu.vector_store %arg12[%swap3A_602, %swap3A_603], %max3A_601 {strides = array<i32>} : memref<64x128xf32, #tpu.memory_space<vmem>>, vector<1x128xf32>,
    } else {
    }
    %le3A_417 = arith.constant 43 : i32
    %le3A_418 = arith.cmpi sle, %get3A_71, %le3A_417 : i32
    %ge3A_419 = arith.constant 43 : i32
    %ge3A_420 = arith.cmpi sge, %get3A_75, %ge3A_419 : i32
    %and3A_421 = arith.andi %le3A_418, %ge3A_420 : i1
    %convert_element_type3A_422 = arith.extui %and3A_421 : i1 to i32
    %cond3A_423 = arith.constant 0 : i32
    %cond3A_424 = arith.cmpi ne, %convert_element_type3A_422, %cond3A_423 : i32
    scf.if %cond3A_424 {
      %eq3A_590 = arith.constant 43 : i32
      %eq3A_591 = vector.broadcast %eq3A_590 : i32 to vector<1000x1xi32>
      %eq3A_592 = arith.cmpi eq, %get3A_44, %eq3A_591 : vector<1000x1xi32>
      %jit3A = arith.constant 0xFF800000 : f32
      %broadcast_in_dim3A_593 = vector.shape_cast %eq3A_592 : vector<1000x1xi1> to vector<1000x1xi1>
      %broadcast_in_dim3A_594 = vector.broadcast %broadcast_in_dim3A_593 : vector<1000x1xi1> to vector<1000x128xi1>
      %broadcast_in_dim3A_595 = vector.broadcast %jit3A : f32 to vector<1000x128xf32>
      %select_n3A = arith.select %broadcast_in_dim3A_594, %max3A_39, %broadcast_in_dim3A_595 : vector<1000x128xi1>, vector<1000x128xf32>
      %reduce_max3A = arith.constant dense<0xFF800000> : vector<128xf32>
      %reduce_max3A_596 = vector.multi_reduction <maximumf>, %select_n3A, %reduce_max3A [0] : vector<1000x128xf32> to vector<128xf32>
      %broadcast_in_dim3A_597 = vector.shape_cast %reduce_max3A_596 : vector<128xf32> to vector<1x128xf32>
      %get3A_598 = arith.constant 43 : index
      %get3A_599 = arith.constant 0 : index
      %get3A_600 = vector.load %arg12[%get3A_598, %get3A_599] : memref<64x128xf32, #tpu.memory_space<vmem>>, vector<1x128xf32>
      %max3A_601 = arith.maximumf %get3A_600, %broadcast_in_dim3A_597 : vector<1x128xf32>
      %swap3A_602 = arith.constant 43 : index
      %swap3A_603 = arith.constant 0 : index
      %swap3A_604 = vector.load %arg12[%swap3A_602, %swap3A_603] : memref<64x128xf32, #tpu.memory_space<vmem>>, vector<1x128xf32>
      tpu.vector_store %arg12[%swap3A_602, %swap3A_603], %max3A_601 {strides = array<i32>} : memref<64x128xf32, #tpu.memory_space<vmem>>, vector<1x128xf32>,
    } else {
    }
    %le3A_425 = arith.constant 44 : i32
    %le3A_426 = arith.cmpi sle, %get3A_71, %le3A_425 : i32
    %ge3A_427 = arith.constant 44 : i32
    %ge3A_428 = arith.cmpi sge, %get3A_75, %ge3A_427 : i32
    %and3A_429 = arith.andi %le3A_426, %ge3A_428 : i1
    %convert_element_type3A_430 = arith.extui %and3A_429 : i1 to i32
    %cond3A_431 = arith.constant 0 : i32
    %cond3A_432 = arith.cmpi ne, %convert_element_type3A_430, %cond3A_431 : i32
    scf.if %cond3A_432 {
      %eq3A_590 = arith.constant 44 : i32
      %eq3A_591 = vector.broadcast %eq3A_590 : i32 to vector<1000x1xi32>
      %eq3A_592 = arith.cmpi eq, %get3A_44, %eq3A_591 : vector<1000x1xi32>
      %jit3A = arith.constant 0xFF800000 : f32
      %broadcast_in_dim3A_593 = vector.shape_cast %eq3A_592 : vector<1000x1xi1> to vector<1000x1xi1>
      %broadcast_in_dim3A_594 = vector.broadcast %broadcast_in_dim3A_593 : vector<1000x1xi1> to vector<1000x128xi1>
      %broadcast_in_dim3A_595 = vector.broadcast %jit3A : f32 to vector<1000x128xf32>
      %select_n3A = arith.select %broadcast_in_dim3A_594, %max3A_39, %broadcast_in_dim3A_595 : vector<1000x128xi1>, vector<1000x128xf32>
      %reduce_max3A = arith.constant dense<0xFF800000> : vector<128xf32>
      %reduce_max3A_596 = vector.multi_reduction <maximumf>, %select_n3A, %reduce_max3A [0] : vector<1000x128xf32> to vector<128xf32>
      %broadcast_in_dim3A_597 = vector.shape_cast %reduce_max3A_596 : vector<128xf32> to vector<1x128xf32>
      %get3A_598 = arith.constant 44 : index
      %get3A_599 = arith.constant 0 : index
      %get3A_600 = vector.load %arg12[%get3A_598, %get3A_599] : memref<64x128xf32, #tpu.memory_space<vmem>>, vector<1x128xf32>
      %max3A_601 = arith.maximumf %get3A_600, %broadcast_in_dim3A_597 : vector<1x128xf32>
      %swap3A_602 = arith.constant 44 : index
      %swap3A_603 = arith.constant 0 : index
      %swap3A_604 = vector.load %arg12[%swap3A_602, %swap3A_603] : memref<64x128xf32, #tpu.memory_space<vmem>>, vector<1x128xf32>
      tpu.vector_store %arg12[%swap3A_602, %swap3A_603], %max3A_601 {strides = array<i32>} : memref<64x128xf32, #tpu.memory_space<vmem>>, vector<1x128xf32>,
    } else {
    }
    %le3A_433 = arith.constant 45 : i32
    %le3A_434 = arith.cmpi sle, %get3A_71, %le3A_433 : i32
    %ge3A_435 = arith.constant 45 : i32
    %ge3A_436 = arith.cmpi sge, %get3A_75, %ge3A_435 : i32
    %and3A_437 = arith.andi %le3A_434, %ge3A_436 : i1
    %convert_element_type3A_438 = arith.extui %and3A_437 : i1 to i32
    %cond3A_439 = arith.constant 0 : i32
    %cond3A_440 = arith.cmpi ne, %convert_element_type3A_438, %cond3A_439 : i32
    scf.if %cond3A_440 {
      %eq3A_590 = arith.constant 45 : i32
      %eq3A_591 = vector.broadcast %eq3A_590 : i32 to vector<1000x1xi32>
      %eq3A_592 = arith.cmpi eq, %get3A_44, %eq3A_591 : vector<1000x1xi32>
      %jit3A = arith.constant 0xFF800000 : f32
      %broadcast_in_dim3A_593 = vector.shape_cast %eq3A_592 : vector<1000x1xi1> to vector<1000x1xi1>
      %broadcast_in_dim3A_594 = vector.broadcast %broadcast_in_dim3A_593 : vector<1000x1xi1> to vector<1000x128xi1>
      %broadcast_in_dim3A_595 = vector.broadcast %jit3A : f32 to vector<1000x128xf32>
      %select_n3A = arith.select %broadcast_in_dim3A_594, %max3A_39, %broadcast_in_dim3A_595 : vector<1000x128xi1>, vector<1000x128xf32>
      %reduce_max3A = arith.constant dense<0xFF800000> : vector<128xf32>
      %reduce_max3A_596 = vector.multi_reduction <maximumf>, %select_n3A, %reduce_max3A [0] : vector<1000x128xf32> to vector<128xf32>
      %broadcast_in_dim3A_597 = vector.shape_cast %reduce_max3A_596 : vector<128xf32> to vector<1x128xf32>
      %get3A_598 = arith.constant 45 : index
      %get3A_599 = arith.constant 0 : index
      %get3A_600 = vector.load %arg12[%get3A_598, %get3A_599] : memref<64x128xf32, #tpu.memory_space<vmem>>, vector<1x128xf32>
      %max3A_601 = arith.maximumf %get3A_600, %broadcast_in_dim3A_597 : vector<1x128xf32>
      %swap3A_602 = arith.constant 45 : index
      %swap3A_603 = arith.constant 0 : index
      %swap3A_604 = vector.load %arg12[%swap3A_602, %swap3A_603] : memref<64x128xf32, #tpu.memory_space<vmem>>, vector<1x128xf32>
      tpu.vector_store %arg12[%swap3A_602, %swap3A_603], %max3A_601 {strides = array<i32>} : memref<64x128xf32, #tpu.memory_space<vmem>>, vector<1x128xf32>,
    } else {
    }
    %le3A_441 = arith.constant 46 : i32
    %le3A_442 = arith.cmpi sle, %get3A_71, %le3A_441 : i32
    %ge3A_443 = arith.constant 46 : i32
    %ge3A_444 = arith.cmpi sge, %get3A_75, %ge3A_443 : i32
    %and3A_445 = arith.andi %le3A_442, %ge3A_444 : i1
    %convert_element_type3A_446 = arith.extui %and3A_445 : i1 to i32
    %cond3A_447 = arith.constant 0 : i32
    %cond3A_448 = arith.cmpi ne, %convert_element_type3A_446, %cond3A_447 : i32
    scf.if %cond3A_448 {
      %eq3A_590 = arith.constant 46 : i32
      %eq3A_591 = vector.broadcast %eq3A_590 : i32 to vector<1000x1xi32>
      %eq3A_592 = arith.cmpi eq, %get3A_44, %eq3A_591 : vector<1000x1xi32>
      %jit3A = arith.constant 0xFF800000 : f32
      %broadcast_in_dim3A_593 = vector.shape_cast %eq3A_592 : vector<1000x1xi1> to vector<1000x1xi1>
      %broadcast_in_dim3A_594 = vector.broadcast %broadcast_in_dim3A_593 : vector<1000x1xi1> to vector<1000x128xi1>
      %broadcast_in_dim3A_595 = vector.broadcast %jit3A : f32 to vector<1000x128xf32>
      %select_n3A = arith.select %broadcast_in_dim3A_594, %max3A_39, %broadcast_in_dim3A_595 : vector<1000x128xi1>, vector<1000x128xf32>
      %reduce_max3A = arith.constant dense<0xFF800000> : vector<128xf32>
      %reduce_max3A_596 = vector.multi_reduction <maximumf>, %select_n3A, %reduce_max3A [0] : vector<1000x128xf32> to vector<128xf32>
      %broadcast_in_dim3A_597 = vector.shape_cast %reduce_max3A_596 : vector<128xf32> to vector<1x128xf32>
      %get3A_598 = arith.constant 46 : index
      %get3A_599 = arith.constant 0 : index
      %get3A_600 = vector.load %arg12[%get3A_598, %get3A_599] : memref<64x128xf32, #tpu.memory_space<vmem>>, vector<1x128xf32>
      %max3A_601 = arith.maximumf %get3A_600, %broadcast_in_dim3A_597 : vector<1x128xf32>
      %swap3A_602 = arith.constant 46 : index
      %swap3A_603 = arith.constant 0 : index
      %swap3A_604 = vector.load %arg12[%swap3A_602, %swap3A_603] : memref<64x128xf32, #tpu.memory_space<vmem>>, vector<1x128xf32>
      tpu.vector_store %arg12[%swap3A_602, %swap3A_603], %max3A_601 {strides = array<i32>} : memref<64x128xf32, #tpu.memory_space<vmem>>, vector<1x128xf32>,
    } else {
    }
    %le3A_449 = arith.constant 47 : i32
    %le3A_450 = arith.cmpi sle, %get3A_71, %le3A_449 : i32
    %ge3A_451 = arith.constant 47 : i32
    %ge3A_452 = arith.cmpi sge, %get3A_75, %ge3A_451 : i32
    %and3A_453 = arith.andi %le3A_450, %ge3A_452 : i1
    %convert_element_type3A_454 = arith.extui %and3A_453 : i1 to i32
    %cond3A_455 = arith.constant 0 : i32
    %cond3A_456 = arith.cmpi ne, %convert_element_type3A_454, %cond3A_455 : i32
    scf.if %cond3A_456 {
      %eq3A_590 = arith.constant 47 : i32
      %eq3A_591 = vector.broadcast %eq3A_590 : i32 to vector<1000x1xi32>
      %eq3A_592 = arith.cmpi eq, %get3A_44, %eq3A_591 : vector<1000x1xi32>
      %jit3A = arith.constant 0xFF800000 : f32
      %broadcast_in_dim3A_593 = vector.shape_cast %eq3A_592 : vector<1000x1xi1> to vector<1000x1xi1>
      %broadcast_in_dim3A_594 = vector.broadcast %broadcast_in_dim3A_593 : vector<1000x1xi1> to vector<1000x128xi1>
      %broadcast_in_dim3A_595 = vector.broadcast %jit3A : f32 to vector<1000x128xf32>
      %select_n3A = arith.select %broadcast_in_dim3A_594, %max3A_39, %broadcast_in_dim3A_595 : vector<1000x128xi1>, vector<1000x128xf32>
      %reduce_max3A = arith.constant dense<0xFF800000> : vector<128xf32>
      %reduce_max3A_596 = vector.multi_reduction <maximumf>, %select_n3A, %reduce_max3A [0] : vector<1000x128xf32> to vector<128xf32>
      %broadcast_in_dim3A_597 = vector.shape_cast %reduce_max3A_596 : vector<128xf32> to vector<1x128xf32>
      %get3A_598 = arith.constant 47 : index
      %get3A_599 = arith.constant 0 : index
      %get3A_600 = vector.load %arg12[%get3A_598, %get3A_599] : memref<64x128xf32, #tpu.memory_space<vmem>>, vector<1x128xf32>
      %max3A_601 = arith.maximumf %get3A_600, %broadcast_in_dim3A_597 : vector<1x128xf32>
      %swap3A_602 = arith.constant 47 : index
      %swap3A_603 = arith.constant 0 : index
      %swap3A_604 = vector.load %arg12[%swap3A_602, %swap3A_603] : memref<64x128xf32, #tpu.memory_space<vmem>>, vector<1x128xf32>
      tpu.vector_store %arg12[%swap3A_602, %swap3A_603], %max3A_601 {strides = array<i32>} : memref<64x128xf32, #tpu.memory_space<vmem>>, vector<1x128xf32>,
    } else {
    }
    %le3A_457 = arith.constant 48 : i32
    %le3A_458 = arith.cmpi sle, %get3A_71, %le3A_457 : i32
    %ge3A_459 = arith.constant 48 : i32
    %ge3A_460 = arith.cmpi sge, %get3A_75, %ge3A_459 : i32
    %and3A_461 = arith.andi %le3A_458, %ge3A_460 : i1
    %convert_element_type3A_462 = arith.extui %and3A_461 : i1 to i32
    %cond3A_463 = arith.constant 0 : i32
    %cond3A_464 = arith.cmpi ne, %convert_element_type3A_462, %cond3A_463 : i32
    scf.if %cond3A_464 {
      %eq3A_590 = arith.constant 48 : i32
      %eq3A_591 = vector.broadcast %eq3A_590 : i32 to vector<1000x1xi32>
      %eq3A_592 = arith.cmpi eq, %get3A_44, %eq3A_591 : vector<1000x1xi32>
      %jit3A = arith.constant 0xFF800000 : f32
      %broadcast_in_dim3A_593 = vector.shape_cast %eq3A_592 : vector<1000x1xi1> to vector<1000x1xi1>
      %broadcast_in_dim3A_594 = vector.broadcast %broadcast_in_dim3A_593 : vector<1000x1xi1> to vector<1000x128xi1>
      %broadcast_in_dim3A_595 = vector.broadcast %jit3A : f32 to vector<1000x128xf32>
      %select_n3A = arith.select %broadcast_in_dim3A_594, %max3A_39, %broadcast_in_dim3A_595 : vector<1000x128xi1>, vector<1000x128xf32>
      %reduce_max3A = arith.constant dense<0xFF800000> : vector<128xf32>
      %reduce_max3A_596 = vector.multi_reduction <maximumf>, %select_n3A, %reduce_max3A [0] : vector<1000x128xf32> to vector<128xf32>
      %broadcast_in_dim3A_597 = vector.shape_cast %reduce_max3A_596 : vector<128xf32> to vector<1x128xf32>
      %get3A_598 = arith.constant 48 : index
      %get3A_599 = arith.constant 0 : index
      %get3A_600 = vector.load %arg12[%get3A_598, %get3A_599] : memref<64x128xf32, #tpu.memory_space<vmem>>, vector<1x128xf32>
      %max3A_601 = arith.maximumf %get3A_600, %broadcast_in_dim3A_597 : vector<1x128xf32>
      %swap3A_602 = arith.constant 48 : index
      %swap3A_603 = arith.constant 0 : index
      %swap3A_604 = vector.load %arg12[%swap3A_602, %swap3A_603] : memref<64x128xf32, #tpu.memory_space<vmem>>, vector<1x128xf32>
      tpu.vector_store %arg12[%swap3A_602, %swap3A_603], %max3A_601 {strides = array<i32>} : memref<64x128xf32, #tpu.memory_space<vmem>>, vector<1x128xf32>,
    } else {
    }
    %le3A_465 = arith.constant 49 : i32
    %le3A_466 = arith.cmpi sle, %get3A_71, %le3A_465 : i32
    %ge3A_467 = arith.constant 49 : i32
    %ge3A_468 = arith.cmpi sge, %get3A_75, %ge3A_467 : i32
    %and3A_469 = arith.andi %le3A_466, %ge3A_468 : i1
    %convert_element_type3A_470 = arith.extui %and3A_469 : i1 to i32
    %cond3A_471 = arith.constant 0 : i32
    %cond3A_472 = arith.cmpi ne, %convert_element_type3A_470, %cond3A_471 : i32
    scf.if %cond3A_472 {
      %eq3A_590 = arith.constant 49 : i32
      %eq3A_591 = vector.broadcast %eq3A_590 : i32 to vector<1000x1xi32>
      %eq3A_592 = arith.cmpi eq, %get3A_44, %eq3A_591 : vector<1000x1xi32>
      %jit3A = arith.constant 0xFF800000 : f32
      %broadcast_in_dim3A_593 = vector.shape_cast %eq3A_592 : vector<1000x1xi1> to vector<1000x1xi1>
      %broadcast_in_dim3A_594 = vector.broadcast %broadcast_in_dim3A_593 : vector<1000x1xi1> to vector<1000x128xi1>
      %broadcast_in_dim3A_595 = vector.broadcast %jit3A : f32 to vector<1000x128xf32>
      %select_n3A = arith.select %broadcast_in_dim3A_594, %max3A_39, %broadcast_in_dim3A_595 : vector<1000x128xi1>, vector<1000x128xf32>
      %reduce_max3A = arith.constant dense<0xFF800000> : vector<128xf32>
      %reduce_max3A_596 = vector.multi_reduction <maximumf>, %select_n3A, %reduce_max3A [0] : vector<1000x128xf32> to vector<128xf32>
      %broadcast_in_dim3A_597 = vector.shape_cast %reduce_max3A_596 : vector<128xf32> to vector<1x128xf32>
      %get3A_598 = arith.constant 49 : index
      %get3A_599 = arith.constant 0 : index
      %get3A_600 = vector.load %arg12[%get3A_598, %get3A_599] : memref<64x128xf32, #tpu.memory_space<vmem>>, vector<1x128xf32>
      %max3A_601 = arith.maximumf %get3A_600, %broadcast_in_dim3A_597 : vector<1x128xf32>
      %swap3A_602 = arith.constant 49 : index
      %swap3A_603 = arith.constant 0 : index
      %swap3A_604 = vector.load %arg12[%swap3A_602, %swap3A_603] : memref<64x128xf32, #tpu.memory_space<vmem>>, vector<1x128xf32>
      tpu.vector_store %arg12[%swap3A_602, %swap3A_603], %max3A_601 {strides = array<i32>} : memref<64x128xf32, #tpu.memory_space<vmem>>, vector<1x128xf32>,
    } else {
    }
    %le3A_473 = arith.constant 50 : i32
    %le3A_474 = arith.cmpi sle, %get3A_71, %le3A_473 : i32
    %ge3A_475 = arith.constant 50 : i32
    %ge3A_476 = arith.cmpi sge, %get3A_75, %ge3A_475 : i32
    %and3A_477 = arith.andi %le3A_474, %ge3A_476 : i1
    %convert_element_type3A_478 = arith.extui %and3A_477 : i1 to i32
    %cond3A_479 = arith.constant 0 : i32
    %cond3A_480 = arith.cmpi ne, %convert_element_type3A_478, %cond3A_479 : i32
    scf.if %cond3A_480 {
      %eq3A_590 = arith.constant 50 : i32
      %eq3A_591 = vector.broadcast %eq3A_590 : i32 to vector<1000x1xi32>
      %eq3A_592 = arith.cmpi eq, %get3A_44, %eq3A_591 : vector<1000x1xi32>
      %jit3A = arith.constant 0xFF800000 : f32
      %broadcast_in_dim3A_593 = vector.shape_cast %eq3A_592 : vector<1000x1xi1> to vector<1000x1xi1>
      %broadcast_in_dim3A_594 = vector.broadcast %broadcast_in_dim3A_593 : vector<1000x1xi1> to vector<1000x128xi1>
      %broadcast_in_dim3A_595 = vector.broadcast %jit3A : f32 to vector<1000x128xf32>
      %select_n3A = arith.select %broadcast_in_dim3A_594, %max3A_39, %broadcast_in_dim3A_595 : vector<1000x128xi1>, vector<1000x128xf32>
      %reduce_max3A = arith.constant dense<0xFF800000> : vector<128xf32>
      %reduce_max3A_596 = vector.multi_reduction <maximumf>, %select_n3A, %reduce_max3A [0] : vector<1000x128xf32> to vector<128xf32>
      %broadcast_in_dim3A_597 = vector.shape_cast %reduce_max3A_596 : vector<128xf32> to vector<1x128xf32>
      %get3A_598 = arith.constant 50 : index
      %get3A_599 = arith.constant 0 : index
      %get3A_600 = vector.load %arg12[%get3A_598, %get3A_599] : memref<64x128xf32, #tpu.memory_space<vmem>>, vector<1x128xf32>
      %max3A_601 = arith.maximumf %get3A_600, %broadcast_in_dim3A_597 : vector<1x128xf32>
      %swap3A_602 = arith.constant 50 : index
      %swap3A_603 = arith.constant 0 : index
      %swap3A_604 = vector.load %arg12[%swap3A_602, %swap3A_603] : memref<64x128xf32, #tpu.memory_space<vmem>>, vector<1x128xf32>
      tpu.vector_store %arg12[%swap3A_602, %swap3A_603], %max3A_601 {strides = array<i32>} : memref<64x128xf32, #tpu.memory_space<vmem>>, vector<1x128xf32>,
    } else {
    }
    %le3A_481 = arith.constant 51 : i32
    %le3A_482 = arith.cmpi sle, %get3A_71, %le3A_481 : i32
    %ge3A_483 = arith.constant 51 : i32
    %ge3A_484 = arith.cmpi sge, %get3A_75, %ge3A_483 : i32
    %and3A_485 = arith.andi %le3A_482, %ge3A_484 : i1
    %convert_element_type3A_486 = arith.extui %and3A_485 : i1 to i32
    %cond3A_487 = arith.constant 0 : i32
    %cond3A_488 = arith.cmpi ne, %convert_element_type3A_486, %cond3A_487 : i32
    scf.if %cond3A_488 {
      %eq3A_590 = arith.constant 51 : i32
      %eq3A_591 = vector.broadcast %eq3A_590 : i32 to vector<1000x1xi32>
      %eq3A_592 = arith.cmpi eq, %get3A_44, %eq3A_591 : vector<1000x1xi32>
      %jit3A = arith.constant 0xFF800000 : f32
      %broadcast_in_dim3A_593 = vector.shape_cast %eq3A_592 : vector<1000x1xi1> to vector<1000x1xi1>
      %broadcast_in_dim3A_594 = vector.broadcast %broadcast_in_dim3A_593 : vector<1000x1xi1> to vector<1000x128xi1>
      %broadcast_in_dim3A_595 = vector.broadcast %jit3A : f32 to vector<1000x128xf32>
      %select_n3A = arith.select %broadcast_in_dim3A_594, %max3A_39, %broadcast_in_dim3A_595 : vector<1000x128xi1>, vector<1000x128xf32>
      %reduce_max3A = arith.constant dense<0xFF800000> : vector<128xf32>
      %reduce_max3A_596 = vector.multi_reduction <maximumf>, %select_n3A, %reduce_max3A [0] : vector<1000x128xf32> to vector<128xf32>
      %broadcast_in_dim3A_597 = vector.shape_cast %reduce_max3A_596 : vector<128xf32> to vector<1x128xf32>
      %get3A_598 = arith.constant 51 : index
      %get3A_599 = arith.constant 0 : index
      %get3A_600 = vector.load %arg12[%get3A_598, %get3A_599] : memref<64x128xf32, #tpu.memory_space<vmem>>, vector<1x128xf32>
      %max3A_601 = arith.maximumf %get3A_600, %broadcast_in_dim3A_597 : vector<1x128xf32>
      %swap3A_602 = arith.constant 51 : index
      %swap3A_603 = arith.constant 0 : index
      %swap3A_604 = vector.load %arg12[%swap3A_602, %swap3A_603] : memref<64x128xf32, #tpu.memory_space<vmem>>, vector<1x128xf32>
      tpu.vector_store %arg12[%swap3A_602, %swap3A_603], %max3A_601 {strides = array<i32>} : memref<64x128xf32, #tpu.memory_space<vmem>>, vector<1x128xf32>,
    } else {
    }
    %le3A_489 = arith.constant 52 : i32
    %le3A_490 = arith.cmpi sle, %get3A_71, %le3A_489 : i32
    %ge3A_491 = arith.constant 52 : i32
    %ge3A_492 = arith.cmpi sge, %get3A_75, %ge3A_491 : i32
    %and3A_493 = arith.andi %le3A_490, %ge3A_492 : i1
    %convert_element_type3A_494 = arith.extui %and3A_493 : i1 to i32
    %cond3A_495 = arith.constant 0 : i32
    %cond3A_496 = arith.cmpi ne, %convert_element_type3A_494, %cond3A_495 : i32
    scf.if %cond3A_496 {
      %eq3A_590 = arith.constant 52 : i32
      %eq3A_591 = vector.broadcast %eq3A_590 : i32 to vector<1000x1xi32>
      %eq3A_592 = arith.cmpi eq, %get3A_44, %eq3A_591 : vector<1000x1xi32>
      %jit3A = arith.constant 0xFF800000 : f32
      %broadcast_in_dim3A_593 = vector.shape_cast %eq3A_592 : vector<1000x1xi1> to vector<1000x1xi1>
      %broadcast_in_dim3A_594 = vector.broadcast %broadcast_in_dim3A_593 : vector<1000x1xi1> to vector<1000x128xi1>
      %broadcast_in_dim3A_595 = vector.broadcast %jit3A : f32 to vector<1000x128xf32>
      %select_n3A = arith.select %broadcast_in_dim3A_594, %max3A_39, %broadcast_in_dim3A_595 : vector<1000x128xi1>, vector<1000x128xf32>
      %reduce_max3A = arith.constant dense<0xFF800000> : vector<128xf32>
      %reduce_max3A_596 = vector.multi_reduction <maximumf>, %select_n3A, %reduce_max3A [0] : vector<1000x128xf32> to vector<128xf32>
      %broadcast_in_dim3A_597 = vector.shape_cast %reduce_max3A_596 : vector<128xf32> to vector<1x128xf32>
      %get3A_598 = arith.constant 52 : index
      %get3A_599 = arith.constant 0 : index
      %get3A_600 = vector.load %arg12[%get3A_598, %get3A_599] : memref<64x128xf32, #tpu.memory_space<vmem>>, vector<1x128xf32>
      %max3A_601 = arith.maximumf %get3A_600, %broadcast_in_dim3A_597 : vector<1x128xf32>
      %swap3A_602 = arith.constant 52 : index
      %swap3A_603 = arith.constant 0 : index
      %swap3A_604 = vector.load %arg12[%swap3A_602, %swap3A_603] : memref<64x128xf32, #tpu.memory_space<vmem>>, vector<1x128xf32>
      tpu.vector_store %arg12[%swap3A_602, %swap3A_603], %max3A_601 {strides = array<i32>} : memref<64x128xf32, #tpu.memory_space<vmem>>, vector<1x128xf32>,
    } else {
    }
    %le3A_497 = arith.constant 53 : i32
    %le3A_498 = arith.cmpi sle, %get3A_71, %le3A_497 : i32
    %ge3A_499 = arith.constant 53 : i32
    %ge3A_500 = arith.cmpi sge, %get3A_75, %ge3A_499 : i32
    %and3A_501 = arith.andi %le3A_498, %ge3A_500 : i1
    %convert_element_type3A_502 = arith.extui %and3A_501 : i1 to i32
    %cond3A_503 = arith.constant 0 : i32
    %cond3A_504 = arith.cmpi ne, %convert_element_type3A_502, %cond3A_503 : i32
    scf.if %cond3A_504 {
      %eq3A_590 = arith.constant 53 : i32
      %eq3A_591 = vector.broadcast %eq3A_590 : i32 to vector<1000x1xi32>
      %eq3A_592 = arith.cmpi eq, %get3A_44, %eq3A_591 : vector<1000x1xi32>
      %jit3A = arith.constant 0xFF800000 : f32
      %broadcast_in_dim3A_593 = vector.shape_cast %eq3A_592 : vector<1000x1xi1> to vector<1000x1xi1>
      %broadcast_in_dim3A_594 = vector.broadcast %broadcast_in_dim3A_593 : vector<1000x1xi1> to vector<1000x128xi1>
      %broadcast_in_dim3A_595 = vector.broadcast %jit3A : f32 to vector<1000x128xf32>
      %select_n3A = arith.select %broadcast_in_dim3A_594, %max3A_39, %broadcast_in_dim3A_595 : vector<1000x128xi1>, vector<1000x128xf32>
      %reduce_max3A = arith.constant dense<0xFF800000> : vector<128xf32>
      %reduce_max3A_596 = vector.multi_reduction <maximumf>, %select_n3A, %reduce_max3A [0] : vector<1000x128xf32> to vector<128xf32>
      %broadcast_in_dim3A_597 = vector.shape_cast %reduce_max3A_596 : vector<128xf32> to vector<1x128xf32>
      %get3A_598 = arith.constant 53 : index
      %get3A_599 = arith.constant 0 : index
      %get3A_600 = vector.load %arg12[%get3A_598, %get3A_599] : memref<64x128xf32, #tpu.memory_space<vmem>>, vector<1x128xf32>
      %max3A_601 = arith.maximumf %get3A_600, %broadcast_in_dim3A_597 : vector<1x128xf32>
      %swap3A_602 = arith.constant 53 : index
      %swap3A_603 = arith.constant 0 : index
      %swap3A_604 = vector.load %arg12[%swap3A_602, %swap3A_603] : memref<64x128xf32, #tpu.memory_space<vmem>>, vector<1x128xf32>
      tpu.vector_store %arg12[%swap3A_602, %swap3A_603], %max3A_601 {strides = array<i32>} : memref<64x128xf32, #tpu.memory_space<vmem>>, vector<1x128xf32>,
    } else {
    }
    %le3A_505 = arith.constant 54 : i32
    %le3A_506 = arith.cmpi sle, %get3A_71, %le3A_505 : i32
    %ge3A_507 = arith.constant 54 : i32
    %ge3A_508 = arith.cmpi sge, %get3A_75, %ge3A_507 : i32
    %and3A_509 = arith.andi %le3A_506, %ge3A_508 : i1
    %convert_element_type3A_510 = arith.extui %and3A_509 : i1 to i32
    %cond3A_511 = arith.constant 0 : i32
    %cond3A_512 = arith.cmpi ne, %convert_element_type3A_510, %cond3A_511 : i32
    scf.if %cond3A_512 {
      %eq3A_590 = arith.constant 54 : i32
      %eq3A_591 = vector.broadcast %eq3A_590 : i32 to vector<1000x1xi32>
      %eq3A_592 = arith.cmpi eq, %get3A_44, %eq3A_591 : vector<1000x1xi32>
      %jit3A = arith.constant 0xFF800000 : f32
      %broadcast_in_dim3A_593 = vector.shape_cast %eq3A_592 : vector<1000x1xi1> to vector<1000x1xi1>
      %broadcast_in_dim3A_594 = vector.broadcast %broadcast_in_dim3A_593 : vector<1000x1xi1> to vector<1000x128xi1>
      %broadcast_in_dim3A_595 = vector.broadcast %jit3A : f32 to vector<1000x128xf32>
      %select_n3A = arith.select %broadcast_in_dim3A_594, %max3A_39, %broadcast_in_dim3A_595 : vector<1000x128xi1>, vector<1000x128xf32>
      %reduce_max3A = arith.constant dense<0xFF800000> : vector<128xf32>
      %reduce_max3A_596 = vector.multi_reduction <maximumf>, %select_n3A, %reduce_max3A [0] : vector<1000x128xf32> to vector<128xf32>
      %broadcast_in_dim3A_597 = vector.shape_cast %reduce_max3A_596 : vector<128xf32> to vector<1x128xf32>
      %get3A_598 = arith.constant 54 : index
      %get3A_599 = arith.constant 0 : index
      %get3A_600 = vector.load %arg12[%get3A_598, %get3A_599] : memref<64x128xf32, #tpu.memory_space<vmem>>, vector<1x128xf32>
      %max3A_601 = arith.maximumf %get3A_600, %broadcast_in_dim3A_597 : vector<1x128xf32>
      %swap3A_602 = arith.constant 54 : index
      %swap3A_603 = arith.constant 0 : index
      %swap3A_604 = vector.load %arg12[%swap3A_602, %swap3A_603] : memref<64x128xf32, #tpu.memory_space<vmem>>, vector<1x128xf32>
      tpu.vector_store %arg12[%swap3A_602, %swap3A_603], %max3A_601 {strides = array<i32>} : memref<64x128xf32, #tpu.memory_space<vmem>>, vector<1x128xf32>,
    } else {
    }
    %le3A_513 = arith.constant 55 : i32
    %le3A_514 = arith.cmpi sle, %get3A_71, %le3A_513 : i32
    %ge3A_515 = arith.constant 55 : i32
    %ge3A_516 = arith.cmpi sge, %get3A_75, %ge3A_515 : i32
    %and3A_517 = arith.andi %le3A_514, %ge3A_516 : i1
    %convert_element_type3A_518 = arith.extui %and3A_517 : i1 to i32
    %cond3A_519 = arith.constant 0 : i32
    %cond3A_520 = arith.cmpi ne, %convert_element_type3A_518, %cond3A_519 : i32
    scf.if %cond3A_520 {
      %eq3A_590 = arith.constant 55 : i32
      %eq3A_591 = vector.broadcast %eq3A_590 : i32 to vector<1000x1xi32>
      %eq3A_592 = arith.cmpi eq, %get3A_44, %eq3A_591 : vector<1000x1xi32>
      %jit3A = arith.constant 0xFF800000 : f32
      %broadcast_in_dim3A_593 = vector.shape_cast %eq3A_592 : vector<1000x1xi1> to vector<1000x1xi1>
      %broadcast_in_dim3A_594 = vector.broadcast %broadcast_in_dim3A_593 : vector<1000x1xi1> to vector<1000x128xi1>
      %broadcast_in_dim3A_595 = vector.broadcast %jit3A : f32 to vector<1000x128xf32>
      %select_n3A = arith.select %broadcast_in_dim3A_594, %max3A_39, %broadcast_in_dim3A_595 : vector<1000x128xi1>, vector<1000x128xf32>
      %reduce_max3A = arith.constant dense<0xFF800000> : vector<128xf32>
      %reduce_max3A_596 = vector.multi_reduction <maximumf>, %select_n3A, %reduce_max3A [0] : vector<1000x128xf32> to vector<128xf32>
      %broadcast_in_dim3A_597 = vector.shape_cast %reduce_max3A_596 : vector<128xf32> to vector<1x128xf32>
      %get3A_598 = arith.constant 55 : index
      %get3A_599 = arith.constant 0 : index
      %get3A_600 = vector.load %arg12[%get3A_598, %get3A_599] : memref<64x128xf32, #tpu.memory_space<vmem>>, vector<1x128xf32>
      %max3A_601 = arith.maximumf %get3A_600, %broadcast_in_dim3A_597 : vector<1x128xf32>
      %swap3A_602 = arith.constant 55 : index
      %swap3A_603 = arith.constant 0 : index
      %swap3A_604 = vector.load %arg12[%swap3A_602, %swap3A_603] : memref<64x128xf32, #tpu.memory_space<vmem>>, vector<1x128xf32>
      tpu.vector_store %arg12[%swap3A_602, %swap3A_603], %max3A_601 {strides = array<i32>} : memref<64x128xf32, #tpu.memory_space<vmem>>, vector<1x128xf32>,
    } else {
    }
    %le3A_521 = arith.constant 56 : i32
    %le3A_522 = arith.cmpi sle, %get3A_71, %le3A_521 : i32
    %ge3A_523 = arith.constant 56 : i32
    %ge3A_524 = arith.cmpi sge, %get3A_75, %ge3A_523 : i32
    %and3A_525 = arith.andi %le3A_522, %ge3A_524 : i1
    %convert_element_type3A_526 = arith.extui %and3A_525 : i1 to i32
    %cond3A_527 = arith.constant 0 : i32
    %cond3A_528 = arith.cmpi ne, %convert_element_type3A_526, %cond3A_527 : i32
    scf.if %cond3A_528 {
      %eq3A_590 = arith.constant 56 : i32
      %eq3A_591 = vector.broadcast %eq3A_590 : i32 to vector<1000x1xi32>
      %eq3A_592 = arith.cmpi eq, %get3A_44, %eq3A_591 : vector<1000x1xi32>
      %jit3A = arith.constant 0xFF800000 : f32
      %broadcast_in_dim3A_593 = vector.shape_cast %eq3A_592 : vector<1000x1xi1> to vector<1000x1xi1>
      %broadcast_in_dim3A_594 = vector.broadcast %broadcast_in_dim3A_593 : vector<1000x1xi1> to vector<1000x128xi1>
      %broadcast_in_dim3A_595 = vector.broadcast %jit3A : f32 to vector<1000x128xf32>
      %select_n3A = arith.select %broadcast_in_dim3A_594, %max3A_39, %broadcast_in_dim3A_595 : vector<1000x128xi1>, vector<1000x128xf32>
      %reduce_max3A = arith.constant dense<0xFF800000> : vector<128xf32>
      %reduce_max3A_596 = vector.multi_reduction <maximumf>, %select_n3A, %reduce_max3A [0] : vector<1000x128xf32> to vector<128xf32>
      %broadcast_in_dim3A_597 = vector.shape_cast %reduce_max3A_596 : vector<128xf32> to vector<1x128xf32>
      %get3A_598 = arith.constant 56 : index
      %get3A_599 = arith.constant 0 : index
      %get3A_600 = vector.load %arg12[%get3A_598, %get3A_599] : memref<64x128xf32, #tpu.memory_space<vmem>>, vector<1x128xf32>
      %max3A_601 = arith.maximumf %get3A_600, %broadcast_in_dim3A_597 : vector<1x128xf32>
      %swap3A_602 = arith.constant 56 : index
      %swap3A_603 = arith.constant 0 : index
      %swap3A_604 = vector.load %arg12[%swap3A_602, %swap3A_603] : memref<64x128xf32, #tpu.memory_space<vmem>>, vector<1x128xf32>
      tpu.vector_store %arg12[%swap3A_602, %swap3A_603], %max3A_601 {strides = array<i32>} : memref<64x128xf32, #tpu.memory_space<vmem>>, vector<1x128xf32>,
    } else {
    }
    %le3A_529 = arith.constant 57 : i32
    %le3A_530 = arith.cmpi sle, %get3A_71, %le3A_529 : i32
    %ge3A_531 = arith.constant 57 : i32
    %ge3A_532 = arith.cmpi sge, %get3A_75, %ge3A_531 : i32
    %and3A_533 = arith.andi %le3A_530, %ge3A_532 : i1
    %convert_element_type3A_534 = arith.extui %and3A_533 : i1 to i32
    %cond3A_535 = arith.constant 0 : i32
    %cond3A_536 = arith.cmpi ne, %convert_element_type3A_534, %cond3A_535 : i32
    scf.if %cond3A_536 {
      %eq3A_590 = arith.constant 57 : i32
      %eq3A_591 = vector.broadcast %eq3A_590 : i32 to vector<1000x1xi32>
      %eq3A_592 = arith.cmpi eq, %get3A_44, %eq3A_591 : vector<1000x1xi32>
      %jit3A = arith.constant 0xFF800000 : f32
      %broadcast_in_dim3A_593 = vector.shape_cast %eq3A_592 : vector<1000x1xi1> to vector<1000x1xi1>
      %broadcast_in_dim3A_594 = vector.broadcast %broadcast_in_dim3A_593 : vector<1000x1xi1> to vector<1000x128xi1>
      %broadcast_in_dim3A_595 = vector.broadcast %jit3A : f32 to vector<1000x128xf32>
      %select_n3A = arith.select %broadcast_in_dim3A_594, %max3A_39, %broadcast_in_dim3A_595 : vector<1000x128xi1>, vector<1000x128xf32>
      %reduce_max3A = arith.constant dense<0xFF800000> : vector<128xf32>
      %reduce_max3A_596 = vector.multi_reduction <maximumf>, %select_n3A, %reduce_max3A [0] : vector<1000x128xf32> to vector<128xf32>
      %broadcast_in_dim3A_597 = vector.shape_cast %reduce_max3A_596 : vector<128xf32> to vector<1x128xf32>
      %get3A_598 = arith.constant 57 : index
      %get3A_599 = arith.constant 0 : index
      %get3A_600 = vector.load %arg12[%get3A_598, %get3A_599] : memref<64x128xf32, #tpu.memory_space<vmem>>, vector<1x128xf32>
      %max3A_601 = arith.maximumf %get3A_600, %broadcast_in_dim3A_597 : vector<1x128xf32>
      %swap3A_602 = arith.constant 57 : index
      %swap3A_603 = arith.constant 0 : index
      %swap3A_604 = vector.load %arg12[%swap3A_602, %swap3A_603] : memref<64x128xf32, #tpu.memory_space<vmem>>, vector<1x128xf32>
      tpu.vector_store %arg12[%swap3A_602, %swap3A_603], %max3A_601 {strides = array<i32>} : memref<64x128xf32, #tpu.memory_space<vmem>>, vector<1x128xf32>,
    } else {
    }
    %le3A_537 = arith.constant 58 : i32
    %le3A_538 = arith.cmpi sle, %get3A_71, %le3A_537 : i32
    %ge3A_539 = arith.constant 58 : i32
    %ge3A_540 = arith.cmpi sge, %get3A_75, %ge3A_539 : i32
    %and3A_541 = arith.andi %le3A_538, %ge3A_540 : i1
    %convert_element_type3A_542 = arith.extui %and3A_541 : i1 to i32
    %cond3A_543 = arith.constant 0 : i32
    %cond3A_544 = arith.cmpi ne, %convert_element_type3A_542, %cond3A_543 : i32
    scf.if %cond3A_544 {
      %eq3A_590 = arith.constant 58 : i32
      %eq3A_591 = vector.broadcast %eq3A_590 : i32 to vector<1000x1xi32>
      %eq3A_592 = arith.cmpi eq, %get3A_44, %eq3A_591 : vector<1000x1xi32>
      %jit3A = arith.constant 0xFF800000 : f32
      %broadcast_in_dim3A_593 = vector.shape_cast %eq3A_592 : vector<1000x1xi1> to vector<1000x1xi1>
      %broadcast_in_dim3A_594 = vector.broadcast %broadcast_in_dim3A_593 : vector<1000x1xi1> to vector<1000x128xi1>
      %broadcast_in_dim3A_595 = vector.broadcast %jit3A : f32 to vector<1000x128xf32>
      %select_n3A = arith.select %broadcast_in_dim3A_594, %max3A_39, %broadcast_in_dim3A_595 : vector<1000x128xi1>, vector<1000x128xf32>
      %reduce_max3A = arith.constant dense<0xFF800000> : vector<128xf32>
      %reduce_max3A_596 = vector.multi_reduction <maximumf>, %select_n3A, %reduce_max3A [0] : vector<1000x128xf32> to vector<128xf32>
      %broadcast_in_dim3A_597 = vector.shape_cast %reduce_max3A_596 : vector<128xf32> to vector<1x128xf32>
      %get3A_598 = arith.constant 58 : index
      %get3A_599 = arith.constant 0 : index
      %get3A_600 = vector.load %arg12[%get3A_598, %get3A_599] : memref<64x128xf32, #tpu.memory_space<vmem>>, vector<1x128xf32>
      %max3A_601 = arith.maximumf %get3A_600, %broadcast_in_dim3A_597 : vector<1x128xf32>
      %swap3A_602 = arith.constant 58 : index
      %swap3A_603 = arith.constant 0 : index
      %swap3A_604 = vector.load %arg12[%swap3A_602, %swap3A_603] : memref<64x128xf32, #tpu.memory_space<vmem>>, vector<1x128xf32>
      tpu.vector_store %arg12[%swap3A_602, %swap3A_603], %max3A_601 {strides = array<i32>} : memref<64x128xf32, #tpu.memory_space<vmem>>, vector<1x128xf32>,
    } else {
    }
    %le3A_545 = arith.constant 59 : i32
    %le3A_546 = arith.cmpi sle, %get3A_71, %le3A_545 : i32
    %ge3A_547 = arith.constant 59 : i32
    %ge3A_548 = arith.cmpi sge, %get3A_75, %ge3A_547 : i32
    %and3A_549 = arith.andi %le3A_546, %ge3A_548 : i1
    %convert_element_type3A_550 = arith.extui %and3A_549 : i1 to i32
    %cond3A_551 = arith.constant 0 : i32
    %cond3A_552 = arith.cmpi ne, %convert_element_type3A_550, %cond3A_551 : i32
    scf.if %cond3A_552 {
      %eq3A_590 = arith.constant 59 : i32
      %eq3A_591 = vector.broadcast %eq3A_590 : i32 to vector<1000x1xi32>
      %eq3A_592 = arith.cmpi eq, %get3A_44, %eq3A_591 : vector<1000x1xi32>
      %jit3A = arith.constant 0xFF800000 : f32
      %broadcast_in_dim3A_593 = vector.shape_cast %eq3A_592 : vector<1000x1xi1> to vector<1000x1xi1>
      %broadcast_in_dim3A_594 = vector.broadcast %broadcast_in_dim3A_593 : vector<1000x1xi1> to vector<1000x128xi1>
      %broadcast_in_dim3A_595 = vector.broadcast %jit3A : f32 to vector<1000x128xf32>
      %select_n3A = arith.select %broadcast_in_dim3A_594, %max3A_39, %broadcast_in_dim3A_595 : vector<1000x128xi1>, vector<1000x128xf32>
      %reduce_max3A = arith.constant dense<0xFF800000> : vector<128xf32>
      %reduce_max3A_596 = vector.multi_reduction <maximumf>, %select_n3A, %reduce_max3A [0] : vector<1000x128xf32> to vector<128xf32>
      %broadcast_in_dim3A_597 = vector.shape_cast %reduce_max3A_596 : vector<128xf32> to vector<1x128xf32>
      %get3A_598 = arith.constant 59 : index
      %get3A_599 = arith.constant 0 : index
      %get3A_600 = vector.load %arg12[%get3A_598, %get3A_599] : memref<64x128xf32, #tpu.memory_space<vmem>>, vector<1x128xf32>
      %max3A_601 = arith.maximumf %get3A_600, %broadcast_in_dim3A_597 : vector<1x128xf32>
      %swap3A_602 = arith.constant 59 : index
      %swap3A_603 = arith.constant 0 : index
      %swap3A_604 = vector.load %arg12[%swap3A_602, %swap3A_603] : memref<64x128xf32, #tpu.memory_space<vmem>>, vector<1x128xf32>
      tpu.vector_store %arg12[%swap3A_602, %swap3A_603], %max3A_601 {strides = array<i32>} : memref<64x128xf32, #tpu.memory_space<vmem>>, vector<1x128xf32>,
    } else {
    }
    %le3A_553 = arith.constant 60 : i32
    %le3A_554 = arith.cmpi sle, %get3A_71, %le3A_553 : i32
    %ge3A_555 = arith.constant 60 : i32
    %ge3A_556 = arith.cmpi sge, %get3A_75, %ge3A_555 : i32
    %and3A_557 = arith.andi %le3A_554, %ge3A_556 : i1
    %convert_element_type3A_558 = arith.extui %and3A_557 : i1 to i32
    %cond3A_559 = arith.constant 0 : i32
    %cond3A_560 = arith.cmpi ne, %convert_element_type3A_558, %cond3A_559 : i32
    scf.if %cond3A_560 {
      %eq3A_590 = arith.constant 60 : i32
      %eq3A_591 = vector.broadcast %eq3A_590 : i32 to vector<1000x1xi32>
      %eq3A_592 = arith.cmpi eq, %get3A_44, %eq3A_591 : vector<1000x1xi32>
      %jit3A = arith.constant 0xFF800000 : f32
      %broadcast_in_dim3A_593 = vector.shape_cast %eq3A_592 : vector<1000x1xi1> to vector<1000x1xi1>
      %broadcast_in_dim3A_594 = vector.broadcast %broadcast_in_dim3A_593 : vector<1000x1xi1> to vector<1000x128xi1>
      %broadcast_in_dim3A_595 = vector.broadcast %jit3A : f32 to vector<1000x128xf32>
      %select_n3A = arith.select %broadcast_in_dim3A_594, %max3A_39, %broadcast_in_dim3A_595 : vector<1000x128xi1>, vector<1000x128xf32>
      %reduce_max3A = arith.constant dense<0xFF800000> : vector<128xf32>
      %reduce_max3A_596 = vector.multi_reduction <maximumf>, %select_n3A, %reduce_max3A [0] : vector<1000x128xf32> to vector<128xf32>
      %broadcast_in_dim3A_597 = vector.shape_cast %reduce_max3A_596 : vector<128xf32> to vector<1x128xf32>
      %get3A_598 = arith.constant 60 : index
      %get3A_599 = arith.constant 0 : index
      %get3A_600 = vector.load %arg12[%get3A_598, %get3A_599] : memref<64x128xf32, #tpu.memory_space<vmem>>, vector<1x128xf32>
      %max3A_601 = arith.maximumf %get3A_600, %broadcast_in_dim3A_597 : vector<1x128xf32>
      %swap3A_602 = arith.constant 60 : index
      %swap3A_603 = arith.constant 0 : index
      %swap3A_604 = vector.load %arg12[%swap3A_602, %swap3A_603] : memref<64x128xf32, #tpu.memory_space<vmem>>, vector<1x128xf32>
      tpu.vector_store %arg12[%swap3A_602, %swap3A_603], %max3A_601 {strides = array<i32>} : memref<64x128xf32, #tpu.memory_space<vmem>>, vector<1x128xf32>,
    } else {
    }
    %le3A_561 = arith.constant 61 : i32
    %le3A_562 = arith.cmpi sle, %get3A_71, %le3A_561 : i32
    %ge3A_563 = arith.constant 61 : i32
    %ge3A_564 = arith.cmpi sge, %get3A_75, %ge3A_563 : i32
    %and3A_565 = arith.andi %le3A_562, %ge3A_564 : i1
    %convert_element_type3A_566 = arith.extui %and3A_565 : i1 to i32
    %cond3A_567 = arith.constant 0 : i32
    %cond3A_568 = arith.cmpi ne, %convert_element_type3A_566, %cond3A_567 : i32
    scf.if %cond3A_568 {
      %eq3A_590 = arith.constant 61 : i32
      %eq3A_591 = vector.broadcast %eq3A_590 : i32 to vector<1000x1xi32>
      %eq3A_592 = arith.cmpi eq, %get3A_44, %eq3A_591 : vector<1000x1xi32>
      %jit3A = arith.constant 0xFF800000 : f32
      %broadcast_in_dim3A_593 = vector.shape_cast %eq3A_592 : vector<1000x1xi1> to vector<1000x1xi1>
      %broadcast_in_dim3A_594 = vector.broadcast %broadcast_in_dim3A_593 : vector<1000x1xi1> to vector<1000x128xi1>
      %broadcast_in_dim3A_595 = vector.broadcast %jit3A : f32 to vector<1000x128xf32>
      %select_n3A = arith.select %broadcast_in_dim3A_594, %max3A_39, %broadcast_in_dim3A_595 : vector<1000x128xi1>, vector<1000x128xf32>
      %reduce_max3A = arith.constant dense<0xFF800000> : vector<128xf32>
      %reduce_max3A_596 = vector.multi_reduction <maximumf>, %select_n3A, %reduce_max3A [0] : vector<1000x128xf32> to vector<128xf32>
      %broadcast_in_dim3A_597 = vector.shape_cast %reduce_max3A_596 : vector<128xf32> to vector<1x128xf32>
      %get3A_598 = arith.constant 61 : index
      %get3A_599 = arith.constant 0 : index
      %get3A_600 = vector.load %arg12[%get3A_598, %get3A_599] : memref<64x128xf32, #tpu.memory_space<vmem>>, vector<1x128xf32>
      %max3A_601 = arith.maximumf %get3A_600, %broadcast_in_dim3A_597 : vector<1x128xf32>
      %swap3A_602 = arith.constant 61 : index
      %swap3A_603 = arith.constant 0 : index
      %swap3A_604 = vector.load %arg12[%swap3A_602, %swap3A_603] : memref<64x128xf32, #tpu.memory_space<vmem>>, vector<1x128xf32>
      tpu.vector_store %arg12[%swap3A_602, %swap3A_603], %max3A_601 {strides = array<i32>} : memref<64x128xf32, #tpu.memory_space<vmem>>, vector<1x128xf32>,
    } else {
    }
    %le3A_569 = arith.constant 62 : i32
    %le3A_570 = arith.cmpi sle, %get3A_71, %le3A_569 : i32
    %ge3A_571 = arith.constant 62 : i32
    %ge3A_572 = arith.cmpi sge, %get3A_75, %ge3A_571 : i32
    %and3A_573 = arith.andi %le3A_570, %ge3A_572 : i1
    %convert_element_type3A_574 = arith.extui %and3A_573 : i1 to i32
    %cond3A_575 = arith.constant 0 : i32
    %cond3A_576 = arith.cmpi ne, %convert_element_type3A_574, %cond3A_575 : i32
    scf.if %cond3A_576 {
      %eq3A_590 = arith.constant 62 : i32
      %eq3A_591 = vector.broadcast %eq3A_590 : i32 to vector<1000x1xi32>
      %eq3A_592 = arith.cmpi eq, %get3A_44, %eq3A_591 : vector<1000x1xi32>
      %jit3A = arith.constant 0xFF800000 : f32
      %broadcast_in_dim3A_593 = vector.shape_cast %eq3A_592 : vector<1000x1xi1> to vector<1000x1xi1>
      %broadcast_in_dim3A_594 = vector.broadcast %broadcast_in_dim3A_593 : vector<1000x1xi1> to vector<1000x128xi1>
      %broadcast_in_dim3A_595 = vector.broadcast %jit3A : f32 to vector<1000x128xf32>
      %select_n3A = arith.select %broadcast_in_dim3A_594, %max3A_39, %broadcast_in_dim3A_595 : vector<1000x128xi1>, vector<1000x128xf32>
      %reduce_max3A = arith.constant dense<0xFF800000> : vector<128xf32>
      %reduce_max3A_596 = vector.multi_reduction <maximumf>, %select_n3A, %reduce_max3A [0] : vector<1000x128xf32> to vector<128xf32>
      %broadcast_in_dim3A_597 = vector.shape_cast %reduce_max3A_596 : vector<128xf32> to vector<1x128xf32>
      %get3A_598 = arith.constant 62 : index
      %get3A_599 = arith.constant 0 : index
      %get3A_600 = vector.load %arg12[%get3A_598, %get3A_599] : memref<64x128xf32, #tpu.memory_space<vmem>>, vector<1x128xf32>
      %max3A_601 = arith.maximumf %get3A_600, %broadcast_in_dim3A_597 : vector<1x128xf32>
      %swap3A_602 = arith.constant 62 : index
      %swap3A_603 = arith.constant 0 : index
      %swap3A_604 = vector.load %arg12[%swap3A_602, %swap3A_603] : memref<64x128xf32, #tpu.memory_space<vmem>>, vector<1x128xf32>
      tpu.vector_store %arg12[%swap3A_602, %swap3A_603], %max3A_601 {strides = array<i32>} : memref<64x128xf32, #tpu.memory_space<vmem>>, vector<1x128xf32>,
    } else {
    }
    %le3A_577 = arith.constant 63 : i32
    %le3A_578 = arith.cmpi sle, %get3A_71, %le3A_577 : i32
    %ge3A_579 = arith.constant 63 : i32
    %ge3A_580 = arith.cmpi sge, %get3A_75, %ge3A_579 : i32
    %and3A_581 = arith.andi %le3A_578, %ge3A_580 : i1
    %convert_element_type3A_582 = arith.extui %and3A_581 : i1 to i32
    %cond3A_583 = arith.constant 0 : i32
    %cond3A_584 = arith.cmpi ne, %convert_element_type3A_582, %cond3A_583 : i32
    scf.if %cond3A_584 {
      %eq3A_590 = arith.constant 63 : i32
      %eq3A_591 = vector.broadcast %eq3A_590 : i32 to vector<1000x1xi32>
      %eq3A_592 = arith.cmpi eq, %get3A_44, %eq3A_591 : vector<1000x1xi32>
      %jit3A = arith.constant 0xFF800000 : f32
      %broadcast_in_dim3A_593 = vector.shape_cast %eq3A_592 : vector<1000x1xi1> to vector<1000x1xi1>
      %broadcast_in_dim3A_594 = vector.broadcast %broadcast_in_dim3A_593 : vector<1000x1xi1> to vector<1000x128xi1>
      %broadcast_in_dim3A_595 = vector.broadcast %jit3A : f32 to vector<1000x128xf32>
      %select_n3A = arith.select %broadcast_in_dim3A_594, %max3A_39, %broadcast_in_dim3A_595 : vector<1000x128xi1>, vector<1000x128xf32>
      %reduce_max3A = arith.constant dense<0xFF800000> : vector<128xf32>
      %reduce_max3A_596 = vector.multi_reduction <maximumf>, %select_n3A, %reduce_max3A [0] : vector<1000x128xf32> to vector<128xf32>
      %broadcast_in_dim3A_597 = vector.shape_cast %reduce_max3A_596 : vector<128xf32> to vector<1x128xf32>
      %get3A_598 = arith.constant 63 : index
      %get3A_599 = arith.constant 0 : index
      %get3A_600 = vector.load %arg12[%get3A_598, %get3A_599] : memref<64x128xf32, #tpu.memory_space<vmem>>, vector<1x128xf32>
      %max3A_601 = arith.maximumf %get3A_600, %broadcast_in_dim3A_597 : vector<1x128xf32>
      %swap3A_602 = arith.constant 63 : index
      %swap3A_603 = arith.constant 0 : index
      %swap3A_604 = vector.load %arg12[%swap3A_602, %swap3A_603] : memref<64x128xf32, #tpu.memory_space<vmem>>, vector<1x128xf32>
      tpu.vector_store %arg12[%swap3A_602, %swap3A_603], %max3A_601 {strides = array<i32>} : memref<64x128xf32, #tpu.memory_space<vmem>>, vector<1x128xf32>,
    } else {
    }
    %eq3A_585 = arith.constant 9 : i32
    %eq3A_586 = arith.cmpi eq, %arg0, %eq3A_585 : i32
    %convert_element_type3A_587 = arith.extui %eq3A_586 : i1 to i32
    %cond3A_588 = arith.constant 0 : i32
    %cond3A_589 = arith.cmpi ne, %convert_element_type3A_587, %cond3A_588 : i32
    scf.if %cond3A_589 {
      %get3A_590 = arith.constant 0 : index
      %get3A_591 = arith.constant 0 : index
      %get3A_592 = vector.load %arg12[%get3A_590, %get3A_591] : memref<64x128xf32, #tpu.memory_space<vmem>>, vector<64x128xf32>
      %is_finite3A = tpu.weird %get3A_592 : vector<64x128xf32> -> vector<64x128xi1>
      %is_finite3A_593 = arith.constant dense<true> : vector<64x128xi1>
      %is_finite3A_594 = arith.xori %is_finite3A, %is_finite3A_593 : vector<64x128xi1>
      %jit3A = arith.constant 0.000000e+00 : f32
      %broadcast_in_dim3A_595 = vector.broadcast %jit3A : f32 to vector<64x128xf32>
      %select_n3A = arith.select %is_finite3A_594, %get3A_592, %broadcast_in_dim3A_595 : vector<64x128xi1>, vector<64x128xf32>
      %get3A_596 = arith.constant 0 : index
      %get3A_597 = arith.constant 0 : index
      %get3A_598 = vector.load %arg13[%get3A_596, %get3A_597] : memref<64x128xf32, #tpu.memory_space<vmem>>, vector<64x128xf32>
      %get3A_599 = arith.constant 0 : index
      %get3A_600 = arith.constant 0 : index
      %get3A_601 = vector.load %arg14[%get3A_599, %get3A_600] : memref<64x1xf32, #tpu.memory_space<vmem>>, vector<64x1xf32>
      %max3A_602 = arith.constant 1.000000e+00 : f32
      %max3A_603 = vector.broadcast %max3A_602 : f32 to vector<64x1xf32>
      %max3A_604 = arith.maximumf %get3A_601, %max3A_603 : vector<64x1xf32>
      %div3A_605 = vector.broadcast %max3A_604 : vector<64x1xf32> to vector<64x128xf32>
      %div3A_606 = arith.divf %get3A_598, %div3A_605 : vector<64x128xf32>
      %concatenate3A_607 = tpu.concatenate %select_n3A, %div3A_606 in 1 : vector<64x128xf32>, vector<64x128xf32> -> vector<64x256xf32>
      %get3A_608 = arith.constant 0 : index
      %get3A_609 = arith.constant 0 : index
      %get3A_610 = vector.load %arg9[%get3A_608, %get3A_609] : memref<256x128xf32, #tpu.memory_space<vmem>>, vector<256x128xf32>
      %dot_general3A_611 = arith.constant dense<0.000000e+00> : vector<64x128xf32>
      %dot_general3A_612 = tpu.matmul %concatenate3A_607, %get3A_610, %dot_general3A_611 {dimension_numbers = #tpu.dot_dimension_numbers<[1], [0], [0], [1], [0, 0, 1, 1], [], []>, transpose_lhs_hint = false} : vector<64x256xf32>, vector<256x128xf32>, vector<64x128xf32> -> vector<64x128xf32>
      %get3A_613 = arith.constant 0 : index
      %get3A_614 = arith.constant 0 : index
      %get3A_615 = vector.load %arg10[%get3A_613, %get3A_614] : memref<1x128xf32, #tpu.memory_space<vmem>>, vector<1x128xf32>
      %add3A_616 = vector.broadcast %get3A_615 : vector<1x128xf32> to vector<64x128xf32>
      %add3A_617 = arith.addf %dot_general3A_612, %add3A_616 : vector<64x128xf32>
      %swap3A_618 = arith.constant 0 : index
      %swap3A_619 = arith.constant 0 : index
      %swap3A_620 = vector.load %arg11[%swap3A_618, %swap3A_619] : memref<64x128xf32, #tpu.memory_space<vmem>>, vector<64x128xf32>
      tpu.vector_store %arg11[%swap3A_618, %swap3A_619], %add3A_617 {strides = array<i32>} : memref<64x128xf32, #tpu.memory_space<vmem>>, vector<64x128xf32>,
    } else {
    }
    return
  }
  func.func @transform_0(%arg0: i32) -> (i32, i32, i32) {
    %c0_i32 = arith.constant 0 : i32
    %c0_i32_0 = arith.constant 0 : i32
    %c0_i32_1 = arith.constant 0 : i32
    return %arg0, %c0_i32, %c0_i32_0 : i32, i32, i32
  }
  func.func @transform_1(%arg0: i32) -> (i32, i32, i32) {
    %c0_i32 = arith.constant 0 : i32
    %c0_i32_0 = arith.constant 0 : i32
    %c0_i32_1 = arith.constant 0 : i32
    return %arg0, %c0_i32, %c0_i32_0 : i32, i32, i32
  }
  func.func @transform_2(%arg0: i32) -> (i32, i32, i32) {
    %c0_i32 = arith.constant 0 : i32
    %c0_i32_0 = arith.constant 0 : i32
    %c0_i32_1 = arith.constant 0 : i32
    return %c0_i32, %arg0, %c0_i32_0 : i32, i32, i32
  }
  func.func @transform_3(%arg0: i32) -> (i32, i32, i32) {
    %c0_i32 = arith.constant 0 : i32
    %c0_i32_0 = arith.constant 0 : i32
    %c0_i32_1 = arith.constant 0 : i32
    return %c0_i32, %arg0, %c0_i32_0 : i32, i32, i32
  }
  func.func @transform_4(%arg0: i32) -> (i32, i32) {
    %c0_i32 = arith.constant 0 : i32
    %c0_i32_0 = arith.constant 0 : i32
    return %arg0, %c0_i32 : i32, i32
  }
  func.func @transform_5(%arg0: i32) -> (i32, i32, i32) {
    %c0_i32 = arith.constant 0 : i32
    %c0_i32_0 = arith.constant 0 : i32
    %c0_i32_1 = arith.constant 0 : i32
    return %arg0, %c0_i32, %c0_i32_0 : i32, i32, i32
  }
  func.func @transform_6(%arg0: i32) -> (i32, i32) {
    %c0_i32 = arith.constant 0 : i32
    %c0_i32_0 = arith.constant 0 : i32
    %c0_i32_1 = arith.constant 0 : i32
    return %c0_i32, %c0_i32_0 : i32, i32
  }
  func.func @transform_7(%arg0: i32) -> (i32, i32) {
    %c0_i32 = arith.constant 0 : i32
    %c0_i32_0 = arith.constant 0 : i32
    %c0_i32_1 = arith.constant 0 : i32
    return %c0_i32, %c0_i32_0 : i32, i32
  }
  func.func @transform_8(%arg0: i32) -> (i32, i32) {
    %c0_i32 = arith.constant 0 : i32
    %c0_i32_0 = arith.constant 0 : i32
    %c0_i32_1 = arith.constant 0 : i32
    return %c0_i32, %c0_i32_0 : i32, i32
  }
  func.func @transform_9(%arg0: i32) -> (i32, i32) {
    %c0_i32 = arith.constant 0 : i32
    %c0_i32_0 = arith.constant 0 : i32
    %c0_i32_1 = arith.constant 0 : i32
    return %c0_i32, %c0_i32_0 : i32, i32
  }
  func.func @transform_10(%arg0: i32) -> (i32, i32) {
    %c0_i32 = arith.constant 0 : i32
    %c0_i32_0 = arith.constant 0 : i32
    %c0_i32_1 = arith.constant 0 : i32
    return %c0_i32, %c0_i32_0 : i32, i32
  }
}

</mosaic_0001>

<sc_bundles>
// kernel: kernel.4.cloned.1.call-start
scs
__scs_entry_jumppad:
0x0: {  	(pc) =	sbr.rel $0x88, $3  }
0x1: {  	(tag) =	ssettag $0x0;
	lr =	simm.s32 $0x1  }
0x2: {  	[smem:$0x3F99] =	sst lr;
	_ =	strace $0xD0000000  }
0x3: {  	_ = 	snop  }
0x4: {  	_ = 	snop  }
0x5: {  	_ = 	snop  }
0x6: {  	_ = 	snop  }
0x7: {  	_ = 	snop  }
__scs_overlays_trampoline_lowered:
0x8: {  	[smem:$0x3FA8] =	sst s0  }
0x9: {  	[smem:$0x3FA9] =	sst s1  }
0xa: {  	[smem:$0x3FAA] =	sst s2  }
0xb: {  	[smem:$0x3FAB] =	sst s3  }
0xc: {  	[smem:$0x3FAC] =	sst s4  }
0xd: {  	[smem:$0x3FAD] =	sst s5  }
0xe: {  	[smem:$0x3FAE] =	sst s6  }
0xf: {  	[smem:$0x3FAF] =	sst s7  }
0x10: {  	[smem:$0x3FB0] =	sst s8  }
0x11: {  	[smem:$0x3FB1] =	sst s9;
	s0 =	simm.s32 @!p0 $0x0  }
0x12: {  	s1 =	sld [smem:$0x3F97];
	s0 =	simm.s32 @p0 $0x1  }
0x13: {  	[smem:$0x3FB2] =	sst s0;
	s0 =	simm.s32 @!p1 $0x0  }
0x14: {  	s2 =	sld [smem:$0x3F96];
	s0 =	simm.s32 @p1 $0x1  }
0x15: {  	[smem:$0x3FB3] =	sst s0;
	s0 =	simm.s32 @!p2 $0x0  }
0x16: {  	s3 =	sld [smem:$0x3FDB];
	s0 =	simm.s32 @p2 $0x1  }
0x17: {  	s4 =	simm.s32 $0x1BF5;
	[smem:$0x3FB5] =	sst s0  }
0x18: {  	s0 =	sld [smem:$0x3F98];
	_ =	swait.ge [sflag:s4], $0x0  }
0x19: {  	s7 =	sld [smem:$0x3F99]  }
0x1a: {  	s8 =	sadd.s32 $0xFFFFE003, lr  }
0x1b: {  	s9 =	sadd.s32 $0xFFFFFEF7, lr;
	s5 =	simm.s32 $0xFFFFFFFF;
	p2 =	slt.u32 s8, $0xFFFFF086  }
0x1c: {  	p1 =	slt.u32 s9, $0xF7A;
	s5 =	simm.s32 @!p2 $0x0  }
0x1d: {  	s5 =	simm.s32 @p1 $0x1;
	p0 =	seq.s32 s7, s2  }
0x1e: {  	s7 =	smul.u32 @!p0 $0xF7A, s2;
	p2 =	seq.s32 @!p0 s5, $0x0  }
0x1f: {  	s9 =	smul.u32 $0xF7A, s1;
	s8 =	simm.s32 @!p0 $0x1BF5;
	p2 =	por !p2, p0  }
0x20: {  	[sflag:s8] =	ssyncset.s32 @!p0 $0xFFFFF086;
	s6 =	sadd.s32 @!p0 s3, s7;
	s7 =	simm.s32 @!p0 $0x108  }
0x21: {  	s3 =	sadd.s32 s3, s9;
	s6 =	sadd.s32 @!p0 $0x88, s6;
	s7 =	simm.s32 @p2 $0x1082  }
0x22: {  	[simem:s7], [sflag:s8] =	dma.local @!p0 [hbm:s6], $0xF7A  }
0x23: {  	s9 =	sor.u32 $0xD0000000, s2;
	s6 =	simm.s32 $0x108;
	_ =	swait.ge @!p0 [sflag:s8], $0x0  }
0x24: {  	s3 =	sadd.s32 $0x88, s3;
	s6 =	simm.s32 @!p1 $0x1082;
	[sflag:s4] =	ssyncset.s32 $0xFFFFF086  }
0x25: {  	[simem:s6], [sflag:s4] =	dma.local [hbm:s3], $0xF7A  }
0x26: {  	[smem:$0x3F99] =	sst s1;
	(tag) =	ssettag s2;
	_ =	strace s9  }
0x27: {  	s1 =	sld [smem:$0x3FA9]  }
0x28: {  	s2 =	sld [smem:$0x3FAA]  }
0x29: {  	s4 =	sld [smem:$0x3FAC]  }
0x2a: {  	p0 =	seq.s32 s5, $0x0;
	s5 =	sld [smem:$0x3FAD]  }
0x2b: {  	s6 =	sld [smem:$0x3FAE]  }
0x2c: {  	s7 =	sld [smem:$0x3FAF]  }
0x2d: {  	s3 =	simm.s32 $0x108;
	s8 =	sld [smem:$0x3FB0]  }
0x2e: {  	s3 =	simm.s32 @!p0 $0x1082;
	s9 =	sld [smem:$0x3FB1]  }
0x2f: {  	lr =	sadd.s32 s0, s3;
	s0 =	sld [smem:$0x3FA8]  }
0x30: {  	s3 =	sld [smem:$0x3FAB]  }
0x31: {  	[smem:$0x3FB4] =	sst s10  }
0x32: {  	s10 =	sld [smem:$0x3FB2];
	_ =	sdelay $0x3  }
0x33: {  	p0 =	seq.s32 s10, $0x1;
	s10 =	sld [smem:$0x3FB4];
	_ =	sdelay $0x3  }
0x34: {  	[smem:$0x3FB4] =	sst s10  }
0x35: {  	s10 =	sld [smem:$0x3FB3];
	_ =	sdelay $0x3  }
0x36: {  	p1 =	seq.s32 s10, $0x1;
	s10 =	sld [smem:$0x3FB4];
	_ =	sdelay $0x3  }
0x37: {  	[smem:$0x3FB4] =	sst s10  }
0x38: {  	s10 =	sld [smem:$0x3FB5]  }
0x39: {  	_ = 	snop;
	(pc) =	sbr.ind lr, $3  }
0x3a: {  	_ = 	snop  }
0x3b: {  	_ = 	snop  }
0x3c: {  	p2 =	seq.s32 s10, $0x1;
	s10 =	sld [smem:$0x3FB4]  }
0x3d: {  	_ =	shalt  }
0x3e: {  	_ =	shalt  }
0x3f: {  	_ =	shalt  }
0x40: {  	_ =	shalt  }
0x41: {  	_ =	shalt  }
0x42: {  	_ =	shalt  }
0x43: {  	_ =	shalt  }
0x44: {  	_ =	shalt  }
0x45: {  	_ =	shalt  }
0x46: {  	_ =	shalt  }
0x47: {  	_ =	shalt  }
0x48: {  	_ =	shalt  }
0x49: {  	_ =	shalt  }
0x4a: {  	_ =	shalt  }
0x4b: {  	_ =	shalt  }
0x4c: {  	_ =	shalt  }
0x4d: {  	_ =	shalt  }
0x4e: {  	_ =	shalt  }
0x4f: {  	_ =	shalt  }
0x50: {  	_ =	shalt  }
0x51: {  	_ =	shalt  }
0x52: {  	_ =	shalt  }
0x53: {  	_ =	shalt  }
0x54: {  	_ =	shalt  }
0x55: {  	_ =	shalt  }
0x56: {  	_ =	shalt  }
0x57: {  	_ =	shalt  }
0x58: {  	_ =	shalt  }
0x59: {  	_ =	shalt  }
0x5a: {  	_ =	shalt  }
0x5b: {  	_ =	shalt  }
0x5c: {  	_ =	shalt  }
0x5d: {  	_ =	shalt  }
0x5e: {  	_ =	shalt  }
0x5f: {  	_ =	shalt  }
0x60: {  	_ =	shalt  }
0x61: {  	_ =	shalt  }
0x62: {  	_ =	shalt  }
0x63: {  	_ =	shalt  }
0x64: {  	_ =	shalt  }
0x65: {  	_ =	shalt  }
0x66: {  	_ =	shalt  }
0x67: {  	_ =	shalt  }
0x68: {  	_ =	shalt  }
0x69: {  	_ =	shalt  }
0x6a: {  	_ =	shalt  }
0x6b: {  	_ =	shalt  }
0x6c: {  	_ =	shalt  }
0x6d: {  	_ =	shalt  }
0x6e: {  	_ =	shalt  }
0x6f: {  	_ =	shalt  }
0x70: {  	_ =	shalt  }
0x71: {  	_ =	shalt  }
0x72: {  	_ =	shalt  }
0x73: {  	_ =	shalt  }
0x74: {  	_ =	shalt  }
0x75: {  	_ =	shalt  }
0x76: {  	_ =	shalt  }
0x77: {  	_ =	shalt  }
0x78: {  	_ =	shalt  }
0x79: {  	_ =	shalt  }
0x7a: {  	_ =	shalt  }
0x7b: {  	_ =	shalt  }
0x7c: {  	_ =	shalt  }
0x7d: {  	_ =	shalt  }
0x7e: {  	_ =	shalt  }
0x7f: {  	_ =	shalt  }
0x80: {  	_ =	shalt  }
0x81: {  	_ =	shalt  }
0x82: {  	_ =	shalt  }
0x83: {  	_ =	shalt  }
0x84: {  	_ =	shalt  }
0x85: {  	_ =	shalt  }
0x86: {  	_ =	shalt  }
0x87: {  	_ =	shalt  }
.Lfunc_end0:
.L_simem_size_0:
called_computation_lowered:
.L_overlay_start_0:
0x88: {  	s2 =	sld [smem:$0x3FD9]  }
0x89: {  	s3 =	sld [smem:$0x3FFE];
	_ =	sdelay $0x1  }
0x8a: {  	s1 =	srdreg.scid  }
0x8b: {  	s0 =	sand.u32 $0x1, s1  }
0x8c: {  	s17 =	sshll.u32 s0, $0xA;
	s2 =	sadd.s32 s3, s2  }
0x8d: {  	s2 =	sadd.s32 s2, s17  }
0x8e: {  	[smem:$0x3FC0] =	sst s2  }
0x8f: {  	_ = 	snop  }
0x90: {  	s2 =	sld [smem:$0x3FC9]  }
0x91: {  	s18 =	sld [smem:$0x3FD0];
	(tm) =	ssettm $0x1  }
0x92: {  	s4 =	sld [smem:$0x3FFB];
	_ =	sdelay $0x3  }
0x93: {  	_ =	strace s4  }
0x94: {  	s4 =	sld [smem:$0x3FFC];
	_ =	sdelay $0x3  }
0x95: {  	_ =	strace s4  }
0x96: {  	s4 =	sld [smem:$0x3FFD];
	_ =	sdelay $0x3  }
0x97: {  	_ =	strace s4  }
0x98: {  	_ =	strace $0x8FFFFFFF  }
0x99: {  	s19 =	sld [smem:$0x3FDB];
	_ =	sdelay $0x1  }
0x9a: {  	s5 =	simm.s32 $_scs_section_size  }
0x9b: {  	s6 =	simm.s32 $_size__tile_overlayer_lowered;
	s7 =	simm.s32 $_tile_overlayer_lowered  }
0x9c: {  	s22 =	simm.s32 $0x1BFF;
	s21 =	sshll.u32 s7, $0x1;
	s4 =	sadd.s32 s5, s19  }
0x9d: {  	s8 =	simm.s32 $0x0;
	s20 =	sshll.u32 s6, $0x1;
	s6 =	sadd.s32 s21, s4  }
0x9e: {  	[timem:s8], [sflag:s22] =	dma.local [hbm:s6], s20  }
0x9f: {  	_ =	swait.ge [sflag:s22], s20  }
0xa0: {  	s5 =	ssub.s32 $0x0, s20;
	[sflag:s22] =	ssyncset.done $0x0  }
0xa1: {  	[sflag:s22] =	ssyncadd.s32 s5;
	_ =	sdelay $0x1  }
0xa2: {  	s23 =	simm.s32 $0x1B8B  }
0xa3: {  	_ =	swait.ge [sflag:s23], $0x1  }
0xa4: {  	[sflag:s23] =	ssyncset.done $0x0  }
0xa5: {  	s25 =	simm.s32 $0x1B8E;
	s24 =	sld [smem:$0x3FFE];
	[sflag:s23] =	ssyncadd.s32 $0xFFFFFFFF  }
0xa6: {  	s26 =	simm.s32 $execute0_lowered;
	[smem:$0x3FD2] =	sst s25  }
0xa7: {  	s6 =	sshll.u32 s26, $0x1;
	_ =	strace $0x80000046;
	[dreg:$0x1] =	wrdreg $0xFFFFFFFF  }
0xa8: {  	s28 =	simm.s32 $_size_execute0_lowered;
	s4 =	sadd.s32 s4, s6;
	[dreg:$0x0] =	wrdreg $0x0  }
0xa9: {  	s6 =	sshll.u32 s28, $0x1;
	[dreg:$0x2] =	wrdreg s4  }
0xaa: {  	[dreg:$0x3] =	wrdreg s6  }
0xab: {  	[dreg:$0x4] =	wrdreg $0xC0  }
0xac: {  	_ =	task [dreg:s8], $0x5FFFF  }
0xad: {  	[dreg:$0x1] =	wrdreg $0xFFFFFFFF  }
0xae: {  	[dreg:$0x0] =	wrdreg $0x60  }
0xaf: {  	[dreg:$0x2] =	wrdreg s2  }
0xb0: {  	[dreg:$0x3] =	wrdreg s24  }
0xb1: {  	[dreg:$0x4] =	wrdreg s18  }
0xb2: {  	[dreg:$0x5] =	wrdreg $0x90E80  }
0xb3: {  	[dreg:$0x6] =	wrdreg $0x1C9680  }
0xb4: {  	[dreg:$0x7] =	wrdreg $0x9  }
0xb5: {  	_ =	task.clear_ibuf [dreg:s8], $0x8FFFF;
	_ =	strace $0x90000046  }
0xb6: {  	s29 =	simm.s32 $0x9;
	_ =	strace $0x80000048  }
0xb7: {  	_ =	swait.ge [sflag:s29], $0x1  }
0xb8: {  	[sflag:s29] =	ssyncadd.s32 $0xFFFFFFFF  }
0xb9: {  	_ =	strace $0x90000048  }
0xba: {  	_ =	sfence  }
0xbb: {  	s30 =	sld [smem:$0x0];
	_ =	sdelay $0x2  }
0xbc: {  	s31 =	sshll.u32 s1, $0xD;
	s1 =	sshrl.u32 s1, $0x2  }
0xbd: {  	s3 =	sand.u32 $0x4000, s31;
	s1 =	sadd.s32 s1, s30  }
0xbe: {  	s0 =	sor.u32 s3, s0;
	s1 =	sshll.u32 s1, $0x11  }
0xbf: {  	s0 =	sor.u32 s1, s0  }
0xc0: {  	s0 =	sadd.s32 $0x8F2B, s0  }
0xc1: {  	[sflag:s0] =	ssyncadd.remote.s32 $0x1  }
0xc2: {  	_ =	sfence.sel $0xFFFF  }
0xc3: {  	[dreg:$0x0] =	wrdreg $0xFFFFFFFF;
	(pc) =	sbr.abs _section_cstart, $3  }
0xc4: {  	[dreg:$0x1] =	wrdreg $0xFFFFFFFF  }
0xc5: {  	_ =	task.clear_ibuf [dreg:s8], $0x2FFFF;
	_ =	strace $0x9FFFFFFF  }
0xc6: {  	(tm) =	ssettm $0x7FFFFFFF  }
0xc7: {  	_ =	shalt  }
tec
execute0_lowered:
.L_overlay_start_1:
0x0: {  	(tag) =	ssettag $0x1  }
0x1: {  	s1 =	rddreg [dreg:$0x0]  }
0x2: {  	s0 =	rddreg [dreg:$0x1]  }
0x3: {  	s3 =	rddreg [dreg:$0x3]  }
0x4: {  	s4 =	rddreg [dreg:$0x4]  }
0x5: {  	s5 =	simm.s32 $0x0;
	s20 =	srdreg.scid;
	s7 =	stileid.u32  }
0x6: {  	s31 =	simm.s32 $0x7D;
	s28 =	simm.s32 $0x4E80;
	s29 =	simm.s32 $0x1  }
0x7: {  	s30 =	simm.s32 $0x2;
	[smem:$0x7FF] =	sst s5;
	s2 =	sadd.s32 $0x1400, s0  }
0x8: {  	s6 =	sadd.s32 $0x15400, s0;
	s19 =	sadd.s32 $0x17C00, s0;
	s11 =	smul.u32 $0x13800, s7  }
0x9: {  	s8 =	sadd.s32 $0x1CE00, s0;
	s10 =	sshll.u32 s7, $0x1;
	s13 =	smul.u32 $0x1380, s7  }
0xa: {  	s14 =	sadd.s32 $0x17E00, s0;
	_ =	strace $0x80000047;
	[dreg:$0x6] =	wrdreg s6  }
0xb: {  	s15 =	sadd.s32 $0x138000, s3;
	s24 =	sadd.s32 $0x13800, s4;
	[dreg:$0x7] =	wrdreg s19  }
0xc: {  	s18 =	smul.u32 $0x5000, s7;
	p0 =	sne.s32 s7, $0xF;
	[dreg:$0xa] =	wrdreg s15  }
0xd: {  	s6 =	sand.u32 $0x1, s20;
	[dreg:$0xb] =	wrdreg s24;
	s15 =	sadd.s32 $0xB400, s0  }
0xe: {  	s9 =	ssub.s32 $0x2, s6;
	s10 =	sor.u32 s6, s10;
	s23 =	smul.u32 $0x138800, s6  }
0xf: {  	s21 =	sadd.s32 s11, s3;
	s22 =	sadd.s32 s13, s4;
	s26 =	smul.u32 $0x13880, s6  }
0x10: {  	s12 =	sshrl.u32 s9, $0x1;
	s10 =	smul.u32 $0x2800, s10;
	[dreg:$0x8] =	wrdreg s21  }
0x11: {  	s6 =	smul.u32 $0x2800, s6;
	[dreg:$0x9] =	wrdreg s22;
	s9 =	ssub.s32 s9, s12  }
0x12: {  	s25 =	sadd.s32 s11, s23;
	s19 =	sshrl.u32 s23, $0x3;
	s16 =	sshrl.u32 s10, $0x3  }
0x13: {  	s17 =	sshrl.u32 s25, $0x3;
	s25 =	smax.u32 s9, $0x1;
	[dreg:$0xc] =	wrdreg s16  }
0x14: {  	s21 =	sadd.s32 s13, s26;
	s10 =	sadd.s32 s2, s16;
	[dreg:$0x15] =	wrdreg s25  }
0x15: {  	s6 =	sadd.s32 s6, s18;
	s0 =	sadd.s32 s8, s17;
	[dreg:$0xd] =	wrdreg s10  }
0x16: {  	s6 =	sadd.s32 $0x800, s6;
	s20 =	sor.u32 $0x80, s16;
	[dreg:$0xe] =	wrdreg s0  }
0x17: {  	s23 =	sshrl.u32 s26, $0x3;
	s6 =	sshrl.u32 s6, $0x3;
	[dreg:$0xf] =	wrdreg s20  }
0x18: {  	s0 =	sadd.s32 s8, s19;
	s22 =	sadd.s32 s2, s20;
	[dreg:$0x13] =	wrdreg s6  }
0x19: {  	s8 =	sshrl.u32 s21, $0x3;
	s26 =	sadd.s32 s6, s2;
	[dreg:$0x10] =	wrdreg s22  }
0x1a: {  	s24 =	sadd.s32 s14, s23;
	s8 =	sadd.s32 s14, s8;
	[dreg:$0x16] =	wrdreg s26  }
0x1b: {  	s25 =	simm.s32 $0x8D00;
	s0 =	sadd.s32 $0x27000, s0;
	[dreg:$0x11] =	wrdreg s8  }
0x1c: {  	s6 =	simm.s32 $0x0;
	[dreg:$0x12] =	wrdreg s0;
	s0 =	sadd.s32 $0x2700, s24  }
0x1d: {  	s26 =	simm.s32 $0x4;
	[dreg:$0x14] =	wrdreg s0;
	s0 =	simm.s32 $0x1000  }
.LBB2_1:
0x1e: {  	s2 =	rddreg [dreg:$0x7];
	s11 =	stileid.u32  }
0x1f: {  	[tilespmem:s25], [sflag:$0x4] =	stream.linear.gather [hbm4b:s2+s5], $0x3E8, $0x38;
	[tilespmem:$0x1DCF0] =	vst v63  }
0x20: {  	s2 =	sshll.u32 s11, $0x6;
	_ =	swait.ge [sflag:s26], $0x3E8  }
0x21: {  	s2 =	sor.u32 $0x1C04, s2;
	[sflag:s26] =	ssyncset.done $0x0;
	s7 =	rddreg [dreg:$0x8]  }
0x22: {  	s11 =	rddreg [dreg:$0x6];
	[sflag:s26] =	ssyncadd.s32 $0xFFFFFC18;
	s8 =	sshrl.u32 s7, $0x3  }
0x23: {  	[spmem:s8], [sflag:s2] =	dma.local [hbm:s11], $0x2700  }
0x24: {  	_ =	swait.ge [sflag:s26], $0x2700  }
0x25: {  	[sflag:s26] =	ssyncset.done $0x0  }
0x26: {  	s12 =	rddreg [dreg:$0x9];
	[sflag:s26] =	ssyncadd.s32 $0xFFFFD900  }
0x27: {  	s9 =	sshrl.u32 s12, $0x3;
	s7 =	rddreg [dreg:$0x2]  }
0x28: {  	[spmem:s9], [sflag:s2] =	dma.local [hbm:s7], $0x270  }
0x29: {  	_ =	swait.ge [sflag:s26], $0x270  }
0x2a: {  	[sflag:s26] =	ssyncset.done $0x0;
	s10 =	rddreg [dreg:$0xa]  }
0x2b: {  	s12 =	simm.s32 @!p0 $0x4;
	[sflag:s26] =	ssyncadd.s32 $0xFFFFFD90;
	s10 =	sshrl.u32 @!p0 s10, $0x3  }
0x2c: {  	[spmem:s10], [sflag:s2] =	dma.local @!p0 [hbm:s11], $0x100  }
0x2d: {  	_ =	swait.ge @!p0 [sflag:s12], $0x100  }
0x2e: {  	[sflag:s12] =	ssyncset.done @!p0 $0x0;
	s11 =	rddreg [dreg:$0xb]  }
0x2f: {  	[sflag:s12] =	ssyncadd.s32 @!p0 $0xFFFFFF00;
	s11 =	sshrl.u32 @!p0 s11, $0x3  }
0x30: {  	[spmem:s11], [sflag:s2] =	dma.local @!p0 [hbm:s7], $0x10  }
0x31: {  	_ =	swait.ge @!p0 [sflag:s12], $0x10  }
0x32: {  	[sflag:s12] =	ssyncset.done @!p0 $0x0  }
0x33: {  	[sflag:s12] =	ssyncadd.s32 @!p0 $0xFFFFFFF0  }
0x34: {  	[bflag:$0x0] =	sbarrier.arrive $0xFFFF  }
0x35: {  	s13 =	rddreg [dreg:$0xd]  }
0x36: {  	[tilespmem:s5], [sflag:$0x4] =	stream.linear.gather [hbm4b:s13+s5], $0x400, $0x38;
	[tilespmem:$0x1DCF0] =	vst v63  }
0x37: {  	_ =	swait.ge [sflag:s26], $0x400  }
0x38: {  	[sflag:s26] =	ssyncset.done $0x0;
	s14 =	rddreg [dreg:$0xc]  }
0x39: {  	s17 =	simm.s32 $0x800;
	[sflag:s26] =	ssyncadd.s32 $0xFFFFFC00;
	s16 =	sadd.s32 s14, s15  }
0x3a: {  	[tilespmem:s17], [sflag:$0x4] =	stream.linear.gather [hbm4b:s16+s5], $0x400, $0x38;
	[tilespmem:$0x1DCF0] =	vst v63  }
0x3b: {  	_ =	swait.ge [sflag:s26], $0x400  }
0x3c: {  	[sflag:s26] =	ssyncset.done $0x0;
	s18 =	rddreg [dreg:$0x10]  }
0x3d: {  	s19 =	simm.s32 $0x400;
	s20 =	rddreg [dreg:$0xf];
	[sflag:s26] =	ssyncadd.s32 $0xFFFFFC00  }
0x3e: {  	[tilespmem:s19], [sflag:$0x3] =	stream.linear.gather [hbm4b:s18+s5], $0x400, $0x38;
	[tilespmem:$0x1DCF0] =	vst v63  }
0x3f: {  	s22 =	simm.s32 $0xC00;
	s21 =	sadd.s32 s20, s15  }
0x40: {  	[tilespmem:s22], [sflag:$0x3] =	stream.linear.gather [hbm4b:s21+s5], $0x400, $0x38;
	[tilespmem:$0x1DCF0] =	vst v63  }
0x41: {  	s12 =	sand.u32 $0x400, s5  }
0x42: {  	[tilespmem:s0], [sflag:$0x1] =	stream.indirect.gather [hbm4b:s1+s31], $0x80, s5, s31, $0xb8;
	[tilespmem:$0x1DCF0] =	vst v63  }
0x43: {  	s13 =	sor.u32 $0x80, s12  }
0x44: {  	[tilespmem:s28], [sflag:$0x2] =	stream.indirect.gather [hbm4b:s1+s31], $0x80, s13, s31, $0xb8;
	[tilespmem:$0x1DCF0] =	vst v63  }
0x45: {  	_ =	swait.ge [sflag:s29], $0x3E80  }
0x46: {  	[sflag:s29] =	ssyncset.done $0x0  }
0x47: {  	s19 =	sor.u32 $0x800, s12;
	[sflag:s29] =	ssyncadd.s32 $0xFFFFC180  }
0x48: {  	[spmem:s3] =	stream.indirect.scatter.add.f32 [tilespmem:s0], [sflag:$0x4], $0x80, s19, s31, $0xb8;
	[tilespmem:$0x1DCF0] =	vst v63  }
0x49: {  	_ =	swait.ge [sflag:s26], $0x3E80  }
0x4a: {  	[sflag:s26] =	ssyncset.done $0x0  }
0x4b: {  	[sflag:s26] =	ssyncadd.s32 $0xFFFFC180  }
0x4c: {  	[spmem:s4] =	stream.indirect.scatter.add.f32 [tilespmem:s25], [sflag:$0x4], $0x8, s19, s31, $0xb8;
	[tilespmem:$0x1DCF0] =	vst v63  }
0x4d: {  	_ =	swait.ge [sflag:s26], $0x3E8  }
0x4e: {  	[sflag:s26] =	ssyncset.done $0x0  }
0x4f: {  	s23 =	sor.u32 $0x100, s12;
	[sflag:s26] =	ssyncadd.s32 $0xFFFFFC18  }
0x50: {  	[tilespmem:s0], [sflag:$0x1] =	stream.indirect.gather [hbm4b:s1+s31], $0x80, s23, s31, $0xb8;
	[tilespmem:$0x1DCF0] =	vst v63  }
0x51: {  	_ =	swait.ge [sflag:s30], $0x3E80  }
0x52: {  	[sflag:s30] =	ssyncset.done $0x0  }
0x53: {  	s24 =	sor.u32 $0x880, s12;
	[sflag:s30] =	ssyncadd.s32 $0xFFFFC180  }
0x54: {  	[spmem:s3] =	stream.indirect.scatter.add.f32 [tilespmem:s28], [sflag:$0x4], $0x80, s24, s31, $0xb8;
	[tilespmem:$0x1DCF0] =	vst v63  }
0x55: {  	_ =	swait.ge [sflag:s26], $0x3E80  }
0x56: {  	[sflag:s26] =	ssyncset.done $0x0  }
0x57: {  	[sflag:s26] =	ssyncadd.s32 $0xFFFFC180  }
0x58: {  	[spmem:s4] =	stream.indirect.scatter.add.f32 [tilespmem:s25], [sflag:$0x4], $0x8, s24, s31, $0xb8;
	[tilespmem:$0x1DCF0] =	vst v63  }
0x59: {  	_ =	swait.ge [sflag:s26], $0x3E8  }
0x5a: {  	[sflag:s26] =	ssyncset.done $0x0  }
0x5b: {  	s7 =	sor.u32 $0x180, s12;
	[sflag:s26] =	ssyncadd.s32 $0xFFFFFC18  }
0x5c: {  	[tilespmem:s28], [sflag:$0x2] =	stream.indirect.gather [hbm4b:s1+s31], $0x80, s7, s31, $0xb8;
	[tilespmem:$0x1DCF0] =	vst v63  }
0x5d: {  	_ =	swait.ge [sflag:s29], $0x3E80  }
0x5e: {  	[sflag:s29] =	ssyncset.done $0x0  }
0x5f: {  	s14 =	sor.u32 $0x900, s12;
	[sflag:s29] =	ssyncadd.s32 $0xFFFFC180  }
0x60: {  	[spmem:s3] =	stream.indirect.scatter.add.f32 [tilespmem:s0], [sflag:$0x4], $0x80, s14, s31, $0xb8;
	[tilespmem:$0x1DCF0] =	vst v63  }
0x61: {  	_ =	swait.ge [sflag:s26], $0x3E80  }
0x62: {  	[sflag:s26] =	ssyncset.done $0x0  }
0x63: {  	[sflag:s26] =	ssyncadd.s32 $0xFFFFC180  }
0x64: {  	[spmem:s4] =	stream.indirect.scatter.add.f32 [tilespmem:s25], [sflag:$0x4], $0x8, s14, s31, $0xb8;
	[tilespmem:$0x1DCF0] =	vst v63  }
0x65: {  	_ =	swait.ge [sflag:s26], $0x3E8  }
0x66: {  	[sflag:s26] =	ssyncset.done $0x0  }
0x67: {  	s16 =	sor.u32 $0x200, s12;
	[sflag:s26] =	ssyncadd.s32 $0xFFFFFC18  }
0x68: {  	[tilespmem:s0], [sflag:$0x1] =	stream.indirect.gather [hbm4b:s1+s31], $0x80, s16, s31, $0xb8;
	[tilespmem:$0x1DCF0] =	vst v63  }
0x69: {  	_ =	swait.ge [sflag:s30], $0x3E80  }
0x6a: {  	[sflag:s30] =	ssyncset.done $0x0  }
0x6b: {  	s17 =	sor.u32 $0x980, s12;
	[sflag:s30] =	ssyncadd.s32 $0xFFFFC180  }
0x6c: {  	[spmem:s3] =	stream.indirect.scatter.add.f32 [tilespmem:s28], [sflag:$0x4], $0x80, s17, s31, $0xb8;
	[tilespmem:$0x1DCF0] =	vst v63  }
0x6d: {  	_ =	swait.ge [sflag:s26], $0x3E80  }
0x6e: {  	[sflag:s26] =	ssyncset.done $0x0  }
0x6f: {  	[sflag:s26] =	ssyncadd.s32 $0xFFFFC180  }
0x70: {  	[spmem:s4] =	stream.indirect.scatter.add.f32 [tilespmem:s25], [sflag:$0x4], $0x8, s17, s31, $0xb8;
	[tilespmem:$0x1DCF0] =	vst v63  }
0x71: {  	_ =	swait.ge [sflag:s26], $0x3E8  }
0x72: {  	[sflag:s26] =	ssyncset.done $0x0  }
0x73: {  	s18 =	sor.u32 $0x280, s12;
	[sflag:s26] =	ssyncadd.s32 $0xFFFFFC18  }
0x74: {  	[tilespmem:s28], [sflag:$0x2] =	stream.indirect.gather [hbm4b:s1+s31], $0x80, s18, s31, $0xb8;
	[tilespmem:$0x1DCF0] =	vst v63  }
0x75: {  	_ =	swait.ge [sflag:s29], $0x3E80  }
0x76: {  	[sflag:s29] =	ssyncset.done $0x0  }
0x77: {  	s20 =	sor.u32 $0xA00, s12;
	[sflag:s29] =	ssyncadd.s32 $0xFFFFC180  }
0x78: {  	[spmem:s3] =	stream.indirect.scatter.add.f32 [tilespmem:s0], [sflag:$0x4], $0x80, s20, s31, $0xb8;
	[tilespmem:$0x1DCF0] =	vst v63  }
0x79: {  	_ =	swait.ge [sflag:s26], $0x3E80  }
0x7a: {  	[sflag:s26] =	ssyncset.done $0x0  }
0x7b: {  	[sflag:s26] =	ssyncadd.s32 $0xFFFFC180  }
0x7c: {  	[spmem:s4] =	stream.indirect.scatter.add.f32 [tilespmem:s25], [sflag:$0x4], $0x8, s20, s31, $0xb8;
	[tilespmem:$0x1DCF0] =	vst v63  }
0x7d: {  	_ =	swait.ge [sflag:s26], $0x3E8  }
0x7e: {  	[sflag:s26] =	ssyncset.done $0x0  }
0x7f: {  	s21 =	sor.u32 $0x300, s12;
	[sflag:s26] =	ssyncadd.s32 $0xFFFFFC18  }
0x80: {  	[tilespmem:s0], [sflag:$0x1] =	stream.indirect.gather [hbm4b:s1+s31], $0x80, s21, s31, $0xb8;
	[tilespmem:$0x1DCF0] =	vst v63  }
0x81: {  	_ =	swait.ge [sflag:s30], $0x3E80  }
0x82: {  	[sflag:s30] =	ssyncset.done $0x0  }
0x83: {  	s22 =	sor.u32 $0xA80, s12;
	[sflag:s30] =	ssyncadd.s32 $0xFFFFC180  }
0x84: {  	[spmem:s3] =	stream.indirect.scatter.add.f32 [tilespmem:s28], [sflag:$0x4], $0x80, s22, s31, $0xb8;
	[tilespmem:$0x1DCF0] =	vst v63  }
0x85: {  	_ =	swait.ge [sflag:s26], $0x3E80  }
0x86: {  	[sflag:s26] =	ssyncset.done $0x0  }
0x87: {  	[sflag:s26] =	ssyncadd.s32 $0xFFFFC180  }
0x88: {  	[spmem:s4] =	stream.indirect.scatter.add.f32 [tilespmem:s25], [sflag:$0x4], $0x8, s22, s31, $0xb8;
	[tilespmem:$0x1DCF0] =	vst v63  }
0x89: {  	_ =	swait.ge [sflag:s26], $0x3E8  }
0x8a: {  	[sflag:s26] =	ssyncset.done $0x0  }
0x8b: {  	s23 =	sor.u32 $0x380, s12;
	[sflag:s26] =	ssyncadd.s32 $0xFFFFFC18  }
0x8c: {  	[tilespmem:s28], [sflag:$0x2] =	stream.indirect.gather [hbm4b:s1+s31], $0x80, s23, s31, $0xb8;
	[tilespmem:$0x1DCF0] =	vst v63  }
0x8d: {  	_ =	swait.ge [sflag:s29], $0x3E80  }
0x8e: {  	[sflag:s29] =	ssyncset.done $0x0  }
0x8f: {  	s14 =	sor.u32 $0xB00, s12;
	[sflag:s29] =	ssyncadd.s32 $0xFFFFC180  }
0x90: {  	[spmem:s3] =	stream.indirect.scatter.add.f32 [tilespmem:s0], [sflag:$0x4], $0x80, s14, s31, $0xb8;
	[tilespmem:$0x1DCF0] =	vst v63  }
0x91: {  	_ =	swait.ge [sflag:s26], $0x3E80  }
0x92: {  	[sflag:s26] =	ssyncset.done $0x0  }
0x93: {  	[sflag:s26] =	ssyncadd.s32 $0xFFFFC180  }
0x94: {  	[spmem:s4] =	stream.indirect.scatter.add.f32 [tilespmem:s25], [sflag:$0x4], $0x8, s14, s31, $0xb8;
	[tilespmem:$0x1DCF0] =	vst v63  }
0x95: {  	_ =	swait.ge [sflag:s26], $0x3E8  }
0x96: {  	p1 =	por $0x0, $0x0;
	[sflag:s26] =	ssyncset.done $0x0  }
0x97: {  	s14 =	simm.s32 @!p1 $0x3;
	[sflag:s26] =	ssyncadd.s32 $0xFFFFFC18  }
0x98: {  	_ =	swait.ge @!p1 [sflag:s14], $0x400  }
0x99: {  	[sflag:s14] =	ssyncset.done @!p1 $0x0  }
0x9a: {  	[sflag:s14] =	ssyncadd.s32 @!p1 $0xFFFFFC00  }
0x9b: {  	_ =	swait.ge @!p1 [sflag:s14], $0x400  }
0x9c: {  	s16 =	ssub.s32 @!p1 $0x400, s12;
	[sflag:s14] =	ssyncset.done @!p1 $0x0  }
0x9d: {  	s17 =	simm.s32 @!p1 $0x1000;
	[sflag:s14] =	ssyncadd.s32 @!p1 $0xFFFFFC00;
	s14 =	simm.s32 @!p1 $0x7D  }
0x9e: {  	[tilespmem:s17], [sflag:$0x1] =	stream.indirect.gather @!p1 [hbm4b:s1+s14], $0x80, s16, s14, $0xb8;
	[tilespmem:$0x1DCF0] =	vst v63  }
0x9f: {  	_ =	swait.ge [sflag:s30], $0x3E80  }
0xa0: {  	[sflag:s30] =	ssyncset.done $0x0  }
0xa1: {  	s13 =	sor.u32 $0x800, s23;
	[sflag:s30] =	ssyncadd.s32 $0xFFFFC180  }
0xa2: {  	[spmem:s3] =	stream.indirect.scatter.add.f32 [tilespmem:s28], [sflag:$0x4], $0x80, s13, s31, $0xb8;
	[tilespmem:$0x1DCF0] =	vst v63  }
0xa3: {  	_ =	swait.ge [sflag:s26], $0x3E80  }
0xa4: {  	[sflag:s26] =	ssyncset.done $0x0  }
0xa5: {  	p2 =	por $0x0, $0x0;
	s18 =	simm.s32 $0x1;
	[sflag:s26] =	ssyncadd.s32 $0xFFFFC180  }
0xa6: {  	[spmem:s4] =	stream.indirect.scatter.add.f32 [tilespmem:s25], [sflag:$0x4], $0x8, s13, s31, $0xb8;
	[tilespmem:$0x1DCF0] =	vst v63  }
0xa7: {  	s20 =	simm.s32 $0x400;
	s23 =	simm.s32 $0x800;
	_ =	swait.ge [sflag:s26], $0x3E8  }
0xa8: {  	s13 =	simm.s32 @!p2 $0x0;
	[sflag:s26] =	ssyncset.done $0x0;
	s24 =	rddreg [dreg:$0x13]  }
0xa9: {  	s14 =	rddreg [dreg:$0x16];
	[sflag:s26] =	ssyncadd.s32 $0xFFFFFC18;
	s22 =	sadd.s32 s15, s24  }
0xaa: {  	[tilespmem:s12], [sflag:$0x3] =	stream.linear.gather @!p2 [hbm4b:s14+s13], $0x400, $0x38;
	[tilespmem:$0x1DCF0] =	vst v63  }
0xab: {  	s16 =	sand.u32 $0x400, s20;
	s12 =	sadd.s32 $0x80, s22;
	s14 =	sadd.s32 $0x80, s14  }
.LBB2_2:
0xac: {  	[tilespmem:s19], [sflag:$0x3] =	stream.linear.gather @!p2 [hbm4b:s22+s13], $0x400, $0x38;
	[tilespmem:$0x1DCF0] =	vst v63  }
0xad: {  	s17 =	smov.u32 s16;
	s13 =	smov.u32 s23;
	s22 =	smov.u32 s12  }
0xae: {  	s23 =	sadd.s32 $0x400, s23;
	s16 =	sand.u32 $0x400, s13;
	s19 =	sor.u32 $0x80, s17  }
0xaf: {  	[tilespmem:s28], [sflag:$0x2] =	stream.indirect.gather [hbm4b:s1+s31], $0x80, s19, s31, $0xb8;
	[tilespmem:$0x1DCF0] =	vst v63  }
0xb0: {  	p1 =	sne.s32 s23, $0x2800;
	_ =	swait.ge [sflag:s29], $0x3E80  }
0xb1: {  	[sflag:s29] =	ssyncset.done $0x0  }
0xb2: {  	s19 =	sor.u32 $0x800, s17;
	[sflag:s29] =	ssyncadd.s32 $0xFFFFC180  }
0xb3: {  	[spmem:s3] =	stream.indirect.scatter.add.f32 [tilespmem:s0], [sflag:$0x4], $0x80, s19, s31, $0xb8;
	[tilespmem:$0x1DCF0] =	vst v63  }
0xb4: {  	_ =	swait.ge [sflag:s26], $0x3E80  }
0xb5: {  	[sflag:s26] =	ssyncset.done $0x0  }
0xb6: {  	[sflag:s26] =	ssyncadd.s32 $0xFFFFC180  }
0xb7: {  	[spmem:s4] =	stream.indirect.scatter.add.f32 [tilespmem:s25], [sflag:$0x4], $0x8, s19, s31, $0xb8;
	[tilespmem:$0x1DCF0] =	vst v63  }
0xb8: {  	_ =	swait.ge [sflag:s26], $0x3E8  }
0xb9: {  	[sflag:s26] =	ssyncset.done $0x0  }
0xba: {  	s21 =	sor.u32 $0x100, s17;
	[sflag:s26] =	ssyncadd.s32 $0xFFFFFC18  }
0xbb: {  	[tilespmem:s0], [sflag:$0x1] =	stream.indirect.gather [hbm4b:s1+s31], $0x80, s21, s31, $0xb8;
	[tilespmem:$0x1DCF0] =	vst v63  }
0xbc: {  	_ =	swait.ge [sflag:s30], $0x3E80  }
0xbd: {  	[sflag:s30] =	ssyncset.done $0x0  }
0xbe: {  	s21 =	sor.u32 $0x880, s17;
	[sflag:s30] =	ssyncadd.s32 $0xFFFFC180  }
0xbf: {  	[spmem:s3] =	stream.indirect.scatter.add.f32 [tilespmem:s28], [sflag:$0x4], $0x80, s21, s31, $0xb8;
	[tilespmem:$0x1DCF0] =	vst v63  }
0xc0: {  	_ =	swait.ge [sflag:s26], $0x3E80  }
0xc1: {  	[sflag:s26] =	ssyncset.done $0x0  }
0xc2: {  	[sflag:s26] =	ssyncadd.s32 $0xFFFFC180  }
0xc3: {  	[spmem:s4] =	stream.indirect.scatter.add.f32 [tilespmem:s25], [sflag:$0x4], $0x8, s21, s31, $0xb8;
	[tilespmem:$0x1DCF0] =	vst v63  }
0xc4: {  	_ =	swait.ge [sflag:s26], $0x3E8  }
0xc5: {  	[sflag:s26] =	ssyncset.done $0x0  }
0xc6: {  	s21 =	sor.u32 $0x180, s17;
	[sflag:s26] =	ssyncadd.s32 $0xFFFFFC18  }
0xc7: {  	[tilespmem:s28], [sflag:$0x2] =	stream.indirect.gather [hbm4b:s1+s31], $0x80, s21, s31, $0xb8;
	[tilespmem:$0x1DCF0] =	vst v63  }
0xc8: {  	_ =	swait.ge [sflag:s29], $0x3E80  }
0xc9: {  	[sflag:s29] =	ssyncset.done $0x0  }
0xca: {  	s21 =	sor.u32 $0x900, s17;
	[sflag:s29] =	ssyncadd.s32 $0xFFFFC180  }
0xcb: {  	[spmem:s3] =	stream.indirect.scatter.add.f32 [tilespmem:s0], [sflag:$0x4], $0x80, s21, s31, $0xb8;
	[tilespmem:$0x1DCF0] =	vst v63  }
0xcc: {  	_ =	swait.ge [sflag:s26], $0x3E80  }
0xcd: {  	[sflag:s26] =	ssyncset.done $0x0  }
0xce: {  	[sflag:s26] =	ssyncadd.s32 $0xFFFFC180  }
0xcf: {  	[spmem:s4] =	stream.indirect.scatter.add.f32 [tilespmem:s25], [sflag:$0x4], $0x8, s21, s31, $0xb8;
	[tilespmem:$0x1DCF0] =	vst v63  }
0xd0: {  	_ =	swait.ge [sflag:s26], $0x3E8  }
0xd1: {  	[sflag:s26] =	ssyncset.done $0x0  }
0xd2: {  	s21 =	sor.u32 $0x200, s17;
	[sflag:s26] =	ssyncadd.s32 $0xFFFFFC18  }
0xd3: {  	[tilespmem:s0], [sflag:$0x1] =	stream.indirect.gather [hbm4b:s1+s31], $0x80, s21, s31, $0xb8;
	[tilespmem:$0x1DCF0] =	vst v63  }
0xd4: {  	_ =	swait.ge [sflag:s30], $0x3E80  }
0xd5: {  	[sflag:s30] =	ssyncset.done $0x0  }
0xd6: {  	s21 =	sor.u32 $0x980, s17;
	[sflag:s30] =	ssyncadd.s32 $0xFFFFC180  }
0xd7: {  	[spmem:s3] =	stream.indirect.scatter.add.f32 [tilespmem:s28], [sflag:$0x4], $0x80, s21, s31, $0xb8;
	[tilespmem:$0x1DCF0] =	vst v63  }
0xd8: {  	_ =	swait.ge [sflag:s26], $0x3E80  }
0xd9: {  	[sflag:s26] =	ssyncset.done $0x0  }
0xda: {  	[sflag:s26] =	ssyncadd.s32 $0xFFFFC180  }
0xdb: {  	[spmem:s4] =	stream.indirect.scatter.add.f32 [tilespmem:s25], [sflag:$0x4], $0x8, s21, s31, $0xb8;
	[tilespmem:$0x1DCF0] =	vst v63  }
0xdc: {  	_ =	swait.ge [sflag:s26], $0x3E8  }
0xdd: {  	[sflag:s26] =	ssyncset.done $0x0  }
0xde: {  	s21 =	sor.u32 $0x280, s17;
	[sflag:s26] =	ssyncadd.s32 $0xFFFFFC18  }
0xdf: {  	[tilespmem:s28], [sflag:$0x2] =	stream.indirect.gather [hbm4b:s1+s31], $0x80, s21, s31, $0xb8;
	[tilespmem:$0x1DCF0] =	vst v63  }
0xe0: {  	_ =	swait.ge [sflag:s29], $0x3E80  }
0xe1: {  	[sflag:s29] =	ssyncset.done $0x0  }
0xe2: {  	s21 =	sor.u32 $0xA00, s17;
	[sflag:s29] =	ssyncadd.s32 $0xFFFFC180  }
0xe3: {  	[spmem:s3] =	stream.indirect.scatter.add.f32 [tilespmem:s0], [sflag:$0x4], $0x80, s21, s31, $0xb8;
	[tilespmem:$0x1DCF0] =	vst v63  }
0xe4: {  	_ =	swait.ge [sflag:s26], $0x3E80  }
0xe5: {  	[sflag:s26] =	ssyncset.done $0x0  }
0xe6: {  	[sflag:s26] =	ssyncadd.s32 $0xFFFFC180  }
0xe7: {  	[spmem:s4] =	stream.indirect.scatter.add.f32 [tilespmem:s25], [sflag:$0x4], $0x8, s21, s31, $0xb8;
	[tilespmem:$0x1DCF0] =	vst v63  }
0xe8: {  	_ =	swait.ge [sflag:s26], $0x3E8  }
0xe9: {  	[sflag:s26] =	ssyncset.done $0x0  }
0xea: {  	s21 =	sor.u32 $0x300, s17;
	[sflag:s26] =	ssyncadd.s32 $0xFFFFFC18  }
0xeb: {  	[tilespmem:s0], [sflag:$0x1] =	stream.indirect.gather [hbm4b:s1+s31], $0x80, s21, s31, $0xb8;
	[tilespmem:$0x1DCF0] =	vst v63  }
0xec: {  	_ =	swait.ge [sflag:s30], $0x3E80  }
0xed: {  	[sflag:s30] =	ssyncset.done $0x0  }
0xee: {  	s21 =	sor.u32 $0xA80, s17;
	[sflag:s30] =	ssyncadd.s32 $0xFFFFC180  }
0xef: {  	[spmem:s3] =	stream.indirect.scatter.add.f32 [tilespmem:s28], [sflag:$0x4], $0x80, s21, s31, $0xb8;
	[tilespmem:$0x1DCF0] =	vst v63  }
0xf0: {  	_ =	swait.ge [sflag:s26], $0x3E80  }
0xf1: {  	[sflag:s26] =	ssyncset.done $0x0  }
0xf2: {  	[sflag:s26] =	ssyncadd.s32 $0xFFFFC180  }
0xf3: {  	[spmem:s4] =	stream.indirect.scatter.add.f32 [tilespmem:s25], [sflag:$0x4], $0x8, s21, s31, $0xb8;
	[tilespmem:$0x1DCF0] =	vst v63  }
0xf4: {  	_ =	swait.ge [sflag:s26], $0x3E8  }
0xf5: {  	[sflag:s26] =	ssyncset.done $0x0  }
0xf6: {  	s21 =	sor.u32 $0x380, s17;
	[sflag:s26] =	ssyncadd.s32 $0xFFFFFC18  }
0xf7: {  	[tilespmem:s28], [sflag:$0x2] =	stream.indirect.gather [hbm4b:s1+s31], $0x80, s21, s31, $0xb8;
	[tilespmem:$0x1DCF0] =	vst v63  }
0xf8: {  	_ =	swait.ge [sflag:s29], $0x3E80  }
0xf9: {  	[sflag:s29] =	ssyncset.done $0x0  }
0xfa: {  	s7 =	sor.u32 $0xB00, s17;
	[sflag:s29] =	ssyncadd.s32 $0xFFFFC180  }
0xfb: {  	[spmem:s3] =	stream.indirect.scatter.add.f32 [tilespmem:s0], [sflag:$0x4], $0x80, s7, s31, $0xb8;
	[tilespmem:$0x1DCF0] =	vst v63  }
0xfc: {  	_ =	swait.ge [sflag:s26], $0x3E80  }
0xfd: {  	[sflag:s26] =	ssyncset.done $0x0  }
0xfe: {  	[sflag:s26] =	ssyncadd.s32 $0xFFFFC180  }
0xff: {  	[spmem:s4] =	stream.indirect.scatter.add.f32 [tilespmem:s25], [sflag:$0x4], $0x8, s7, s31, $0xb8;
	[tilespmem:$0x1DCF0] =	vst v63  }
0x100: {  	_ =	swait.ge [sflag:s26], $0x3E8  }
0x101: {  	p2 =	seq.s32 s20, $0x2400;
	s20 =	smov.u32 s13;
	[sflag:s26] =	ssyncset.done $0x0  }
0x102: {  	s13 =	ssub.s32 @!p2 $0x400, s17;
	s7 =	simm.s32 @!p2 $0x3;
	[sflag:s26] =	ssyncadd.s32 $0xFFFFFC18  }
0x103: {  	_ =	swait.ge @!p2 [sflag:s7], $0x400  }
0x104: {  	[sflag:s7] =	ssyncset.done @!p2 $0x0  }
0x105: {  	[sflag:s7] =	ssyncadd.s32 @!p2 $0xFFFFFC00  }
0x106: {  	_ =	swait.ge @!p2 [sflag:s7], $0x400  }
0x107: {  	[sflag:s7] =	ssyncset.done @!p2 $0x0  }
0x108: {  	s24 =	simm.s32 @!p2 $0x1000;
	[sflag:s7] =	ssyncadd.s32 @!p2 $0xFFFFFC00;
	s7 =	simm.s32 @!p2 $0x7D  }
0x109: {  	[tilespmem:s24], [sflag:$0x1] =	stream.indirect.gather @!p2 [hbm4b:s1+s7], $0x80, s13, s7, $0xb8;
	[tilespmem:$0x1DCF0] =	vst v63  }
0x10a: {  	_ =	swait.ge [sflag:s30], $0x3E80  }
0x10b: {  	[sflag:s30] =	ssyncset.done $0x0  }
0x10c: {  	s7 =	sor.u32 $0x800, s21;
	[sflag:s30] =	ssyncadd.s32 $0xFFFFC180  }
0x10d: {  	[spmem:s3] =	stream.indirect.scatter.add.f32 [tilespmem:s28], [sflag:$0x4], $0x80, s7, s31, $0xb8;
	[tilespmem:$0x1DCF0] =	vst v63  }
0x10e: {  	_ =	swait.ge [sflag:s26], $0x3E80  }
0x10f: {  	[sflag:s26] =	ssyncset.done $0x0  }
0x110: {  	[sflag:s26] =	ssyncadd.s32 $0xFFFFC180  }
0x111: {  	[spmem:s4] =	stream.indirect.scatter.add.f32 [tilespmem:s25], [sflag:$0x4], $0x8, s7, s31, $0xb8;
	[tilespmem:$0x1DCF0] =	vst v63  }
.Ltmp0:
0x112: {  	_ =	swait.ge [sflag:s26], $0x3E8;
	(pc) =	sbr.rel @p1 .LBB2_2-.Ltmp0, $4  }
0x113: {  	p2 =	sgt.u32 s18, $0x7;
	[sflag:s26] =	ssyncset.done $0x0  }
0x114: {  	s13 =	simm.s32 @!p2 $0x0;
	[sflag:s26] =	ssyncadd.s32 $0xFFFFFC18  }
0x115: {  	[tilespmem:s17], [sflag:$0x3] =	stream.linear.gather @!p2 [hbm4b:s14+s13], $0x400, $0x38;
	[tilespmem:$0x1DCF0] =	vst v63  }
0x116: {  	s12 =	sadd.s32 $0x80, s12;
	s18 =	sadd.s32 $0x1, s18;
	s14 =	sadd.s32 $0x80, s14  }
0x117: {  	[tilespmem:s19], [sflag:$0x3] =	stream.linear.gather @!p2 [hbm4b:s22+s13], $0x400, $0x38;
	[tilespmem:$0x1DCF0] =	vst v63  }
0x118: {  	s7 =	sor.u32 $0x80, s16  }
0x119: {  	[tilespmem:s28], [sflag:$0x2] =	stream.indirect.gather [hbm4b:s1+s31], $0x80, s7, s31, $0xb8;
	[tilespmem:$0x1DCF0] =	vst v63  }
0x11a: {  	_ =	swait.ge [sflag:s29], $0x3E80  }
0x11b: {  	[sflag:s29] =	ssyncset.done $0x0  }
0x11c: {  	s13 =	sor.u32 $0x800, s16;
	[sflag:s29] =	ssyncadd.s32 $0xFFFFC180  }
0x11d: {  	[spmem:s3] =	stream.indirect.scatter.add.f32 [tilespmem:s0], [sflag:$0x4], $0x80, s13, s31, $0xb8;
	[tilespmem:$0x1DCF0] =	vst v63  }
0x11e: {  	_ =	swait.ge [sflag:s26], $0x3E80  }
0x11f: {  	[sflag:s26] =	ssyncset.done $0x0  }
0x120: {  	[sflag:s26] =	ssyncadd.s32 $0xFFFFC180  }
0x121: {  	[spmem:s4] =	stream.indirect.scatter.add.f32 [tilespmem:s25], [sflag:$0x4], $0x8, s13, s31, $0xb8;
	[tilespmem:$0x1DCF0] =	vst v63  }
0x122: {  	_ =	swait.ge [sflag:s26], $0x3E8  }
0x123: {  	[sflag:s26] =	ssyncset.done $0x0  }
0x124: {  	s23 =	sor.u32 $0x100, s16;
	[sflag:s26] =	ssyncadd.s32 $0xFFFFFC18  }
0x125: {  	[tilespmem:s0], [sflag:$0x1] =	stream.indirect.gather [hbm4b:s1+s31], $0x80, s23, s31, $0xb8;
	[tilespmem:$0x1DCF0] =	vst v63  }
0x126: {  	_ =	swait.ge [sflag:s30], $0x3E80  }
0x127: {  	[sflag:s30] =	ssyncset.done $0x0  }
0x128: {  	s24 =	sor.u32 $0x880, s16;
	[sflag:s30] =	ssyncadd.s32 $0xFFFFC180  }
0x129: {  	[spmem:s3] =	stream.indirect.scatter.add.f32 [tilespmem:s28], [sflag:$0x4], $0x80, s24, s31, $0xb8;
	[tilespmem:$0x1DCF0] =	vst v63  }
0x12a: {  	_ =	swait.ge [sflag:s26], $0x3E80  }
0x12b: {  	[sflag:s26] =	ssyncset.done $0x0  }
0x12c: {  	[sflag:s26] =	ssyncadd.s32 $0xFFFFC180  }
0x12d: {  	[spmem:s4] =	stream.indirect.scatter.add.f32 [tilespmem:s25], [sflag:$0x4], $0x8, s24, s31, $0xb8;
	[tilespmem:$0x1DCF0] =	vst v63  }
0x12e: {  	_ =	swait.ge [sflag:s26], $0x3E8  }
0x12f: {  	[sflag:s26] =	ssyncset.done $0x0  }
0x130: {  	s17 =	sor.u32 $0x180, s16;
	[sflag:s26] =	ssyncadd.s32 $0xFFFFFC18  }
0x131: {  	[tilespmem:s28], [sflag:$0x2] =	stream.indirect.gather [hbm4b:s1+s31], $0x80, s17, s31, $0xb8;
	[tilespmem:$0x1DCF0] =	vst v63  }
0x132: {  	_ =	swait.ge [sflag:s29], $0x3E80  }
0x133: {  	[sflag:s29] =	ssyncset.done $0x0  }
0x134: {  	s19 =	sor.u32 $0x900, s16;
	[sflag:s29] =	ssyncadd.s32 $0xFFFFC180  }
0x135: {  	[spmem:s3] =	stream.indirect.scatter.add.f32 [tilespmem:s0], [sflag:$0x4], $0x80, s19, s31, $0xb8;
	[tilespmem:$0x1DCF0] =	vst v63  }
0x136: {  	_ =	swait.ge [sflag:s26], $0x3E80  }
0x137: {  	[sflag:s26] =	ssyncset.done $0x0  }
0x138: {  	[sflag:s26] =	ssyncadd.s32 $0xFFFFC180  }
0x139: {  	[spmem:s4] =	stream.indirect.scatter.add.f32 [tilespmem:s25], [sflag:$0x4], $0x8, s19, s31, $0xb8;
	[tilespmem:$0x1DCF0] =	vst v63  }
0x13a: {  	_ =	swait.ge [sflag:s26], $0x3E8  }
0x13b: {  	[sflag:s26] =	ssyncset.done $0x0  }
0x13c: {  	s21 =	sor.u32 $0x200, s16;
	[sflag:s26] =	ssyncadd.s32 $0xFFFFFC18  }
0x13d: {  	[tilespmem:s0], [sflag:$0x1] =	stream.indirect.gather [hbm4b:s1+s31], $0x80, s21, s31, $0xb8;
	[tilespmem:$0x1DCF0] =	vst v63  }
0x13e: {  	_ =	swait.ge [sflag:s30], $0x3E80  }
0x13f: {  	[sflag:s30] =	ssyncset.done $0x0  }
0x140: {  	s22 =	sor.u32 $0x980, s16;
	[sflag:s30] =	ssyncadd.s32 $0xFFFFC180  }
0x141: {  	[spmem:s3] =	stream.indirect.scatter.add.f32 [tilespmem:s28], [sflag:$0x4], $0x80, s22, s31, $0xb8;
	[tilespmem:$0x1DCF0] =	vst v63  }
0x142: {  	_ =	swait.ge [sflag:s26], $0x3E80  }
0x143: {  	[sflag:s26] =	ssyncset.done $0x0  }
0x144: {  	[sflag:s26] =	ssyncadd.s32 $0xFFFFC180  }
0x145: {  	[spmem:s4] =	stream.indirect.scatter.add.f32 [tilespmem:s25], [sflag:$0x4], $0x8, s22, s31, $0xb8;
	[tilespmem:$0x1DCF0] =	vst v63  }
0x146: {  	_ =	swait.ge [sflag:s26], $0x3E8  }
0x147: {  	[sflag:s26] =	ssyncset.done $0x0  }
0x148: {  	s23 =	sor.u32 $0x280, s16;
	[sflag:s26] =	ssyncadd.s32 $0xFFFFFC18  }
0x149: {  	[tilespmem:s28], [sflag:$0x2] =	stream.indirect.gather [hbm4b:s1+s31], $0x80, s23, s31, $0xb8;
	[tilespmem:$0x1DCF0] =	vst v63  }
0x14a: {  	_ =	swait.ge [sflag:s29], $0x3E80  }
0x14b: {  	[sflag:s29] =	ssyncset.done $0x0  }
0x14c: {  	s24 =	sor.u32 $0xA00, s16;
	[sflag:s29] =	ssyncadd.s32 $0xFFFFC180  }
0x14d: {  	[spmem:s3] =	stream.indirect.scatter.add.f32 [tilespmem:s0], [sflag:$0x4], $0x80, s24, s31, $0xb8;
	[tilespmem:$0x1DCF0] =	vst v63  }
0x14e: {  	_ =	swait.ge [sflag:s26], $0x3E80  }
0x14f: {  	[sflag:s26] =	ssyncset.done $0x0  }
0x150: {  	[sflag:s26] =	ssyncadd.s32 $0xFFFFC180  }
0x151: {  	[spmem:s4] =	stream.indirect.scatter.add.f32 [tilespmem:s25], [sflag:$0x4], $0x8, s24, s31, $0xb8;
	[tilespmem:$0x1DCF0] =	vst v63  }
0x152: {  	_ =	swait.ge [sflag:s26], $0x3E8  }
0x153: {  	[sflag:s26] =	ssyncset.done $0x0  }
0x154: {  	s17 =	sor.u32 $0x300, s16;
	[sflag:s26] =	ssyncadd.s32 $0xFFFFFC18  }
0x155: {  	[tilespmem:s0], [sflag:$0x1] =	stream.indirect.gather [hbm4b:s1+s31], $0x80, s17, s31, $0xb8;
	[tilespmem:$0x1DCF0] =	vst v63  }
0x156: {  	_ =	swait.ge [sflag:s30], $0x3E80  }
0x157: {  	[sflag:s30] =	ssyncset.done $0x0  }
0x158: {  	s19 =	sor.u32 $0xA80, s16;
	[sflag:s30] =	ssyncadd.s32 $0xFFFFC180  }
0x159: {  	[spmem:s3] =	stream.indirect.scatter.add.f32 [tilespmem:s28], [sflag:$0x4], $0x80, s19, s31, $0xb8;
	[tilespmem:$0x1DCF0] =	vst v63  }
0x15a: {  	_ =	swait.ge [sflag:s26], $0x3E80  }
0x15b: {  	[sflag:s26] =	ssyncset.done $0x0  }
0x15c: {  	[sflag:s26] =	ssyncadd.s32 $0xFFFFC180  }
0x15d: {  	[spmem:s4] =	stream.indirect.scatter.add.f32 [tilespmem:s25], [sflag:$0x4], $0x8, s19, s31, $0xb8;
	[tilespmem:$0x1DCF0] =	vst v63  }
0x15e: {  	_ =	swait.ge [sflag:s26], $0x3E8  }
0x15f: {  	[sflag:s26] =	ssyncset.done $0x0  }
0x160: {  	s21 =	sor.u32 $0x380, s16;
	[sflag:s26] =	ssyncadd.s32 $0xFFFFFC18  }
0x161: {  	[tilespmem:s28], [sflag:$0x2] =	stream.indirect.gather [hbm4b:s1+s31], $0x80, s21, s31, $0xb8;
	[tilespmem:$0x1DCF0] =	vst v63  }
0x162: {  	_ =	swait.ge [sflag:s29], $0x3E80  }
0x163: {  	[sflag:s29] =	ssyncset.done $0x0  }
0x164: {  	s17 =	sor.u32 $0xB00, s16;
	[sflag:s29] =	ssyncadd.s32 $0xFFFFC180  }
0x165: {  	[spmem:s3] =	stream.indirect.scatter.add.f32 [tilespmem:s0], [sflag:$0x4], $0x80, s17, s31, $0xb8;
	[tilespmem:$0x1DCF0] =	vst v63  }
0x166: {  	_ =	swait.ge [sflag:s26], $0x3E80  }
0x167: {  	[sflag:s26] =	ssyncset.done $0x0  }
0x168: {  	[sflag:s26] =	ssyncadd.s32 $0xFFFFC180  }
0x169: {  	[spmem:s4] =	stream.indirect.scatter.add.f32 [tilespmem:s25], [sflag:$0x4], $0x8, s17, s31, $0xb8;
	[tilespmem:$0x1DCF0] =	vst v63  }
0x16a: {  	_ =	swait.ge [sflag:s26], $0x3E8  }
0x16b: {  	p1 =	seq.s32 s20, $0x2400;
	[sflag:s26] =	ssyncset.done $0x0  }
0x16c: {  	s17 =	simm.s32 @!p1 $0x3;
	[sflag:s26] =	ssyncadd.s32 $0xFFFFFC18  }
0x16d: {  	_ =	swait.ge @!p1 [sflag:s17], $0x400  }
0x16e: {  	[sflag:s17] =	ssyncset.done @!p1 $0x0  }
0x16f: {  	[sflag:s17] =	ssyncadd.s32 @!p1 $0xFFFFFC00  }
0x170: {  	_ =	swait.ge @!p1 [sflag:s17], $0x400  }
0x171: {  	s20 =	simm.s32 @!p1 $0x1000;
	[sflag:s17] =	ssyncset.done @!p1 $0x0  }
0x172: {  	s19 =	ssub.s32 @!p1 $0x400, s16;
	[sflag:s17] =	ssyncadd.s32 @!p1 $0xFFFFFC00;
	s17 =	simm.s32 @!p1 $0x7D  }
0x173: {  	[tilespmem:s20], [sflag:$0x1] =	stream.indirect.gather @!p1 [hbm4b:s1+s17], $0x80, s19, s17, $0xb8;
	[tilespmem:$0x1DCF0] =	vst v63  }
0x174: {  	_ =	swait.ge [sflag:s30], $0x3E80  }
0x175: {  	[sflag:s30] =	ssyncset.done $0x0  }
0x176: {  	s7 =	sor.u32 $0x800, s21;
	[sflag:s30] =	ssyncadd.s32 $0xFFFFC180  }
0x177: {  	[spmem:s3] =	stream.indirect.scatter.add.f32 [tilespmem:s28], [sflag:$0x4], $0x80, s7, s31, $0xb8;
	[tilespmem:$0x1DCF0] =	vst v63  }
0x178: {  	_ =	swait.ge [sflag:s26], $0x3E80  }
0x179: {  	[sflag:s26] =	ssyncset.done $0x0  }
0x17a: {  	[sflag:s26] =	ssyncadd.s32 $0xFFFFC180  }
0x17b: {  	[spmem:s4] =	stream.indirect.scatter.add.f32 [tilespmem:s25], [sflag:$0x4], $0x8, s7, s31, $0xb8;
	[tilespmem:$0x1DCF0] =	vst v63  }
0x17c: {  	_ =	swait.ge [sflag:s26], $0x3E8  }
0x17d: {  	p1 =	sgt.u32 s18, $0x7;
	[sflag:s26] =	ssyncset.done $0x0  }
0x17e: {  	s7 =	simm.s32 @!p1 $0x0;
	[sflag:s26] =	ssyncadd.s32 $0xFFFFFC18  }
0x17f: {  	[tilespmem:s16], [sflag:$0x3] =	stream.linear.gather @!p1 [hbm4b:s14+s7], $0x400, $0x38;
	[tilespmem:$0x1DCF0] =	vst v63  }
0x180: {  	_ = 	snop  }
0x181: {  	[tilespmem:s13], [sflag:$0x3] =	stream.linear.gather @!p1 [hbm4b:s12+s7], $0x400, $0x38;
	[tilespmem:$0x1DCF0] =	vst v63  }
0x182: {  	[bflag:$0x0] =	sbarrier.arrive $0xFFFF  }
0x183: {  	s22 =	rddreg [dreg:$0xe]  }
0x184: {  	[hbm:s22], [sflag:s2] =	dma.local [spmem:s8], $0x2700  }
0x185: {  	_ =	swait.ge [sflag:s26], $0x2700  }
0x186: {  	[sflag:s26] =	ssyncset.done $0x0  }
0x187: {  	s23 =	rddreg [dreg:$0x11];
	[sflag:s26] =	ssyncadd.s32 $0xFFFFD900  }
0x188: {  	[hbm:s23], [sflag:s2] =	dma.local [spmem:s9], $0x270  }
0x189: {  	_ =	swait.ge [sflag:s26], $0x270  }
0x18a: {  	[sflag:s26] =	ssyncset.done $0x0  }
0x18b: {  	s7 =	rddreg [dreg:$0x12];
	[sflag:s26] =	ssyncadd.s32 $0xFFFFFD90  }
0x18c: {  	[hbm:s7], [sflag:s2] =	dma.local @!p0 [spmem:s10], $0x100  }
0x18d: {  	s7 =	simm.s32 @!p0 $0x4  }
0x18e: {  	_ =	swait.ge @!p0 [sflag:s7], $0x100  }
0x18f: {  	[sflag:s7] =	ssyncset.done @!p0 $0x0  }
0x190: {  	s8 =	rddreg [dreg:$0x14];
	[sflag:s7] =	ssyncadd.s32 @!p0 $0xFFFFFF00  }
0x191: {  	[hbm:s8], [sflag:s2] =	dma.local @!p0 [spmem:s11], $0x10  }
0x192: {  	_ =	swait.ge @!p0 [sflag:s7], $0x10  }
0x193: {  	s6 =	sadd.s32 $0x1, s6;
	s24 =	rddreg [dreg:$0x15]  }
0x194: {  	p1 =	sne.s32 s6, s24  }
.Ltmp1:
0x195: {  	_ = 	snop;
	(pc) =	sbr.rel @p1 .LBB2_1-.Ltmp1, $3  }
0x196: {  	_ =	sdelay $0x1  }
0x197: {  	[sflag:s7] =	ssyncset.done @!p0 $0x0  }
0x198: {  	[sflag:s7] =	ssyncadd.s32 @!p0 $0xFFFFFFF0  }
0x199: {  	_ =	sfence.sel $0x180000  }
0x19a: {  	[bflag:$0x0] =	sbarrier.arrive $0xFFFF  }
0x19b: {  	_ =	strace $0x90000047  }
0x19c: {  	s0 =	stileid.u32;
	[bflag:$0x2] =	sbarrier.arrive $0xFFFF  }
0x19d: {  	p0 =	sne.s32 s0, $0x0;
	s0 =	rddreg [dreg:$0x5]  }
0x19e: {  	s0 =	sadd.s32 @!p0 $0x100000, s0  }
0x19f: {  	[sflag:s0] =	ssyncadd.tile.s32 @!p0 $0x1;
	_ =	shalt  }
.Lfunc_end2:
_tile_overlayer_lowered:
.L_overlay_start_2:
0x1a0: {  	(tag) =	ssettag $0x2  }
0x1a1: {  	s0 =	rddreg [dreg:$0x0];
	s2 =	stileid.u32  }
0x1a2: {  	s1 =	rddreg [dreg:$0x1];
	p0 =	sne.s32 s2, $0x0  }
0x1a3: {  	s3 =	rddreg [dreg:$0x2];
	[bflag:$0x3] =	sbarrier.arrive $0xFFFF;
	s2 =	simm.s32 @!p0 $0x1C04  }
0x1a4: {  	[timem:s3], [sflag:s2] =	dma.local @!p0 [hbm:s0], s1  }
0x1a5: {  	s0 =	simm.s32 @!p0 $0x4  }
0x1a6: {  	_ =	swait.ge @!p0 [sflag:s0], s1  }
0x1a7: {  	s1 =	ssub.s32 @!p0 $0x0, s1;
	[sflag:s0] =	ssyncset.done @!p0 $0x0  }
0x1a8: {  	[sflag:s0] =	ssyncadd.s32 @!p0 s1  }
0x1a9: {  	[bflag:$0x3] =	sbarrier.arrive $0xFFFF  }
0x1aa: {  	_ =	shalt  }

</sc_bundles>
